<compile_context>
chip_gen: v7x
topology: tpu7x:2x2x1
jax: 0.10.2.dev20260603
libtpu: 0.0.44.dev20260713+nightly
codegen_flags: <defaults>
</compile_context>

<pallas_src>
import jax
import jax.numpy as jnp
from jax import lax
from jax.experimental import pallas as pl
from jax.experimental.pallas import tpu as pltpu
from jax.experimental.pallas import tpu_sc as plsc

N = 10000
E = 320000
D = 128
DH = D // 2
NC, NS, L = 2, 16, 16
CH = 128
CPT = 158
EPAD = NS * CPT * CH
NPAD = 10112
DUMMY = N
SEG = NPAD // NS
ZPAD = 640

_MESH = plsc.VectorSubcoreMesh(
    core_axis_name="c", subcore_axis_name="s", num_cores=NC, num_subcores=NS)


def _deg_body(dst_hbm, out_hbm, dstv, onesv, zerov, degsh):
    c = lax.axis_index("c")
    s = lax.axis_index("s")
    for g in range(CH // L):
        onesv[pl.ds(g * L, L)] = jnp.ones((L,), jnp.float32)
    for g in range(ZPAD // L):
        zerov[pl.ds(g * L, L)] = jnp.zeros((L,), jnp.float32)
    pltpu.sync_copy(zerov.at[pl.ds(0, SEG)], degsh.at[pl.ds(s * SEG, SEG)])
    plsc.subcore_barrier()
    pltpu.sync_copy(dst_hbm.at[s], dstv)

    def body(j, carry):
        pltpu.sync_copy(onesv, degsh.at[dstv.at[j]], add=True)
        return carry

    lax.fori_loop(c * (CPT // 2), (c + 1) * (CPT // 2), body, 0)

    plsc.subcore_barrier()
    wch = NPAD // NS + 8

    @pl.when(s < NS - 1)
    def _():
        pltpu.sync_copy(degsh.at[pl.ds(s * wch, wch)],
                        out_hbm.at[c, 0, pl.ds(s * wch, wch)])

    @pl.when(s == NS - 1)
    def _():
        last = NPAD - (NS - 1) * wch
        pltpu.sync_copy(degsh.at[pl.ds((NS - 1) * wch, last)],
                        out_hbm.at[c, 0, pl.ds((NS - 1) * wch, last)])


_deg_call = pl.kernel(
    _deg_body,
    out_type=jax.ShapeDtypeStruct((NC, 1, NPAD), jnp.float32),
    mesh=_MESH,
    scratch_types=[
        pltpu.VMEM((CPT, CH), jnp.int32),
        pltpu.VMEM((CH,), jnp.float32),
        pltpu.VMEM((ZPAD,), jnp.float32),
        pltpu.VMEM_SHARED((NPAD,), jnp.float32),
    ],
)


def _agg_body(p0_hbm, p1_hbm, src_hbm, dst_hbm, out_hbm, srcv, dstv, rows_a,
              rows_b, aggsh, gsem_a, gsem_b, ssem):
    c = lax.axis_index("c")
    s = lax.axis_index("s")

    def init(p_hbm):
        pltpu.sync_copy(p_hbm.at[pl.ds(s * SEG, SEG)],
                        aggsh.at[pl.ds(s * SEG, SEG)])

    @pl.when(c == 0)
    def _():
        init(p0_hbm)

    @pl.when(c == 1)
    def _():
        init(p1_hbm)

    plsc.subcore_barrier()
    pltpu.sync_copy(src_hbm.at[s], srcv)
    pltpu.sync_copy(dst_hbm.at[s], dstv)

    def run(p_hbm):
        bufs = ((rows_a, gsem_a), (rows_b, gsem_b))
        nbuf = len(bufs)
        for b, (buf, sem) in enumerate(bufs):
            pltpu.async_copy(p_hbm.at[srcv.at[b]], buf, sem)

        def body(g, carry):
            for b, (buf, sem) in enumerate(bufs):
                j = nbuf * g + b
                pltpu.make_async_copy(p_hbm.at[srcv.at[j]], buf, sem).wait()
                pltpu.async_copy(buf, aggsh.at[dstv.at[j]], ssem,
                                 add=True).wait()
                pltpu.async_copy(p_hbm.at[srcv.at[j + nbuf]], buf, sem)
            return carry

        lax.fori_loop(0, CPT // nbuf - 1, body, 0)
        for b, (buf, sem) in enumerate(bufs):
            j = CPT - nbuf + b
            pltpu.make_async_copy(p_hbm.at[srcv.at[j]], buf, sem).wait()
            pltpu.async_copy(buf, aggsh.at[dstv.at[j]], ssem, add=True).wait()

    @pl.when(c == 0)
    def _():
        run(p0_hbm)

    @pl.when(c == 1)
    def _():
        run(p1_hbm)

    plsc.subcore_barrier()
    pltpu.sync_copy(aggsh.at[pl.ds(s * SEG, SEG)],
                    out_hbm.at[c, pl.ds(s * SEG, SEG)])


_agg_call = pl.kernel(
    _agg_body,
    out_type=jax.ShapeDtypeStruct((NC, NPAD, DH), jnp.float32),
    mesh=_MESH,
    scratch_types=[
        pltpu.VMEM((CPT, CH), jnp.int32),
        pltpu.VMEM((CPT, CH), jnp.int32),
        pltpu.VMEM((CH, DH), jnp.float32),
        pltpu.VMEM((CH, DH), jnp.float32),
        pltpu.VMEM_SHARED((NPAD, DH), jnp.float32),
        pltpu.SemaphoreType.DMA,
        pltpu.SemaphoreType.DMA,
        pltpu.SemaphoreType.DMA,
    ],
    compiler_params=pltpu.CompilerParams(use_tc_tiling_on_sc=False),
)


BR = 632


def _dinv(deg_ref):
    return lax.rsqrt(deg_ref[:, 0:1] + deg_ref[:, 1:2] + 1.0)


def _split(h, out_ref):
    out_ref[0] = h[:, :DH]
    out_ref[1] = h[:, DH:]


def _mm1_body(x_ref, w_ref, deg_ref, out_ref):
    h = jnp.dot(x_ref[...], w_ref[...], preferred_element_type=jnp.float32)
    _split(h * _dinv(deg_ref), out_ref)


def _mid_body(agg_ref, deg_ref, b1_ref, g_ref, bb_ref, w2_ref, out_ref):
    dinv = _dinv(deg_ref)
    a = jnp.concatenate([agg_ref[0], agg_ref[1]], axis=-1)
    y = a * dinv + b1_ref[...]
    mu = jnp.mean(y, axis=-1, keepdims=True)
    var = jnp.mean((y - mu) ** 2, axis=-1, keepdims=True)
    z = (y - mu) * lax.rsqrt(var + 1e-5) * g_ref[...] + bb_ref[...]
    z = jnp.maximum(z, 0.0)
    h = jnp.dot(z, w2_ref[...], preferred_element_type=jnp.float32)
    _split(h * dinv, out_ref)


BRF = 400


def _fin_body(agg_ref, deg_ref, b2_ref, out_ref):
    a = jnp.concatenate([agg_ref[0], agg_ref[1]], axis=-1)
    out_ref[...] = a * _dinv(deg_ref) + b2_ref[...]


_SPLIT_SPEC = pl.BlockSpec((NC, BR, DH), lambda i: (0, i, 0))
_VEC_SPEC = pl.BlockSpec((1, D), lambda i: (0, 0))
_DEG_SPEC = pl.BlockSpec((BR, 2), lambda i: (i, 0))
_W_SPEC = pl.BlockSpec((D, D), lambda i: (0, 0))


def kernel(x, edge_index, W1, b1, W2, b2, ln_g, ln_b):
    src = edge_index[0].astype(jnp.int32)
    dst = edge_index[1].astype(jnp.int32)
    pad_e = EPAD - E
    pad_dst = DUMMY + (jnp.arange(pad_e, dtype=jnp.int32) % (NPAD - N))
    src_p = jnp.concatenate(
        [src, jnp.zeros((pad_e,), jnp.int32)]
    ).reshape(CPT, NS, CH).transpose(1, 0, 2)
    dst_p = jnp.concatenate(
        [dst, pad_dst]).reshape(CPT, NS, CH).transpose(1, 0, 2)
    x_p = jnp.concatenate([x, jnp.zeros((NPAD - N, D), jnp.float32)])
    b1r = b1.reshape(1, D)
    b2r = b2.reshape(1, D)
    gr = ln_g.reshape(1, D)
    bbr = ln_b.reshape(1, D)

    deg_pair = _deg_call(dst_p).reshape(NC, NPAD)
    deg_t = deg_pair.T

    p1 = pl.pallas_call(
        _mm1_body,
        grid=(NPAD // BR,),
        in_specs=[
            pl.BlockSpec((BR, D), lambda i: (i, 0)),
            _W_SPEC,
            _DEG_SPEC,
        ],
        out_specs=_SPLIT_SPEC,
        out_shape=jax.ShapeDtypeStruct((NC, NPAD, DH), jnp.float32),
    )(x_p, W1, deg_t)

    agg1 = _agg_call(p1[0], p1[1], src_p, dst_p)

    p2 = pl.pallas_call(
        _mid_body,
        grid=(NPAD // BR,),
        in_specs=[
            _SPLIT_SPEC,
            _DEG_SPEC,
            _VEC_SPEC,
            _VEC_SPEC,
            _VEC_SPEC,
            _W_SPEC,
        ],
        out_specs=_SPLIT_SPEC,
        out_shape=jax.ShapeDtypeStruct((NC, NPAD, DH), jnp.float32),
    )(agg1, deg_t, b1r, gr, bbr, W2)

    agg2 = _agg_call(p2[0], p2[1], src_p, dst_p)

    out = pl.pallas_call(
        _fin_body,
        grid=(N // BRF,),
        in_specs=[
            pl.BlockSpec((NC, BRF, DH), lambda i: (0, i, 0)),
            pl.BlockSpec((BRF, 2), lambda i: (i, 0)),
            _VEC_SPEC,
        ],
        out_specs=pl.BlockSpec((BRF, D), lambda i: (i, 0)),
        out_shape=jax.ShapeDtypeStruct((N, D), jnp.float32),
    )(agg2, deg_t, b2r)

    return out

# --- scband reference (transcript-rebuilt; emitter-appended) ---
"""Pipeline reference for scband-gcn-70188355551853 (READ-ONLY COPY).

The authoritative reference and input builder live on the scoring server;
editing this copy changes nothing except your own understanding.
"""

import jax, jax.numpy as jnp
import numpy as np

N_NODES = 10000
N_EDGES = 320000
D = 128


def setup_inputs(seed: int = 0) -> dict:
    key = jax.random.key(seed)
    k1, k2, k3, k4, k5, k6 = jax.random.split(key, 6)
    x = jax.random.normal(k1, (N_NODES, D), dtype=jnp.float32)
    edge_index = jax.random.randint(k2, (2, N_EDGES), 0, N_NODES, dtype=jnp.int64)
    # GCNConv weights (glorot-ish init) and biases
    W1 = jax.random.normal(k3, (D, D), dtype=jnp.float32) * (1.0 / np.sqrt(D))
    b1 = jnp.zeros((D,), dtype=jnp.float32)
    W2 = jax.random.normal(k4, (D, D), dtype=jnp.float32) * (1.0 / np.sqrt(D))
    b2 = jnp.zeros((D,), dtype=jnp.float32)
    # LayerNorm params (one norm layer for n_layer=2)
    ln_g = jnp.ones((D,), dtype=jnp.float32)
    ln_b = jnp.zeros((D,), dtype=jnp.float32)
    return {"x": x, "edge_index": edge_index, "W1": W1, "b1": b1, "W2": W2, "b2": b2, "ln_g": ln_g, "ln_b": ln_b}


def _gcn_conv(x, edge_index, W, b):
    num_nodes = x.shape[0]
    src = edge_index[0]
    dst = edge_index[1]
    # add self-loops (PyG GCNConv default)
    loop = jnp.arange(num_nodes, dtype=src.dtype)
    src = jnp.concatenate([src, loop])
    dst = jnp.concatenate([dst, loop])
    deg = jax.ops.segment_sum(jnp.ones_like(dst, dtype=x.dtype), dst, num_segments=num_nodes)
    dinv = jnp.where(deg > 0, 1.0 / jnp.sqrt(deg), 0.0)
    norm = dinv[src] * dinv[dst]
    h = x @ W
    msg = h[src] * norm[:, None]
    out = jax.ops.segment_sum(msg, dst, num_segments=num_nodes)
    return out + b


def _layer_norm(h, g, b, eps=1e-5):
    mu = jnp.mean(h, axis=-1, keepdims=True)
    var = jnp.mean((h - mu) ** 2, axis=-1, keepdims=True)
    return (h - mu) * jax.lax.rsqrt(var + eps) * g + b


def reference(x, edge_index, W1, b1, W2, b2, ln_g, ln_b):
    hidden = _gcn_conv(x, edge_index, W1, b1)
    hidden = _layer_norm(hidden, ln_g, ln_b)
    hidden = jax.nn.relu(hidden)
    # dropout p=0.0 (eval) -> identity
    hidden = _gcn_conv(hidden, edge_index, W2, b2)
    return hidden

if __name__ == "__main__":
    import jax
    _d = setup_inputs()
    print(jax.jit(kernel)(*tuple(_d.values())))

</pallas_src>

<mosaic_0001>
#map = affine_map<(d0, d1) -> (0, 0)>
#map1 = affine_map<(d0, d1) -> (0, 0, 0)>
module attributes {stable_mosaic.version = 14 : i64} {
  func.func @_agg_body(%arg0: i32, %arg1: i32, %arg2: memref<10112x64xf32, #tpu.memory_space<hbm>>, %arg3: memref<10112x64xf32, #tpu.memory_space<hbm>>, %arg4: memref<16x158x128xi32, #tpu.memory_space<hbm>>, %arg5: memref<16x158x128xi32, #tpu.memory_space<hbm>>, %arg6: memref<2x10112x64xf32, #tpu.memory_space<hbm>>, %arg7: memref<158x128xi32, #tpu.memory_space<vmem>>, %arg8: memref<158x128xi32, #tpu.memory_space<vmem>>, %arg9: memref<128x64xf32, #tpu.memory_space<vmem>>, %arg10: memref<128x64xf32, #tpu.memory_space<vmem>>, %arg11: memref<10112x64xf32, #tpu.memory_space<vmem_shared>>, %arg12: memref<!tpu.dma_semaphore, #tpu.memory_space<semaphore_mem>>, %arg13: memref<!tpu.dma_semaphore, #tpu.memory_space<semaphore_mem>>, %arg14: memref<!tpu.dma_semaphore, #tpu.memory_space<semaphore_mem>>) attributes {dimension_semantics = [#tpu.dimension_semantics<core_parallel>, #tpu.dimension_semantics<subcore_parallel>], iteration_bounds = array<i64: 2, 16>, scalar_prefetch = 0 : i64, scratch_operands = 8 : i64, tpu.core_type = #tpu.core_type<sc_vector_subcore>, window_params = [{transform_indices = #map}, {transform_indices = #map}, {transform_indices = #map1}, {transform_indices = #map1}, {transform_indices = #map1}]} {
    %eq3A = arith.constant 0 : i32
    %eq3A_0 = arith.cmpi eq, %arg0, %eq3A : i32
    %convert_element_type3A = arith.extui %eq3A_0 : i1 to i32
    %cond3A = arith.constant 0 : i32
    %cond3A_1 = arith.cmpi ne, %convert_element_type3A, %cond3A : i32
    scf.if %cond3A_1 {
      %mul3A_21 = arith.constant 632 : i32
      %mul3A_22 = arith.muli %arg1, %mul3A_21 : i32
      %mul3A_23 = arith.constant 632 : i32
      %mul3A_24 = arith.muli %arg1, %mul3A_23 : i32
      "tpu.region"() ({
        %run_scoped3A = tpu.sem_alloc : memref<!tpu.dma_semaphore, #tpu.memory_space<semaphore_mem>>
        %dma_start3A = arith.constant 0 : i32
        %dma_start3A_25 = tpu.memref_slice %arg11[%mul3A_24, %dma_start3A] : memref<10112x64xf32, #tpu.memory_space<vmem_shared>> -> memref<632x64xf32, #tpu.memory_space<vmem_shared>>
        %dma_start3A_26 = arith.constant 0 : i32
        %dma_start3A_27 = tpu.memref_slice %arg2[%mul3A_22, %dma_start3A_26] : memref<10112x64xf32, #tpu.memory_space<hbm>> -> memref<632x64xf32, #tpu.memory_space<hbm>>
        tpu.enqueue_dma source(%dma_start3A_27 : memref<632x64xf32, #tpu.memory_space<hbm>>) target(%dma_start3A_25 : memref<632x64xf32, #tpu.memory_space<vmem_shared>>) target_semaphore(%run_scoped3A : memref<!tpu.dma_semaphore, #tpu.memory_space<semaphore_mem>>)
        %dma_wait3A = arith.constant 0 : i32
        %dma_wait3A_28 = tpu.memref_slice %arg11[%mul3A_24, %dma_wait3A] : memref<10112x64xf32, #tpu.memory_space<vmem_shared>> -> memref<632x64xf32, #tpu.memory_space<vmem_shared>>
        %dma_wait3A_29 = arith.constant 0 : i32
        %dma_wait3A_30 = tpu.memref_slice %arg2[%mul3A_22, %dma_wait3A_29] : memref<10112x64xf32, #tpu.memory_space<hbm>> -> memref<632x64xf32, #tpu.memory_space<hbm>>
        tpu.wait_dma2 semaphore(%run_scoped3A : memref<!tpu.dma_semaphore, #tpu.memory_space<semaphore_mem>>) src(%dma_wait3A_30 : memref<632x64xf32, #tpu.memory_space<hbm>>) dst(%dma_wait3A_28 : memref<632x64xf32, #tpu.memory_space<vmem_shared>>)
        tpu.yield
      }) : () -> ()
    } else {
    }
    %eq3A_2 = arith.constant 1 : i32
    %eq3A_3 = arith.cmpi eq, %arg0, %eq3A_2 : i32
    %convert_element_type3A_4 = arith.extui %eq3A_3 : i1 to i32
    %cond3A_5 = arith.constant 0 : i32
    %cond3A_6 = arith.cmpi ne, %convert_element_type3A_4, %cond3A_5 : i32
    scf.if %cond3A_6 {
      %mul3A_21 = arith.constant 632 : i32
      %mul3A_22 = arith.muli %arg1, %mul3A_21 : i32
      %mul3A_23 = arith.constant 632 : i32
      %mul3A_24 = arith.muli %arg1, %mul3A_23 : i32
      "tpu.region"() ({
        %run_scoped3A = tpu.sem_alloc : memref<!tpu.dma_semaphore, #tpu.memory_space<semaphore_mem>>
        %dma_start3A = arith.constant 0 : i32
        %dma_start3A_25 = tpu.memref_slice %arg11[%mul3A_24, %dma_start3A] : memref<10112x64xf32, #tpu.memory_space<vmem_shared>> -> memref<632x64xf32, #tpu.memory_space<vmem_shared>>
        %dma_start3A_26 = arith.constant 0 : i32
        %dma_start3A_27 = tpu.memref_slice %arg3[%mul3A_22, %dma_start3A_26] : memref<10112x64xf32, #tpu.memory_space<hbm>> -> memref<632x64xf32, #tpu.memory_space<hbm>>
        tpu.enqueue_dma source(%dma_start3A_27 : memref<632x64xf32, #tpu.memory_space<hbm>>) target(%dma_start3A_25 : memref<632x64xf32, #tpu.memory_space<vmem_shared>>) target_semaphore(%run_scoped3A : memref<!tpu.dma_semaphore, #tpu.memory_space<semaphore_mem>>)
        %dma_wait3A = arith.constant 0 : i32
        %dma_wait3A_28 = tpu.memref_slice %arg11[%mul3A_24, %dma_wait3A] : memref<10112x64xf32, #tpu.memory_space<vmem_shared>> -> memref<632x64xf32, #tpu.memory_space<vmem_shared>>
        %dma_wait3A_29 = arith.constant 0 : i32
        %dma_wait3A_30 = tpu.memref_slice %arg3[%mul3A_22, %dma_wait3A_29] : memref<10112x64xf32, #tpu.memory_space<hbm>> -> memref<632x64xf32, #tpu.memory_space<hbm>>
        tpu.wait_dma2 semaphore(%run_scoped3A : memref<!tpu.dma_semaphore, #tpu.memory_space<semaphore_mem>>) src(%dma_wait3A_30 : memref<632x64xf32, #tpu.memory_space<hbm>>) dst(%dma_wait3A_28 : memref<632x64xf32, #tpu.memory_space<vmem_shared>>)
        tpu.yield
      }) : () -> ()
    } else {
    }
    %barrier3A = arith.constant 0 : index
    tpu.barrier barrier_id(%barrier3A)
    "tpu.region"() ({
      %run_scoped3A = tpu.sem_alloc : memref<!tpu.dma_semaphore, #tpu.memory_space<semaphore_mem>>
      %dma_start3A = arith.constant 0 : i32
      %dma_start3A_21 = arith.constant 0 : i32
      %dma_start3A_22 = tpu.memref_slice %arg4[%arg1, %dma_start3A, %dma_start3A_21] : memref<16x158x128xi32, #tpu.memory_space<hbm>> -> memref<1x158x128xi32, #tpu.memory_space<hbm>>
      %dma_start3A_23 = tpu.memref_squeeze %dma_start3A_22 : memref<1x158x128xi32, #tpu.memory_space<hbm>> -> memref<158x128xi32, #tpu.memory_space<hbm>>
      %dma_start3A_24 = arith.constant 0 : i32
      %dma_start3A_25 = arith.constant 0 : i32
      %dma_start3A_26 = tpu.memref_slice %arg4[%arg1, %dma_start3A_24, %dma_start3A_25] : memref<16x158x128xi32, #tpu.memory_space<hbm>> -> memref<1x158x128xi32, #tpu.memory_space<hbm>>
      %dma_start3A_27 = tpu.memref_squeeze %dma_start3A_26 : memref<1x158x128xi32, #tpu.memory_space<hbm>> -> memref<158x128xi32, #tpu.memory_space<hbm>>
      tpu.enqueue_dma source(%dma_start3A_27 : memref<158x128xi32, #tpu.memory_space<hbm>>) target(%arg7 : memref<158x128xi32, #tpu.memory_space<vmem>>) target_semaphore(%run_scoped3A : memref<!tpu.dma_semaphore, #tpu.memory_space<semaphore_mem>>)
      %dma_wait3A = arith.constant 0 : i32
      %dma_wait3A_28 = arith.constant 0 : i32
      %dma_wait3A_29 = tpu.memref_slice %arg4[%arg1, %dma_wait3A, %dma_wait3A_28] : memref<16x158x128xi32, #tpu.memory_space<hbm>> -> memref<1x158x128xi32, #tpu.memory_space<hbm>>
      %dma_wait3A_30 = tpu.memref_squeeze %dma_wait3A_29 : memref<1x158x128xi32, #tpu.memory_space<hbm>> -> memref<158x128xi32, #tpu.memory_space<hbm>>
      %dma_wait3A_31 = arith.constant 0 : i32
      %dma_wait3A_32 = arith.constant 0 : i32
      %dma_wait3A_33 = tpu.memref_slice %arg4[%arg1, %dma_wait3A_31, %dma_wait3A_32] : memref<16x158x128xi32, #tpu.memory_space<hbm>> -> memref<1x158x128xi32, #tpu.memory_space<hbm>>
      %dma_wait3A_34 = tpu.memref_squeeze %dma_wait3A_33 : memref<1x158x128xi32, #tpu.memory_space<hbm>> -> memref<158x128xi32, #tpu.memory_space<hbm>>
      tpu.wait_dma2 semaphore(%run_scoped3A : memref<!tpu.dma_semaphore, #tpu.memory_space<semaphore_mem>>) src(%dma_wait3A_34 : memref<158x128xi32, #tpu.memory_space<hbm>>) dst(%arg7 : memref<158x128xi32, #tpu.memory_space<vmem>>)
      tpu.yield
    }) : () -> ()
    "tpu.region"() ({
      %run_scoped3A = tpu.sem_alloc : memref<!tpu.dma_semaphore, #tpu.memory_space<semaphore_mem>>
      %dma_start3A = arith.constant 0 : i32
      %dma_start3A_21 = arith.constant 0 : i32
      %dma_start3A_22 = tpu.memref_slice %arg5[%arg1, %dma_start3A, %dma_start3A_21] : memref<16x158x128xi32, #tpu.memory_space<hbm>> -> memref<1x158x128xi32, #tpu.memory_space<hbm>>
      %dma_start3A_23 = tpu.memref_squeeze %dma_start3A_22 : memref<1x158x128xi32, #tpu.memory_space<hbm>> -> memref<158x128xi32, #tpu.memory_space<hbm>>
      %dma_start3A_24 = arith.constant 0 : i32
      %dma_start3A_25 = arith.constant 0 : i32
      %dma_start3A_26 = tpu.memref_slice %arg5[%arg1, %dma_start3A_24, %dma_start3A_25] : memref<16x158x128xi32, #tpu.memory_space<hbm>> -> memref<1x158x128xi32, #tpu.memory_space<hbm>>
      %dma_start3A_27 = tpu.memref_squeeze %dma_start3A_26 : memref<1x158x128xi32, #tpu.memory_space<hbm>> -> memref<158x128xi32, #tpu.memory_space<hbm>>
      tpu.enqueue_dma source(%dma_start3A_27 : memref<158x128xi32, #tpu.memory_space<hbm>>) target(%arg8 : memref<158x128xi32, #tpu.memory_space<vmem>>) target_semaphore(%run_scoped3A : memref<!tpu.dma_semaphore, #tpu.memory_space<semaphore_mem>>)
      %dma_wait3A = arith.constant 0 : i32
      %dma_wait3A_28 = arith.constant 0 : i32
      %dma_wait3A_29 = tpu.memref_slice %arg5[%arg1, %dma_wait3A, %dma_wait3A_28] : memref<16x158x128xi32, #tpu.memory_space<hbm>> -> memref<1x158x128xi32, #tpu.memory_space<hbm>>
      %dma_wait3A_30 = tpu.memref_squeeze %dma_wait3A_29 : memref<1x158x128xi32, #tpu.memory_space<hbm>> -> memref<158x128xi32, #tpu.memory_space<hbm>>
      %dma_wait3A_31 = arith.constant 0 : i32
      %dma_wait3A_32 = arith.constant 0 : i32
      %dma_wait3A_33 = tpu.memref_slice %arg5[%arg1, %dma_wait3A_31, %dma_wait3A_32] : memref<16x158x128xi32, #tpu.memory_space<hbm>> -> memref<1x158x128xi32, #tpu.memory_space<hbm>>
      %dma_wait3A_34 = tpu.memref_squeeze %dma_wait3A_33 : memref<1x158x128xi32, #tpu.memory_space<hbm>> -> memref<158x128xi32, #tpu.memory_space<hbm>>
      tpu.wait_dma2 semaphore(%run_scoped3A : memref<!tpu.dma_semaphore, #tpu.memory_space<semaphore_mem>>) src(%dma_wait3A_34 : memref<158x128xi32, #tpu.memory_space<hbm>>) dst(%arg8 : memref<158x128xi32, #tpu.memory_space<vmem>>)
      tpu.yield
    }) : () -> ()
    %eq3A_7 = arith.constant 0 : i32
    %eq3A_8 = arith.cmpi eq, %arg0, %eq3A_7 : i32
    %convert_element_type3A_9 = arith.extui %eq3A_8 : i1 to i32
    %cond3A_10 = arith.constant 0 : i32
    %cond3A_11 = arith.cmpi ne, %convert_element_type3A_9, %cond3A_10 : i32
    scf.if %cond3A_11 {
      %dma_start3A = arith.constant 0 : i32
      %dma_start3A_21 = arith.constant 0 : i32
      %dma_start3A_22 = tpu.memref_slice %arg7[%dma_start3A, %dma_start3A_21] : memref<158x128xi32, #tpu.memory_space<vmem>> -> memref<1x128xi32, #tpu.memory_space<vmem>>
      %dma_start3A_23 = tpu.memref_squeeze %dma_start3A_22 : memref<1x128xi32, #tpu.memory_space<vmem>> -> memref<128xi32, #tpu.memory_space<vmem>>
      %dma_start3A_24 = arith.constant 0 : i32
      %dma_start3A_25 = arith.constant 0 : i32
      %dma_start3A_26 = tpu.memref_slice %arg2[%dma_start3A_24, %dma_start3A_25] : memref<10112x64xf32, #tpu.memory_space<hbm>> -> memref<10112x64xf32, #tpu.memory_space<hbm>>
      tpu.enqueue_indirect_dma source(%dma_start3A_26 : memref<10112x64xf32, #tpu.memory_space<hbm>>) target(%arg9 : memref<128x64xf32, #tpu.memory_space<vmem>>) offsets(%dma_start3A_23 : memref<128xi32, #tpu.memory_space<vmem>>) semaphore(%arg12 : memref<!tpu.dma_semaphore, #tpu.memory_space<semaphore_mem>>)
      %dma_start3A_27 = arith.constant 1 : i32
      %dma_start3A_28 = arith.constant 0 : i32
      %dma_start3A_29 = tpu.memref_slice %arg7[%dma_start3A_27, %dma_start3A_28] : memref<158x128xi32, #tpu.memory_space<vmem>> -> memref<1x128xi32, #tpu.memory_space<vmem>>
      %dma_start3A_30 = tpu.memref_squeeze %dma_start3A_29 : memref<1x128xi32, #tpu.memory_space<vmem>> -> memref<128xi32, #tpu.memory_space<vmem>>
      %dma_start3A_31 = arith.constant 0 : i32
      %dma_start3A_32 = arith.constant 0 : i32
      %dma_start3A_33 = tpu.memref_slice %arg2[%dma_start3A_31, %dma_start3A_32] : memref<10112x64xf32, #tpu.memory_space<hbm>> -> memref<10112x64xf32, #tpu.memory_space<hbm>>
      tpu.enqueue_indirect_dma source(%dma_start3A_33 : memref<10112x64xf32, #tpu.memory_space<hbm>>) target(%arg10 : memref<128x64xf32, #tpu.memory_space<vmem>>) offsets(%dma_start3A_30 : memref<128xi32, #tpu.memory_space<vmem>>) semaphore(%arg13 : memref<!tpu.dma_semaphore, #tpu.memory_space<semaphore_mem>>)
      %scan3A = arith.constant 0 : i32
      %scan3A_34 = arith.constant 0 : i32
      %scan3A_35 = arith.constant 78 : i32
      %scan3A_36 = arith.addi %scan3A_34, %scan3A_35 : i32
      %scan3A_37 = arith.constant 1 : i32
      scf.for %scan3A_80 = %scan3A_34 to %scan3A_36 step %scan3A_37  : i32 {
        %mul3A_81 = arith.constant 2 : i32
        %mul3A_82 = arith.muli %mul3A_81, %scan3A_80 : i32
        %add3A = arith.constant 0 : i32
        %add3A_83 = arith.addi %mul3A_82, %add3A : i32
        %dma_wait3A_84 = arith.constant 0 : i32
        %dma_wait3A_85 = tpu.memref_slice %arg7[%add3A_83, %dma_wait3A_84] : memref<158x128xi32, #tpu.memory_space<vmem>> -> memref<1x128xi32, #tpu.memory_space<vmem>>
        %dma_wait3A_86 = tpu.memref_squeeze %dma_wait3A_85 : memref<1x128xi32, #tpu.memory_space<vmem>> -> memref<128xi32, #tpu.memory_space<vmem>>
        %dma_wait3A_87 = arith.constant 0 : i32
        %dma_wait3A_88 = arith.constant 0 : i32
        %dma_wait3A_89 = tpu.memref_slice %arg2[%dma_wait3A_87, %dma_wait3A_88] : memref<10112x64xf32, #tpu.memory_space<hbm>> -> memref<10112x64xf32, #tpu.memory_space<hbm>>
        tpu.wait_indirect_dma semaphore(%arg12 : memref<!tpu.dma_semaphore, #tpu.memory_space<semaphore_mem>>) src(%dma_wait3A_89 : memref<10112x64xf32, #tpu.memory_space<hbm>>) dst(%arg9 : memref<128x64xf32, #tpu.memory_space<vmem>>)
        %dma_start3A_90 = arith.constant 0 : i32
        %dma_start3A_91 = tpu.memref_slice %arg8[%add3A_83, %dma_start3A_90] : memref<158x128xi32, #tpu.memory_space<vmem>> -> memref<1x128xi32, #tpu.memory_space<vmem>>
        %dma_start3A_92 = tpu.memref_squeeze %dma_start3A_91 : memref<1x128xi32, #tpu.memory_space<vmem>> -> memref<128xi32, #tpu.memory_space<vmem>>
        %dma_start3A_93 = arith.constant 0 : i32
        %dma_start3A_94 = arith.constant 0 : i32
        %dma_start3A_95 = tpu.memref_slice %arg11[%dma_start3A_93, %dma_start3A_94] : memref<10112x64xf32, #tpu.memory_space<vmem_shared>> -> memref<10112x64xf32, #tpu.memory_space<vmem_shared>>
        tpu.enqueue_indirect_dma source(%arg9 : memref<128x64xf32, #tpu.memory_space<vmem>>) target(%dma_start3A_95 : memref<10112x64xf32, #tpu.memory_space<vmem_shared>>) offsets(%dma_start3A_92 : memref<128xi32, #tpu.memory_space<vmem>>) semaphore(%arg14 : memref<!tpu.dma_semaphore, #tpu.memory_space<semaphore_mem>>) {add = true}
        %dma_wait3A_96 = arith.constant 0 : i32
        %dma_wait3A_97 = tpu.memref_slice %arg8[%add3A_83, %dma_wait3A_96] : memref<158x128xi32, #tpu.memory_space<vmem>> -> memref<1x128xi32, #tpu.memory_space<vmem>>
        %dma_wait3A_98 = tpu.memref_squeeze %dma_wait3A_97 : memref<1x128xi32, #tpu.memory_space<vmem>> -> memref<128xi32, #tpu.memory_space<vmem>>
        %dma_wait3A_99 = arith.constant 0 : i32
        %dma_wait3A_100 = arith.constant 0 : i32
        %dma_wait3A_101 = tpu.memref_slice %arg11[%dma_wait3A_99, %dma_wait3A_100] : memref<10112x64xf32, #tpu.memory_space<vmem_shared>> -> memref<10112x64xf32, #tpu.memory_space<vmem_shared>>
        tpu.wait_indirect_dma semaphore(%arg14 : memref<!tpu.dma_semaphore, #tpu.memory_space<semaphore_mem>>) src(%arg9 : memref<128x64xf32, #tpu.memory_space<vmem>>) dst(%dma_wait3A_101 : memref<10112x64xf32, #tpu.memory_space<vmem_shared>>)
        %add3A_102 = arith.constant 2 : i32
        %add3A_103 = arith.addi %add3A_83, %add3A_102 : i32
        %dma_start3A_104 = arith.constant 0 : i32
        %dma_start3A_105 = tpu.memref_slice %arg7[%add3A_103, %dma_start3A_104] : memref<158x128xi32, #tpu.memory_space<vmem>> -> memref<1x128xi32, #tpu.memory_space<vmem>>
        %dma_start3A_106 = tpu.memref_squeeze %dma_start3A_105 : memref<1x128xi32, #tpu.memory_space<vmem>> -> memref<128xi32, #tpu.memory_space<vmem>>
        %dma_start3A_107 = arith.constant 0 : i32
        %dma_start3A_108 = arith.constant 0 : i32
        %dma_start3A_109 = tpu.memref_slice %arg2[%dma_start3A_107, %dma_start3A_108] : memref<10112x64xf32, #tpu.memory_space<hbm>> -> memref<10112x64xf32, #tpu.memory_space<hbm>>
        tpu.enqueue_indirect_dma source(%dma_start3A_109 : memref<10112x64xf32, #tpu.memory_space<hbm>>) target(%arg9 : memref<128x64xf32, #tpu.memory_space<vmem>>) offsets(%dma_start3A_106 : memref<128xi32, #tpu.memory_space<vmem>>) semaphore(%arg12 : memref<!tpu.dma_semaphore, #tpu.memory_space<semaphore_mem>>)
        %mul3A_110 = arith.constant 2 : i32
        %mul3A_111 = arith.muli %mul3A_110, %scan3A_80 : i32
        %add3A_112 = arith.constant 1 : i32
        %add3A_113 = arith.addi %mul3A_111, %add3A_112 : i32
        %dma_wait3A_114 = arith.constant 0 : i32
        %dma_wait3A_115 = tpu.memref_slice %arg7[%add3A_113, %dma_wait3A_114] : memref<158x128xi32, #tpu.memory_space<vmem>> -> memref<1x128xi32, #tpu.memory_space<vmem>>
        %dma_wait3A_116 = tpu.memref_squeeze %dma_wait3A_115 : memref<1x128xi32, #tpu.memory_space<vmem>> -> memref<128xi32, #tpu.memory_space<vmem>>
        %dma_wait3A_117 = arith.constant 0 : i32
        %dma_wait3A_118 = arith.constant 0 : i32
        %dma_wait3A_119 = tpu.memref_slice %arg2[%dma_wait3A_117, %dma_wait3A_118] : memref<10112x64xf32, #tpu.memory_space<hbm>> -> memref<10112x64xf32, #tpu.memory_space<hbm>>
        tpu.wait_indirect_dma semaphore(%arg13 : memref<!tpu.dma_semaphore, #tpu.memory_space<semaphore_mem>>) src(%dma_wait3A_119 : memref<10112x64xf32, #tpu.memory_space<hbm>>) dst(%arg10 : memref<128x64xf32, #tpu.memory_space<vmem>>)
        %dma_start3A_120 = arith.constant 0 : i32
        %dma_start3A_121 = tpu.memref_slice %arg8[%add3A_113, %dma_start3A_120] : memref<158x128xi32, #tpu.memory_space<vmem>> -> memref<1x128xi32, #tpu.memory_space<vmem>>
        %dma_start3A_122 = tpu.memref_squeeze %dma_start3A_121 : memref<1x128xi32, #tpu.memory_space<vmem>> -> memref<128xi32, #tpu.memory_space<vmem>>
        %dma_start3A_123 = arith.constant 0 : i32
        %dma_start3A_124 = arith.constant 0 : i32
        %dma_start3A_125 = tpu.memref_slice %arg11[%dma_start3A_123, %dma_start3A_124] : memref<10112x64xf32, #tpu.memory_space<vmem_shared>> -> memref<10112x64xf32, #tpu.memory_space<vmem_shared>>
        tpu.enqueue_indirect_dma source(%arg10 : memref<128x64xf32, #tpu.memory_space<vmem>>) target(%dma_start3A_125 : memref<10112x64xf32, #tpu.memory_space<vmem_shared>>) offsets(%dma_start3A_122 : memref<128xi32, #tpu.memory_space<vmem>>) semaphore(%arg14 : memref<!tpu.dma_semaphore, #tpu.memory_space<semaphore_mem>>) {add = true}
        %dma_wait3A_126 = arith.constant 0 : i32
        %dma_wait3A_127 = tpu.memref_slice %arg8[%add3A_113, %dma_wait3A_126] : memref<158x128xi32, #tpu.memory_space<vmem>> -> memref<1x128xi32, #tpu.memory_space<vmem>>
        %dma_wait3A_128 = tpu.memref_squeeze %dma_wait3A_127 : memref<1x128xi32, #tpu.memory_space<vmem>> -> memref<128xi32, #tpu.memory_space<vmem>>
        %dma_wait3A_129 = arith.constant 0 : i32
        %dma_wait3A_130 = arith.constant 0 : i32
        %dma_wait3A_131 = tpu.memref_slice %arg11[%dma_wait3A_129, %dma_wait3A_130] : memref<10112x64xf32, #tpu.memory_space<vmem_shared>> -> memref<10112x64xf32, #tpu.memory_space<vmem_shared>>
        tpu.wait_indirect_dma semaphore(%arg14 : memref<!tpu.dma_semaphore, #tpu.memory_space<semaphore_mem>>) src(%arg10 : memref<128x64xf32, #tpu.memory_space<vmem>>) dst(%dma_wait3A_131 : memref<10112x64xf32, #tpu.memory_space<vmem_shared>>)
        %add3A_132 = arith.constant 2 : i32
        %add3A_133 = arith.addi %add3A_113, %add3A_132 : i32
        %dma_start3A_134 = arith.constant 0 : i32
        %dma_start3A_135 = tpu.memref_slice %arg7[%add3A_133, %dma_start3A_134] : memref<158x128xi32, #tpu.memory_space<vmem>> -> memref<1x128xi32, #tpu.memory_space<vmem>>
        %dma_start3A_136 = tpu.memref_squeeze %dma_start3A_135 : memref<1x128xi32, #tpu.memory_space<vmem>> -> memref<128xi32, #tpu.memory_space<vmem>>
        %dma_start3A_137 = arith.constant 0 : i32
        %dma_start3A_138 = arith.constant 0 : i32
        %dma_start3A_139 = tpu.memref_slice %arg2[%dma_start3A_137, %dma_start3A_138] : memref<10112x64xf32, #tpu.memory_space<hbm>> -> memref<10112x64xf32, #tpu.memory_space<hbm>>
        tpu.enqueue_indirect_dma source(%dma_start3A_139 : memref<10112x64xf32, #tpu.memory_space<hbm>>) target(%arg10 : memref<128x64xf32, #tpu.memory_space<vmem>>) offsets(%dma_start3A_136 : memref<128xi32, #tpu.memory_space<vmem>>) semaphore(%arg13 : memref<!tpu.dma_semaphore, #tpu.memory_space<semaphore_mem>>)
      }
      %scan3A_38 = arith.constant 78 : i32
      %dma_wait3A = arith.constant 156 : i32
      %dma_wait3A_39 = arith.constant 0 : i32
      %dma_wait3A_40 = tpu.memref_slice %arg7[%dma_wait3A, %dma_wait3A_39] : memref<158x128xi32, #tpu.memory_space<vmem>> -> memref<1x128xi32, #tpu.memory_space<vmem>>
      %dma_wait3A_41 = tpu.memref_squeeze %dma_wait3A_40 : memref<1x128xi32, #tpu.memory_space<vmem>> -> memref<128xi32, #tpu.memory_space<vmem>>
      %dma_wait3A_42 = arith.constant 0 : i32
      %dma_wait3A_43 = arith.constant 0 : i32
      %dma_wait3A_44 = tpu.memref_slice %arg2[%dma_wait3A_42, %dma_wait3A_43] : memref<10112x64xf32, #tpu.memory_space<hbm>> -> memref<10112x64xf32, #tpu.memory_space<hbm>>
      tpu.wait_indirect_dma semaphore(%arg12 : memref<!tpu.dma_semaphore, #tpu.memory_space<semaphore_mem>>) src(%dma_wait3A_44 : memref<10112x64xf32, #tpu.memory_space<hbm>>) dst(%arg9 : memref<128x64xf32, #tpu.memory_space<vmem>>)
      %dma_start3A_45 = arith.constant 156 : i32
      %dma_start3A_46 = arith.constant 0 : i32
      %dma_start3A_47 = tpu.memref_slice %arg8[%dma_start3A_45, %dma_start3A_46] : memref<158x128xi32, #tpu.memory_space<vmem>> -> memref<1x128xi32, #tpu.memory_space<vmem>>
      %dma_start3A_48 = tpu.memref_squeeze %dma_start3A_47 : memref<1x128xi32, #tpu.memory_space<vmem>> -> memref<128xi32, #tpu.memory_space<vmem>>
      %dma_start3A_49 = arith.constant 0 : i32
      %dma_start3A_50 = arith.constant 0 : i32
      %dma_start3A_51 = tpu.memref_slice %arg11[%dma_start3A_49, %dma_start3A_50] : memref<10112x64xf32, #tpu.memory_space<vmem_shared>> -> memref<10112x64xf32, #tpu.memory_space<vmem_shared>>
      tpu.enqueue_indirect_dma source(%arg9 : memref<128x64xf32, #tpu.memory_space<vmem>>) target(%dma_start3A_51 : memref<10112x64xf32, #tpu.memory_space<vmem_shared>>) offsets(%dma_start3A_48 : memref<128xi32, #tpu.memory_space<vmem>>) semaphore(%arg14 : memref<!tpu.dma_semaphore, #tpu.memory_space<semaphore_mem>>) {add = true}
      %dma_wait3A_52 = arith.constant 156 : i32
      %dma_wait3A_53 = arith.constant 0 : i32
      %dma_wait3A_54 = tpu.memref_slice %arg8[%dma_wait3A_52, %dma_wait3A_53] : memref<158x128xi32, #tpu.memory_space<vmem>> -> memref<1x128xi32, #tpu.memory_space<vmem>>
      %dma_wait3A_55 = tpu.memref_squeeze %dma_wait3A_54 : memref<1x128xi32, #tpu.memory_space<vmem>> -> memref<128xi32, #tpu.memory_space<vmem>>
      %dma_wait3A_56 = arith.constant 0 : i32
      %dma_wait3A_57 = arith.constant 0 : i32
      %dma_wait3A_58 = tpu.memref_slice %arg11[%dma_wait3A_56, %dma_wait3A_57] : memref<10112x64xf32, #tpu.memory_space<vmem_shared>> -> memref<10112x64xf32, #tpu.memory_space<vmem_shared>>
      tpu.wait_indirect_dma semaphore(%arg14 : memref<!tpu.dma_semaphore, #tpu.memory_space<semaphore_mem>>) src(%arg9 : memref<128x64xf32, #tpu.memory_space<vmem>>) dst(%dma_wait3A_58 : memref<10112x64xf32, #tpu.memory_space<vmem_shared>>)
      %dma_wait3A_59 = arith.constant 157 : i32
      %dma_wait3A_60 = arith.constant 0 : i32
      %dma_wait3A_61 = tpu.memref_slice %arg7[%dma_wait3A_59, %dma_wait3A_60] : memref<158x128xi32, #tpu.memory_space<vmem>> -> memref<1x128xi32, #tpu.memory_space<vmem>>
      %dma_wait3A_62 = tpu.memref_squeeze %dma_wait3A_61 : memref<1x128xi32, #tpu.memory_space<vmem>> -> memref<128xi32, #tpu.memory_space<vmem>>
      %dma_wait3A_63 = arith.constant 0 : i32
      %dma_wait3A_64 = arith.constant 0 : i32
      %dma_wait3A_65 = tpu.memref_slice %arg2[%dma_wait3A_63, %dma_wait3A_64] : memref<10112x64xf32, #tpu.memory_space<hbm>> -> memref<10112x64xf32, #tpu.memory_space<hbm>>
      tpu.wait_indirect_dma semaphore(%arg13 : memref<!tpu.dma_semaphore, #tpu.memory_space<semaphore_mem>>) src(%dma_wait3A_65 : memref<10112x64xf32, #tpu.memory_space<hbm>>) dst(%arg10 : memref<128x64xf32, #tpu.memory_space<vmem>>)
      %dma_start3A_66 = arith.constant 157 : i32
      %dma_start3A_67 = arith.constant 0 : i32
      %dma_start3A_68 = tpu.memref_slice %arg8[%dma_start3A_66, %dma_start3A_67] : memref<158x128xi32, #tpu.memory_space<vmem>> -> memref<1x128xi32, #tpu.memory_space<vmem>>
      %dma_start3A_69 = tpu.memref_squeeze %dma_start3A_68 : memref<1x128xi32, #tpu.memory_space<vmem>> -> memref<128xi32, #tpu.memory_space<vmem>>
      %dma_start3A_70 = arith.constant 0 : i32
      %dma_start3A_71 = arith.constant 0 : i32
      %dma_start3A_72 = tpu.memref_slice %arg11[%dma_start3A_70, %dma_start3A_71] : memref<10112x64xf32, #tpu.memory_space<vmem_shared>> -> memref<10112x64xf32, #tpu.memory_space<vmem_shared>>
      tpu.enqueue_indirect_dma source(%arg10 : memref<128x64xf32, #tpu.memory_space<vmem>>) target(%dma_start3A_72 : memref<10112x64xf32, #tpu.memory_space<vmem_shared>>) offsets(%dma_start3A_69 : memref<128xi32, #tpu.memory_space<vmem>>) semaphore(%arg14 : memref<!tpu.dma_semaphore, #tpu.memory_space<semaphore_mem>>) {add = true}
      %dma_wait3A_73 = arith.constant 157 : i32
      %dma_wait3A_74 = arith.constant 0 : i32
      %dma_wait3A_75 = tpu.memref_slice %arg8[%dma_wait3A_73, %dma_wait3A_74] : memref<158x128xi32, #tpu.memory_space<vmem>> -> memref<1x128xi32, #tpu.memory_space<vmem>>
      %dma_wait3A_76 = tpu.memref_squeeze %dma_wait3A_75 : memref<1x128xi32, #tpu.memory_space<vmem>> -> memref<128xi32, #tpu.memory_space<vmem>>
      %dma_wait3A_77 = arith.constant 0 : i32
      %dma_wait3A_78 = arith.constant 0 : i32
      %dma_wait3A_79 = tpu.memref_slice %arg11[%dma_wait3A_77, %dma_wait3A_78] : memref<10112x64xf32, #tpu.memory_space<vmem_shared>> -> memref<10112x64xf32, #tpu.memory_space<vmem_shared>>
      tpu.wait_indirect_dma semaphore(%arg14 : memref<!tpu.dma_semaphore, #tpu.memory_space<semaphore_mem>>) src(%arg10 : memref<128x64xf32, #tpu.memory_space<vmem>>) dst(%dma_wait3A_79 : memref<10112x64xf32, #tpu.memory_space<vmem_shared>>)
    } else {
    }
    %eq3A_12 = arith.constant 1 : i32
    %eq3A_13 = arith.cmpi eq, %arg0, %eq3A_12 : i32
    %convert_element_type3A_14 = arith.extui %eq3A_13 : i1 to i32
    %cond3A_15 = arith.constant 0 : i32
    %cond3A_16 = arith.cmpi ne, %convert_element_type3A_14, %cond3A_15 : i32
    scf.if %cond3A_16 {
      %dma_start3A = arith.constant 0 : i32
      %dma_start3A_21 = arith.constant 0 : i32
      %dma_start3A_22 = tpu.memref_slice %arg7[%dma_start3A, %dma_start3A_21] : memref<158x128xi32, #tpu.memory_space<vmem>> -> memref<1x128xi32, #tpu.memory_space<vmem>>
      %dma_start3A_23 = tpu.memref_squeeze %dma_start3A_22 : memref<1x128xi32, #tpu.memory_space<vmem>> -> memref<128xi32, #tpu.memory_space<vmem>>
      %dma_start3A_24 = arith.constant 0 : i32
      %dma_start3A_25 = arith.constant 0 : i32
      %dma_start3A_26 = tpu.memref_slice %arg3[%dma_start3A_24, %dma_start3A_25] : memref<10112x64xf32, #tpu.memory_space<hbm>> -> memref<10112x64xf32, #tpu.memory_space<hbm>>
      tpu.enqueue_indirect_dma source(%dma_start3A_26 : memref<10112x64xf32, #tpu.memory_space<hbm>>) target(%arg9 : memref<128x64xf32, #tpu.memory_space<vmem>>) offsets(%dma_start3A_23 : memref<128xi32, #tpu.memory_space<vmem>>) semaphore(%arg12 : memref<!tpu.dma_semaphore, #tpu.memory_space<semaphore_mem>>)
      %dma_start3A_27 = arith.constant 1 : i32
      %dma_start3A_28 = arith.constant 0 : i32
      %dma_start3A_29 = tpu.memref_slice %arg7[%dma_start3A_27, %dma_start3A_28] : memref<158x128xi32, #tpu.memory_space<vmem>> -> memref<1x128xi32, #tpu.memory_space<vmem>>
      %dma_start3A_30 = tpu.memref_squeeze %dma_start3A_29 : memref<1x128xi32, #tpu.memory_space<vmem>> -> memref<128xi32, #tpu.memory_space<vmem>>
      %dma_start3A_31 = arith.constant 0 : i32
      %dma_start3A_32 = arith.constant 0 : i32
      %dma_start3A_33 = tpu.memref_slice %arg3[%dma_start3A_31, %dma_start3A_32] : memref<10112x64xf32, #tpu.memory_space<hbm>> -> memref<10112x64xf32, #tpu.memory_space<hbm>>
      tpu.enqueue_indirect_dma source(%dma_start3A_33 : memref<10112x64xf32, #tpu.memory_space<hbm>>) target(%arg10 : memref<128x64xf32, #tpu.memory_space<vmem>>) offsets(%dma_start3A_30 : memref<128xi32, #tpu.memory_space<vmem>>) semaphore(%arg13 : memref<!tpu.dma_semaphore, #tpu.memory_space<semaphore_mem>>)
      %scan3A = arith.constant 0 : i32
      %scan3A_34 = arith.constant 0 : i32
      %scan3A_35 = arith.constant 78 : i32
      %scan3A_36 = arith.addi %scan3A_34, %scan3A_35 : i32
      %scan3A_37 = arith.constant 1 : i32
      scf.for %scan3A_80 = %scan3A_34 to %scan3A_36 step %scan3A_37  : i32 {
        %mul3A_81 = arith.constant 2 : i32
        %mul3A_82 = arith.muli %mul3A_81, %scan3A_80 : i32
        %add3A = arith.constant 0 : i32
        %add3A_83 = arith.addi %mul3A_82, %add3A : i32
        %dma_wait3A_84 = arith.constant 0 : i32
        %dma_wait3A_85 = tpu.memref_slice %arg7[%add3A_83, %dma_wait3A_84] : memref<158x128xi32, #tpu.memory_space<vmem>> -> memref<1x128xi32, #tpu.memory_space<vmem>>
        %dma_wait3A_86 = tpu.memref_squeeze %dma_wait3A_85 : memref<1x128xi32, #tpu.memory_space<vmem>> -> memref<128xi32, #tpu.memory_space<vmem>>
        %dma_wait3A_87 = arith.constant 0 : i32
        %dma_wait3A_88 = arith.constant 0 : i32
        %dma_wait3A_89 = tpu.memref_slice %arg3[%dma_wait3A_87, %dma_wait3A_88] : memref<10112x64xf32, #tpu.memory_space<hbm>> -> memref<10112x64xf32, #tpu.memory_space<hbm>>
        tpu.wait_indirect_dma semaphore(%arg12 : memref<!tpu.dma_semaphore, #tpu.memory_space<semaphore_mem>>) src(%dma_wait3A_89 : memref<10112x64xf32, #tpu.memory_space<hbm>>) dst(%arg9 : memref<128x64xf32, #tpu.memory_space<vmem>>)
        %dma_start3A_90 = arith.constant 0 : i32
        %dma_start3A_91 = tpu.memref_slice %arg8[%add3A_83, %dma_start3A_90] : memref<158x128xi32, #tpu.memory_space<vmem>> -> memref<1x128xi32, #tpu.memory_space<vmem>>
        %dma_start3A_92 = tpu.memref_squeeze %dma_start3A_91 : memref<1x128xi32, #tpu.memory_space<vmem>> -> memref<128xi32, #tpu.memory_space<vmem>>
        %dma_start3A_93 = arith.constant 0 : i32
        %dma_start3A_94 = arith.constant 0 : i32
        %dma_start3A_95 = tpu.memref_slice %arg11[%dma_start3A_93, %dma_start3A_94] : memref<10112x64xf32, #tpu.memory_space<vmem_shared>> -> memref<10112x64xf32, #tpu.memory_space<vmem_shared>>
        tpu.enqueue_indirect_dma source(%arg9 : memref<128x64xf32, #tpu.memory_space<vmem>>) target(%dma_start3A_95 : memref<10112x64xf32, #tpu.memory_space<vmem_shared>>) offsets(%dma_start3A_92 : memref<128xi32, #tpu.memory_space<vmem>>) semaphore(%arg14 : memref<!tpu.dma_semaphore, #tpu.memory_space<semaphore_mem>>) {add = true}
        %dma_wait3A_96 = arith.constant 0 : i32
        %dma_wait3A_97 = tpu.memref_slice %arg8[%add3A_83, %dma_wait3A_96] : memref<158x128xi32, #tpu.memory_space<vmem>> -> memref<1x128xi32, #tpu.memory_space<vmem>>
        %dma_wait3A_98 = tpu.memref_squeeze %dma_wait3A_97 : memref<1x128xi32, #tpu.memory_space<vmem>> -> memref<128xi32, #tpu.memory_space<vmem>>
        %dma_wait3A_99 = arith.constant 0 : i32
        %dma_wait3A_100 = arith.constant 0 : i32
        %dma_wait3A_101 = tpu.memref_slice %arg11[%dma_wait3A_99, %dma_wait3A_100] : memref<10112x64xf32, #tpu.memory_space<vmem_shared>> -> memref<10112x64xf32, #tpu.memory_space<vmem_shared>>
        tpu.wait_indirect_dma semaphore(%arg14 : memref<!tpu.dma_semaphore, #tpu.memory_space<semaphore_mem>>) src(%arg9 : memref<128x64xf32, #tpu.memory_space<vmem>>) dst(%dma_wait3A_101 : memref<10112x64xf32, #tpu.memory_space<vmem_shared>>)
        %add3A_102 = arith.constant 2 : i32
        %add3A_103 = arith.addi %add3A_83, %add3A_102 : i32
        %dma_start3A_104 = arith.constant 0 : i32
        %dma_start3A_105 = tpu.memref_slice %arg7[%add3A_103, %dma_start3A_104] : memref<158x128xi32, #tpu.memory_space<vmem>> -> memref<1x128xi32, #tpu.memory_space<vmem>>
        %dma_start3A_106 = tpu.memref_squeeze %dma_start3A_105 : memref<1x128xi32, #tpu.memory_space<vmem>> -> memref<128xi32, #tpu.memory_space<vmem>>
        %dma_start3A_107 = arith.constant 0 : i32
        %dma_start3A_108 = arith.constant 0 : i32
        %dma_start3A_109 = tpu.memref_slice %arg3[%dma_start3A_107, %dma_start3A_108] : memref<10112x64xf32, #tpu.memory_space<hbm>> -> memref<10112x64xf32, #tpu.memory_space<hbm>>
        tpu.enqueue_indirect_dma source(%dma_start3A_109 : memref<10112x64xf32, #tpu.memory_space<hbm>>) target(%arg9 : memref<128x64xf32, #tpu.memory_space<vmem>>) offsets(%dma_start3A_106 : memref<128xi32, #tpu.memory_space<vmem>>) semaphore(%arg12 : memref<!tpu.dma_semaphore, #tpu.memory_space<semaphore_mem>>)
        %mul3A_110 = arith.constant 2 : i32
        %mul3A_111 = arith.muli %mul3A_110, %scan3A_80 : i32
        %add3A_112 = arith.constant 1 : i32
        %add3A_113 = arith.addi %mul3A_111, %add3A_112 : i32
        %dma_wait3A_114 = arith.constant 0 : i32
        %dma_wait3A_115 = tpu.memref_slice %arg7[%add3A_113, %dma_wait3A_114] : memref<158x128xi32, #tpu.memory_space<vmem>> -> memref<1x128xi32, #tpu.memory_space<vmem>>
        %dma_wait3A_116 = tpu.memref_squeeze %dma_wait3A_115 : memref<1x128xi32, #tpu.memory_space<vmem>> -> memref<128xi32, #tpu.memory_space<vmem>>
        %dma_wait3A_117 = arith.constant 0 : i32
        %dma_wait3A_118 = arith.constant 0 : i32
        %dma_wait3A_119 = tpu.memref_slice %arg3[%dma_wait3A_117, %dma_wait3A_118] : memref<10112x64xf32, #tpu.memory_space<hbm>> -> memref<10112x64xf32, #tpu.memory_space<hbm>>
        tpu.wait_indirect_dma semaphore(%arg13 : memref<!tpu.dma_semaphore, #tpu.memory_space<semaphore_mem>>) src(%dma_wait3A_119 : memref<10112x64xf32, #tpu.memory_space<hbm>>) dst(%arg10 : memref<128x64xf32, #tpu.memory_space<vmem>>)
        %dma_start3A_120 = arith.constant 0 : i32
        %dma_start3A_121 = tpu.memref_slice %arg8[%add3A_113, %dma_start3A_120] : memref<158x128xi32, #tpu.memory_space<vmem>> -> memref<1x128xi32, #tpu.memory_space<vmem>>
        %dma_start3A_122 = tpu.memref_squeeze %dma_start3A_121 : memref<1x128xi32, #tpu.memory_space<vmem>> -> memref<128xi32, #tpu.memory_space<vmem>>
        %dma_start3A_123 = arith.constant 0 : i32
        %dma_start3A_124 = arith.constant 0 : i32
        %dma_start3A_125 = tpu.memref_slice %arg11[%dma_start3A_123, %dma_start3A_124] : memref<10112x64xf32, #tpu.memory_space<vmem_shared>> -> memref<10112x64xf32, #tpu.memory_space<vmem_shared>>
        tpu.enqueue_indirect_dma source(%arg10 : memref<128x64xf32, #tpu.memory_space<vmem>>) target(%dma_start3A_125 : memref<10112x64xf32, #tpu.memory_space<vmem_shared>>) offsets(%dma_start3A_122 : memref<128xi32, #tpu.memory_space<vmem>>) semaphore(%arg14 : memref<!tpu.dma_semaphore, #tpu.memory_space<semaphore_mem>>) {add = true}
        %dma_wait3A_126 = arith.constant 0 : i32
        %dma_wait3A_127 = tpu.memref_slice %arg8[%add3A_113, %dma_wait3A_126] : memref<158x128xi32, #tpu.memory_space<vmem>> -> memref<1x128xi32, #tpu.memory_space<vmem>>
        %dma_wait3A_128 = tpu.memref_squeeze %dma_wait3A_127 : memref<1x128xi32, #tpu.memory_space<vmem>> -> memref<128xi32, #tpu.memory_space<vmem>>
        %dma_wait3A_129 = arith.constant 0 : i32
        %dma_wait3A_130 = arith.constant 0 : i32
        %dma_wait3A_131 = tpu.memref_slice %arg11[%dma_wait3A_129, %dma_wait3A_130] : memref<10112x64xf32, #tpu.memory_space<vmem_shared>> -> memref<10112x64xf32, #tpu.memory_space<vmem_shared>>
        tpu.wait_indirect_dma semaphore(%arg14 : memref<!tpu.dma_semaphore, #tpu.memory_space<semaphore_mem>>) src(%arg10 : memref<128x64xf32, #tpu.memory_space<vmem>>) dst(%dma_wait3A_131 : memref<10112x64xf32, #tpu.memory_space<vmem_shared>>)
        %add3A_132 = arith.constant 2 : i32
        %add3A_133 = arith.addi %add3A_113, %add3A_132 : i32
        %dma_start3A_134 = arith.constant 0 : i32
        %dma_start3A_135 = tpu.memref_slice %arg7[%add3A_133, %dma_start3A_134] : memref<158x128xi32, #tpu.memory_space<vmem>> -> memref<1x128xi32, #tpu.memory_space<vmem>>
        %dma_start3A_136 = tpu.memref_squeeze %dma_start3A_135 : memref<1x128xi32, #tpu.memory_space<vmem>> -> memref<128xi32, #tpu.memory_space<vmem>>
        %dma_start3A_137 = arith.constant 0 : i32
        %dma_start3A_138 = arith.constant 0 : i32
        %dma_start3A_139 = tpu.memref_slice %arg3[%dma_start3A_137, %dma_start3A_138] : memref<10112x64xf32, #tpu.memory_space<hbm>> -> memref<10112x64xf32, #tpu.memory_space<hbm>>
        tpu.enqueue_indirect_dma source(%dma_start3A_139 : memref<10112x64xf32, #tpu.memory_space<hbm>>) target(%arg10 : memref<128x64xf32, #tpu.memory_space<vmem>>) offsets(%dma_start3A_136 : memref<128xi32, #tpu.memory_space<vmem>>) semaphore(%arg13 : memref<!tpu.dma_semaphore, #tpu.memory_space<semaphore_mem>>)
      }
      %scan3A_38 = arith.constant 78 : i32
      %dma_wait3A = arith.constant 156 : i32
      %dma_wait3A_39 = arith.constant 0 : i32
      %dma_wait3A_40 = tpu.memref_slice %arg7[%dma_wait3A, %dma_wait3A_39] : memref<158x128xi32, #tpu.memory_space<vmem>> -> memref<1x128xi32, #tpu.memory_space<vmem>>
      %dma_wait3A_41 = tpu.memref_squeeze %dma_wait3A_40 : memref<1x128xi32, #tpu.memory_space<vmem>> -> memref<128xi32, #tpu.memory_space<vmem>>
      %dma_wait3A_42 = arith.constant 0 : i32
      %dma_wait3A_43 = arith.constant 0 : i32
      %dma_wait3A_44 = tpu.memref_slice %arg3[%dma_wait3A_42, %dma_wait3A_43] : memref<10112x64xf32, #tpu.memory_space<hbm>> -> memref<10112x64xf32, #tpu.memory_space<hbm>>
      tpu.wait_indirect_dma semaphore(%arg12 : memref<!tpu.dma_semaphore, #tpu.memory_space<semaphore_mem>>) src(%dma_wait3A_44 : memref<10112x64xf32, #tpu.memory_space<hbm>>) dst(%arg9 : memref<128x64xf32, #tpu.memory_space<vmem>>)
      %dma_start3A_45 = arith.constant 156 : i32
      %dma_start3A_46 = arith.constant 0 : i32
      %dma_start3A_47 = tpu.memref_slice %arg8[%dma_start3A_45, %dma_start3A_46] : memref<158x128xi32, #tpu.memory_space<vmem>> -> memref<1x128xi32, #tpu.memory_space<vmem>>
      %dma_start3A_48 = tpu.memref_squeeze %dma_start3A_47 : memref<1x128xi32, #tpu.memory_space<vmem>> -> memref<128xi32, #tpu.memory_space<vmem>>
      %dma_start3A_49 = arith.constant 0 : i32
      %dma_start3A_50 = arith.constant 0 : i32
      %dma_start3A_51 = tpu.memref_slice %arg11[%dma_start3A_49, %dma_start3A_50] : memref<10112x64xf32, #tpu.memory_space<vmem_shared>> -> memref<10112x64xf32, #tpu.memory_space<vmem_shared>>
      tpu.enqueue_indirect_dma source(%arg9 : memref<128x64xf32, #tpu.memory_space<vmem>>) target(%dma_start3A_51 : memref<10112x64xf32, #tpu.memory_space<vmem_shared>>) offsets(%dma_start3A_48 : memref<128xi32, #tpu.memory_space<vmem>>) semaphore(%arg14 : memref<!tpu.dma_semaphore, #tpu.memory_space<semaphore_mem>>) {add = true}
      %dma_wait3A_52 = arith.constant 156 : i32
      %dma_wait3A_53 = arith.constant 0 : i32
      %dma_wait3A_54 = tpu.memref_slice %arg8[%dma_wait3A_52, %dma_wait3A_53] : memref<158x128xi32, #tpu.memory_space<vmem>> -> memref<1x128xi32, #tpu.memory_space<vmem>>
      %dma_wait3A_55 = tpu.memref_squeeze %dma_wait3A_54 : memref<1x128xi32, #tpu.memory_space<vmem>> -> memref<128xi32, #tpu.memory_space<vmem>>
      %dma_wait3A_56 = arith.constant 0 : i32
      %dma_wait3A_57 = arith.constant 0 : i32
      %dma_wait3A_58 = tpu.memref_slice %arg11[%dma_wait3A_56, %dma_wait3A_57] : memref<10112x64xf32, #tpu.memory_space<vmem_shared>> -> memref<10112x64xf32, #tpu.memory_space<vmem_shared>>
      tpu.wait_indirect_dma semaphore(%arg14 : memref<!tpu.dma_semaphore, #tpu.memory_space<semaphore_mem>>) src(%arg9 : memref<128x64xf32, #tpu.memory_space<vmem>>) dst(%dma_wait3A_58 : memref<10112x64xf32, #tpu.memory_space<vmem_shared>>)
      %dma_wait3A_59 = arith.constant 157 : i32
      %dma_wait3A_60 = arith.constant 0 : i32
      %dma_wait3A_61 = tpu.memref_slice %arg7[%dma_wait3A_59, %dma_wait3A_60] : memref<158x128xi32, #tpu.memory_space<vmem>> -> memref<1x128xi32, #tpu.memory_space<vmem>>
      %dma_wait3A_62 = tpu.memref_squeeze %dma_wait3A_61 : memref<1x128xi32, #tpu.memory_space<vmem>> -> memref<128xi32, #tpu.memory_space<vmem>>
      %dma_wait3A_63 = arith.constant 0 : i32
      %dma_wait3A_64 = arith.constant 0 : i32
      %dma_wait3A_65 = tpu.memref_slice %arg3[%dma_wait3A_63, %dma_wait3A_64] : memref<10112x64xf32, #tpu.memory_space<hbm>> -> memref<10112x64xf32, #tpu.memory_space<hbm>>
      tpu.wait_indirect_dma semaphore(%arg13 : memref<!tpu.dma_semaphore, #tpu.memory_space<semaphore_mem>>) src(%dma_wait3A_65 : memref<10112x64xf32, #tpu.memory_space<hbm>>) dst(%arg10 : memref<128x64xf32, #tpu.memory_space<vmem>>)
      %dma_start3A_66 = arith.constant 157 : i32
      %dma_start3A_67 = arith.constant 0 : i32
      %dma_start3A_68 = tpu.memref_slice %arg8[%dma_start3A_66, %dma_start3A_67] : memref<158x128xi32, #tpu.memory_space<vmem>> -> memref<1x128xi32, #tpu.memory_space<vmem>>
      %dma_start3A_69 = tpu.memref_squeeze %dma_start3A_68 : memref<1x128xi32, #tpu.memory_space<vmem>> -> memref<128xi32, #tpu.memory_space<vmem>>
      %dma_start3A_70 = arith.constant 0 : i32
      %dma_start3A_71 = arith.constant 0 : i32
      %dma_start3A_72 = tpu.memref_slice %arg11[%dma_start3A_70, %dma_start3A_71] : memref<10112x64xf32, #tpu.memory_space<vmem_shared>> -> memref<10112x64xf32, #tpu.memory_space<vmem_shared>>
      tpu.enqueue_indirect_dma source(%arg10 : memref<128x64xf32, #tpu.memory_space<vmem>>) target(%dma_start3A_72 : memref<10112x64xf32, #tpu.memory_space<vmem_shared>>) offsets(%dma_start3A_69 : memref<128xi32, #tpu.memory_space<vmem>>) semaphore(%arg14 : memref<!tpu.dma_semaphore, #tpu.memory_space<semaphore_mem>>) {add = true}
      %dma_wait3A_73 = arith.constant 157 : i32
      %dma_wait3A_74 = arith.constant 0 : i32
      %dma_wait3A_75 = tpu.memref_slice %arg8[%dma_wait3A_73, %dma_wait3A_74] : memref<158x128xi32, #tpu.memory_space<vmem>> -> memref<1x128xi32, #tpu.memory_space<vmem>>
      %dma_wait3A_76 = tpu.memref_squeeze %dma_wait3A_75 : memref<1x128xi32, #tpu.memory_space<vmem>> -> memref<128xi32, #tpu.memory_space<vmem>>
      %dma_wait3A_77 = arith.constant 0 : i32
      %dma_wait3A_78 = arith.constant 0 : i32
      %dma_wait3A_79 = tpu.memref_slice %arg11[%dma_wait3A_77, %dma_wait3A_78] : memref<10112x64xf32, #tpu.memory_space<vmem_shared>> -> memref<10112x64xf32, #tpu.memory_space<vmem_shared>>
      tpu.wait_indirect_dma semaphore(%arg14 : memref<!tpu.dma_semaphore, #tpu.memory_space<semaphore_mem>>) src(%arg10 : memref<128x64xf32, #tpu.memory_space<vmem>>) dst(%dma_wait3A_79 : memref<10112x64xf32, #tpu.memory_space<vmem_shared>>)
    } else {
    }
    %barrier3A_17 = arith.constant 0 : index
    tpu.barrier barrier_id(%barrier3A_17)
    %mul3A = arith.constant 632 : i32
    %mul3A_18 = arith.muli %arg1, %mul3A : i32
    %mul3A_19 = arith.constant 632 : i32
    %mul3A_20 = arith.muli %arg1, %mul3A_19 : i32
    "tpu.region"() ({
      %run_scoped3A = tpu.sem_alloc : memref<!tpu.dma_semaphore, #tpu.memory_space<semaphore_mem>>
      %dma_start3A = arith.constant 0 : i32
      %dma_start3A_21 = tpu.memref_slice %arg6[%arg0, %mul3A_20, %dma_start3A] : memref<2x10112x64xf32, #tpu.memory_space<hbm>> -> memref<1x632x64xf32, #tpu.memory_space<hbm>>
      %dma_start3A_22 = tpu.memref_squeeze %dma_start3A_21 : memref<1x632x64xf32, #tpu.memory_space<hbm>> -> memref<632x64xf32, #tpu.memory_space<hbm>>
      %dma_start3A_23 = arith.constant 0 : i32
      %dma_start3A_24 = tpu.memref_slice %arg11[%mul3A_18, %dma_start3A_23] : memref<10112x64xf32, #tpu.memory_space<vmem_shared>> -> memref<632x64xf32, #tpu.memory_space<vmem_shared>>
      tpu.enqueue_dma source(%dma_start3A_24 : memref<632x64xf32, #tpu.memory_space<vmem_shared>>) target(%dma_start3A_22 : memref<632x64xf32, #tpu.memory_space<hbm>>) target_semaphore(%run_scoped3A : memref<!tpu.dma_semaphore, #tpu.memory_space<semaphore_mem>>)
      %dma_wait3A = arith.constant 0 : i32
      %dma_wait3A_25 = tpu.memref_slice %arg6[%arg0, %mul3A_20, %dma_wait3A] : memref<2x10112x64xf32, #tpu.memory_space<hbm>> -> memref<1x632x64xf32, #tpu.memory_space<hbm>>
      %dma_wait3A_26 = tpu.memref_squeeze %dma_wait3A_25 : memref<1x632x64xf32, #tpu.memory_space<hbm>> -> memref<632x64xf32, #tpu.memory_space<hbm>>
      %dma_wait3A_27 = arith.constant 0 : i32
      %dma_wait3A_28 = tpu.memref_slice %arg11[%mul3A_18, %dma_wait3A_27] : memref<10112x64xf32, #tpu.memory_space<vmem_shared>> -> memref<632x64xf32, #tpu.memory_space<vmem_shared>>
      tpu.wait_dma2 semaphore(%run_scoped3A : memref<!tpu.dma_semaphore, #tpu.memory_space<semaphore_mem>>) src(%dma_wait3A_28 : memref<632x64xf32, #tpu.memory_space<vmem_shared>>) dst(%dma_wait3A_26 : memref<632x64xf32, #tpu.memory_space<hbm>>)
      tpu.yield
    }) : () -> ()
    return
  }
}

#map = affine_map<(d0, d1) -> (0, 0)>
#map1 = affine_map<(d0, d1) -> (0, 0, 0)>
module attributes {stable_mosaic.version = 14 : i64} {
  func.func @_agg_body(%arg0: i32, %arg1: i32, %arg2: memref<10112x64xf32, #tpu.memory_space<hbm>>, %arg3: memref<10112x64xf32, #tpu.memory_space<hbm>>, %arg4: memref<16x158x128xi32, #tpu.memory_space<hbm>>, %arg5: memref<16x158x128xi32, #tpu.memory_space<hbm>>, %arg6: memref<2x10112x64xf32, #tpu.memory_space<hbm>>, %arg7: memref<158x128xi32, #tpu.memory_space<vmem>>, %arg8: memref<158x128xi32, #tpu.memory_space<vmem>>, %arg9: memref<128x64xf32, #tpu.memory_space<vmem>>, %arg10: memref<128x64xf32, #tpu.memory_space<vmem>>, %arg11: memref<10112x64xf32, #tpu.memory_space<vmem_shared>>, %arg12: memref<!tpu.dma_semaphore, #tpu.memory_space<semaphore_mem>>, %arg13: memref<!tpu.dma_semaphore, #tpu.memory_space<semaphore_mem>>, %arg14: memref<!tpu.dma_semaphore, #tpu.memory_space<semaphore_mem>>) attributes {dimension_semantics = [#tpu.dimension_semantics<core_parallel>, #tpu.dimension_semantics<subcore_parallel>], iteration_bounds = array<i64: 2, 16>, scalar_prefetch = 0 : i64, scratch_operands = 8 : i64, tpu.core_type = #tpu.core_type<sc_vector_subcore>, window_params = [{transform_indices = #map}, {transform_indices = #map}, {transform_indices = #map1}, {transform_indices = #map1}, {transform_indices = #map1}]} {
    %eq3A = arith.constant 0 : i32
    %eq3A_0 = arith.cmpi eq, %arg0, %eq3A : i32
    %convert_element_type3A = arith.extui %eq3A_0 : i1 to i32
    %cond3A = arith.constant 0 : i32
    %cond3A_1 = arith.cmpi ne, %convert_element_type3A, %cond3A : i32
    scf.if %cond3A_1 {
      %mul3A_21 = arith.constant 632 : i32
      %mul3A_22 = arith.muli %arg1, %mul3A_21 : i32
      %mul3A_23 = arith.constant 632 : i32
      %mul3A_24 = arith.muli %arg1, %mul3A_23 : i32
      "tpu.region"() ({
        %run_scoped3A = tpu.sem_alloc : memref<!tpu.dma_semaphore, #tpu.memory_space<semaphore_mem>>
        %dma_start3A = arith.constant 0 : i32
        %dma_start3A_25 = tpu.memref_slice %arg11[%mul3A_24, %dma_start3A] : memref<10112x64xf32, #tpu.memory_space<vmem_shared>> -> memref<632x64xf32, #tpu.memory_space<vmem_shared>>
        %dma_start3A_26 = arith.constant 0 : i32
        %dma_start3A_27 = tpu.memref_slice %arg2[%mul3A_22, %dma_start3A_26] : memref<10112x64xf32, #tpu.memory_space<hbm>> -> memref<632x64xf32, #tpu.memory_space<hbm>>
        tpu.enqueue_dma source(%dma_start3A_27 : memref<632x64xf32, #tpu.memory_space<hbm>>) target(%dma_start3A_25 : memref<632x64xf32, #tpu.memory_space<vmem_shared>>) target_semaphore(%run_scoped3A : memref<!tpu.dma_semaphore, #tpu.memory_space<semaphore_mem>>)
        %dma_wait3A = arith.constant 0 : i32
        %dma_wait3A_28 = tpu.memref_slice %arg11[%mul3A_24, %dma_wait3A] : memref<10112x64xf32, #tpu.memory_space<vmem_shared>> -> memref<632x64xf32, #tpu.memory_space<vmem_shared>>
        %dma_wait3A_29 = arith.constant 0 : i32
        %dma_wait3A_30 = tpu.memref_slice %arg2[%mul3A_22, %dma_wait3A_29] : memref<10112x64xf32, #tpu.memory_space<hbm>> -> memref<632x64xf32, #tpu.memory_space<hbm>>
        tpu.wait_dma2 semaphore(%run_scoped3A : memref<!tpu.dma_semaphore, #tpu.memory_space<semaphore_mem>>) src(%dma_wait3A_30 : memref<632x64xf32, #tpu.memory_space<hbm>>) dst(%dma_wait3A_28 : memref<632x64xf32, #tpu.memory_space<vmem_shared>>)
        tpu.yield
      }) : () -> ()
    } else {
    }
    %eq3A_2 = arith.constant 1 : i32
    %eq3A_3 = arith.cmpi eq, %arg0, %eq3A_2 : i32
    %convert_element_type3A_4 = arith.extui %eq3A_3 : i1 to i32
    %cond3A_5 = arith.constant 0 : i32
    %cond3A_6 = arith.cmpi ne, %convert_element_type3A_4, %cond3A_5 : i32
    scf.if %cond3A_6 {
      %mul3A_21 = arith.constant 632 : i32
      %mul3A_22 = arith.muli %arg1, %mul3A_21 : i32
      %mul3A_23 = arith.constant 632 : i32
      %mul3A_24 = arith.muli %arg1, %mul3A_23 : i32
      "tpu.region"() ({
        %run_scoped3A = tpu.sem_alloc : memref<!tpu.dma_semaphore, #tpu.memory_space<semaphore_mem>>
        %dma_start3A = arith.constant 0 : i32
        %dma_start3A_25 = tpu.memref_slice %arg11[%mul3A_24, %dma_start3A] : memref<10112x64xf32, #tpu.memory_space<vmem_shared>> -> memref<632x64xf32, #tpu.memory_space<vmem_shared>>
        %dma_start3A_26 = arith.constant 0 : i32
        %dma_start3A_27 = tpu.memref_slice %arg3[%mul3A_22, %dma_start3A_26] : memref<10112x64xf32, #tpu.memory_space<hbm>> -> memref<632x64xf32, #tpu.memory_space<hbm>>
        tpu.enqueue_dma source(%dma_start3A_27 : memref<632x64xf32, #tpu.memory_space<hbm>>) target(%dma_start3A_25 : memref<632x64xf32, #tpu.memory_space<vmem_shared>>) target_semaphore(%run_scoped3A : memref<!tpu.dma_semaphore, #tpu.memory_space<semaphore_mem>>)
        %dma_wait3A = arith.constant 0 : i32
        %dma_wait3A_28 = tpu.memref_slice %arg11[%mul3A_24, %dma_wait3A] : memref<10112x64xf32, #tpu.memory_space<vmem_shared>> -> memref<632x64xf32, #tpu.memory_space<vmem_shared>>
        %dma_wait3A_29 = arith.constant 0 : i32
        %dma_wait3A_30 = tpu.memref_slice %arg3[%mul3A_22, %dma_wait3A_29] : memref<10112x64xf32, #tpu.memory_space<hbm>> -> memref<632x64xf32, #tpu.memory_space<hbm>>
        tpu.wait_dma2 semaphore(%run_scoped3A : memref<!tpu.dma_semaphore, #tpu.memory_space<semaphore_mem>>) src(%dma_wait3A_30 : memref<632x64xf32, #tpu.memory_space<hbm>>) dst(%dma_wait3A_28 : memref<632x64xf32, #tpu.memory_space<vmem_shared>>)
        tpu.yield
      }) : () -> ()
    } else {
    }
    %barrier3A = arith.constant 0 : index
    tpu.barrier barrier_id(%barrier3A)
    "tpu.region"() ({
      %run_scoped3A = tpu.sem_alloc : memref<!tpu.dma_semaphore, #tpu.memory_space<semaphore_mem>>
      %dma_start3A = arith.constant 0 : i32
      %dma_start3A_21 = arith.constant 0 : i32
      %dma_start3A_22 = tpu.memref_slice %arg4[%arg1, %dma_start3A, %dma_start3A_21] : memref<16x158x128xi32, #tpu.memory_space<hbm>> -> memref<1x158x128xi32, #tpu.memory_space<hbm>>
      %dma_start3A_23 = tpu.memref_squeeze %dma_start3A_22 : memref<1x158x128xi32, #tpu.memory_space<hbm>> -> memref<158x128xi32, #tpu.memory_space<hbm>>
      %dma_start3A_24 = arith.constant 0 : i32
      %dma_start3A_25 = arith.constant 0 : i32
      %dma_start3A_26 = tpu.memref_slice %arg4[%arg1, %dma_start3A_24, %dma_start3A_25] : memref<16x158x128xi32, #tpu.memory_space<hbm>> -> memref<1x158x128xi32, #tpu.memory_space<hbm>>
      %dma_start3A_27 = tpu.memref_squeeze %dma_start3A_26 : memref<1x158x128xi32, #tpu.memory_space<hbm>> -> memref<158x128xi32, #tpu.memory_space<hbm>>
      tpu.enqueue_dma source(%dma_start3A_27 : memref<158x128xi32, #tpu.memory_space<hbm>>) target(%arg7 : memref<158x128xi32, #tpu.memory_space<vmem>>) target_semaphore(%run_scoped3A : memref<!tpu.dma_semaphore, #tpu.memory_space<semaphore_mem>>)
      %dma_wait3A = arith.constant 0 : i32
      %dma_wait3A_28 = arith.constant 0 : i32
      %dma_wait3A_29 = tpu.memref_slice %arg4[%arg1, %dma_wait3A, %dma_wait3A_28] : memref<16x158x128xi32, #tpu.memory_space<hbm>> -> memref<1x158x128xi32, #tpu.memory_space<hbm>>
      %dma_wait3A_30 = tpu.memref_squeeze %dma_wait3A_29 : memref<1x158x128xi32, #tpu.memory_space<hbm>> -> memref<158x128xi32, #tpu.memory_space<hbm>>
      %dma_wait3A_31 = arith.constant 0 : i32
      %dma_wait3A_32 = arith.constant 0 : i32
      %dma_wait3A_33 = tpu.memref_slice %arg4[%arg1, %dma_wait3A_31, %dma_wait3A_32] : memref<16x158x128xi32, #tpu.memory_space<hbm>> -> memref<1x158x128xi32, #tpu.memory_space<hbm>>
      %dma_wait3A_34 = tpu.memref_squeeze %dma_wait3A_33 : memref<1x158x128xi32, #tpu.memory_space<hbm>> -> memref<158x128xi32, #tpu.memory_space<hbm>>
      tpu.wait_dma2 semaphore(%run_scoped3A : memref<!tpu.dma_semaphore, #tpu.memory_space<semaphore_mem>>) src(%dma_wait3A_34 : memref<158x128xi32, #tpu.memory_space<hbm>>) dst(%arg7 : memref<158x128xi32, #tpu.memory_space<vmem>>)
      tpu.yield
    }) : () -> ()
    "tpu.region"() ({
      %run_scoped3A = tpu.sem_alloc : memref<!tpu.dma_semaphore, #tpu.memory_space<semaphore_mem>>
      %dma_start3A = arith.constant 0 : i32
      %dma_start3A_21 = arith.constant 0 : i32
      %dma_start3A_22 = tpu.memref_slice %arg5[%arg1, %dma_start3A, %dma_start3A_21] : memref<16x158x128xi32, #tpu.memory_space<hbm>> -> memref<1x158x128xi32, #tpu.memory_space<hbm>>
      %dma_start3A_23 = tpu.memref_squeeze %dma_start3A_22 : memref<1x158x128xi32, #tpu.memory_space<hbm>> -> memref<158x128xi32, #tpu.memory_space<hbm>>
      %dma_start3A_24 = arith.constant 0 : i32
      %dma_start3A_25 = arith.constant 0 : i32
      %dma_start3A_26 = tpu.memref_slice %arg5[%arg1, %dma_start3A_24, %dma_start3A_25] : memref<16x158x128xi32, #tpu.memory_space<hbm>> -> memref<1x158x128xi32, #tpu.memory_space<hbm>>
      %dma_start3A_27 = tpu.memref_squeeze %dma_start3A_26 : memref<1x158x128xi32, #tpu.memory_space<hbm>> -> memref<158x128xi32, #tpu.memory_space<hbm>>
      tpu.enqueue_dma source(%dma_start3A_27 : memref<158x128xi32, #tpu.memory_space<hbm>>) target(%arg8 : memref<158x128xi32, #tpu.memory_space<vmem>>) target_semaphore(%run_scoped3A : memref<!tpu.dma_semaphore, #tpu.memory_space<semaphore_mem>>)
      %dma_wait3A = arith.constant 0 : i32
      %dma_wait3A_28 = arith.constant 0 : i32
      %dma_wait3A_29 = tpu.memref_slice %arg5[%arg1, %dma_wait3A, %dma_wait3A_28] : memref<16x158x128xi32, #tpu.memory_space<hbm>> -> memref<1x158x128xi32, #tpu.memory_space<hbm>>
      %dma_wait3A_30 = tpu.memref_squeeze %dma_wait3A_29 : memref<1x158x128xi32, #tpu.memory_space<hbm>> -> memref<158x128xi32, #tpu.memory_space<hbm>>
      %dma_wait3A_31 = arith.constant 0 : i32
      %dma_wait3A_32 = arith.constant 0 : i32
      %dma_wait3A_33 = tpu.memref_slice %arg5[%arg1, %dma_wait3A_31, %dma_wait3A_32] : memref<16x158x128xi32, #tpu.memory_space<hbm>> -> memref<1x158x128xi32, #tpu.memory_space<hbm>>
      %dma_wait3A_34 = tpu.memref_squeeze %dma_wait3A_33 : memref<1x158x128xi32, #tpu.memory_space<hbm>> -> memref<158x128xi32, #tpu.memory_space<hbm>>
      tpu.wait_dma2 semaphore(%run_scoped3A : memref<!tpu.dma_semaphore, #tpu.memory_space<semaphore_mem>>) src(%dma_wait3A_34 : memref<158x128xi32, #tpu.memory_space<hbm>>) dst(%arg8 : memref<158x128xi32, #tpu.memory_space<vmem>>)
      tpu.yield
    }) : () -> ()
    %eq3A_7 = arith.constant 0 : i32
    %eq3A_8 = arith.cmpi eq, %arg0, %eq3A_7 : i32
    %convert_element_type3A_9 = arith.extui %eq3A_8 : i1 to i32
    %cond3A_10 = arith.constant 0 : i32
    %cond3A_11 = arith.cmpi ne, %convert_element_type3A_9, %cond3A_10 : i32
    scf.if %cond3A_11 {
      %dma_start3A = arith.constant 0 : i32
      %dma_start3A_21 = arith.constant 0 : i32
      %dma_start3A_22 = tpu.memref_slice %arg7[%dma_start3A, %dma_start3A_21] : memref<158x128xi32, #tpu.memory_space<vmem>> -> memref<1x128xi32, #tpu.memory_space<vmem>>
      %dma_start3A_23 = tpu.memref_squeeze %dma_start3A_22 : memref<1x128xi32, #tpu.memory_space<vmem>> -> memref<128xi32, #tpu.memory_space<vmem>>
      %dma_start3A_24 = arith.constant 0 : i32
      %dma_start3A_25 = arith.constant 0 : i32
      %dma_start3A_26 = tpu.memref_slice %arg2[%dma_start3A_24, %dma_start3A_25] : memref<10112x64xf32, #tpu.memory_space<hbm>> -> memref<10112x64xf32, #tpu.memory_space<hbm>>
      tpu.enqueue_indirect_dma source(%dma_start3A_26 : memref<10112x64xf32, #tpu.memory_space<hbm>>) target(%arg9 : memref<128x64xf32, #tpu.memory_space<vmem>>) offsets(%dma_start3A_23 : memref<128xi32, #tpu.memory_space<vmem>>) semaphore(%arg12 : memref<!tpu.dma_semaphore, #tpu.memory_space<semaphore_mem>>)
      %dma_start3A_27 = arith.constant 1 : i32
      %dma_start3A_28 = arith.constant 0 : i32
      %dma_start3A_29 = tpu.memref_slice %arg7[%dma_start3A_27, %dma_start3A_28] : memref<158x128xi32, #tpu.memory_space<vmem>> -> memref<1x128xi32, #tpu.memory_space<vmem>>
      %dma_start3A_30 = tpu.memref_squeeze %dma_start3A_29 : memref<1x128xi32, #tpu.memory_space<vmem>> -> memref<128xi32, #tpu.memory_space<vmem>>
      %dma_start3A_31 = arith.constant 0 : i32
      %dma_start3A_32 = arith.constant 0 : i32
      %dma_start3A_33 = tpu.memref_slice %arg2[%dma_start3A_31, %dma_start3A_32] : memref<10112x64xf32, #tpu.memory_space<hbm>> -> memref<10112x64xf32, #tpu.memory_space<hbm>>
      tpu.enqueue_indirect_dma source(%dma_start3A_33 : memref<10112x64xf32, #tpu.memory_space<hbm>>) target(%arg10 : memref<128x64xf32, #tpu.memory_space<vmem>>) offsets(%dma_start3A_30 : memref<128xi32, #tpu.memory_space<vmem>>) semaphore(%arg13 : memref<!tpu.dma_semaphore, #tpu.memory_space<semaphore_mem>>)
      %scan3A = arith.constant 0 : i32
      %scan3A_34 = arith.constant 0 : i32
      %scan3A_35 = arith.constant 78 : i32
      %scan3A_36 = arith.addi %scan3A_34, %scan3A_35 : i32
      %scan3A_37 = arith.constant 1 : i32
      scf.for %scan3A_80 = %scan3A_34 to %scan3A_36 step %scan3A_37  : i32 {
        %mul3A_81 = arith.constant 2 : i32
        %mul3A_82 = arith.muli %mul3A_81, %scan3A_80 : i32
        %add3A = arith.constant 0 : i32
        %add3A_83 = arith.addi %mul3A_82, %add3A : i32
        %dma_wait3A_84 = arith.constant 0 : i32
        %dma_wait3A_85 = tpu.memref_slice %arg7[%add3A_83, %dma_wait3A_84] : memref<158x128xi32, #tpu.memory_space<vmem>> -> memref<1x128xi32, #tpu.memory_space<vmem>>
        %dma_wait3A_86 = tpu.memref_squeeze %dma_wait3A_85 : memref<1x128xi32, #tpu.memory_space<vmem>> -> memref<128xi32, #tpu.memory_space<vmem>>
        %dma_wait3A_87 = arith.constant 0 : i32
        %dma_wait3A_88 = arith.constant 0 : i32
        %dma_wait3A_89 = tpu.memref_slice %arg2[%dma_wait3A_87, %dma_wait3A_88] : memref<10112x64xf32, #tpu.memory_space<hbm>> -> memref<10112x64xf32, #tpu.memory_space<hbm>>
        tpu.wait_indirect_dma semaphore(%arg12 : memref<!tpu.dma_semaphore, #tpu.memory_space<semaphore_mem>>) src(%dma_wait3A_89 : memref<10112x64xf32, #tpu.memory_space<hbm>>) dst(%arg9 : memref<128x64xf32, #tpu.memory_space<vmem>>)
        %dma_start3A_90 = arith.constant 0 : i32
        %dma_start3A_91 = tpu.memref_slice %arg8[%add3A_83, %dma_start3A_90] : memref<158x128xi32, #tpu.memory_space<vmem>> -> memref<1x128xi32, #tpu.memory_space<vmem>>
        %dma_start3A_92 = tpu.memref_squeeze %dma_start3A_91 : memref<1x128xi32, #tpu.memory_space<vmem>> -> memref<128xi32, #tpu.memory_space<vmem>>
        %dma_start3A_93 = arith.constant 0 : i32
        %dma_start3A_94 = arith.constant 0 : i32
        %dma_start3A_95 = tpu.memref_slice %arg11[%dma_start3A_93, %dma_start3A_94] : memref<10112x64xf32, #tpu.memory_space<vmem_shared>> -> memref<10112x64xf32, #tpu.memory_space<vmem_shared>>
        tpu.enqueue_indirect_dma source(%arg9 : memref<128x64xf32, #tpu.memory_space<vmem>>) target(%dma_start3A_95 : memref<10112x64xf32, #tpu.memory_space<vmem_shared>>) offsets(%dma_start3A_92 : memref<128xi32, #tpu.memory_space<vmem>>) semaphore(%arg14 : memref<!tpu.dma_semaphore, #tpu.memory_space<semaphore_mem>>) {add = true}
        %dma_wait3A_96 = arith.constant 0 : i32
        %dma_wait3A_97 = tpu.memref_slice %arg8[%add3A_83, %dma_wait3A_96] : memref<158x128xi32, #tpu.memory_space<vmem>> -> memref<1x128xi32, #tpu.memory_space<vmem>>
        %dma_wait3A_98 = tpu.memref_squeeze %dma_wait3A_97 : memref<1x128xi32, #tpu.memory_space<vmem>> -> memref<128xi32, #tpu.memory_space<vmem>>
        %dma_wait3A_99 = arith.constant 0 : i32
        %dma_wait3A_100 = arith.constant 0 : i32
        %dma_wait3A_101 = tpu.memref_slice %arg11[%dma_wait3A_99, %dma_wait3A_100] : memref<10112x64xf32, #tpu.memory_space<vmem_shared>> -> memref<10112x64xf32, #tpu.memory_space<vmem_shared>>
        tpu.wait_indirect_dma semaphore(%arg14 : memref<!tpu.dma_semaphore, #tpu.memory_space<semaphore_mem>>) src(%arg9 : memref<128x64xf32, #tpu.memory_space<vmem>>) dst(%dma_wait3A_101 : memref<10112x64xf32, #tpu.memory_space<vmem_shared>>)
        %add3A_102 = arith.constant 2 : i32
        %add3A_103 = arith.addi %add3A_83, %add3A_102 : i32
        %dma_start3A_104 = arith.constant 0 : i32
        %dma_start3A_105 = tpu.memref_slice %arg7[%add3A_103, %dma_start3A_104] : memref<158x128xi32, #tpu.memory_space<vmem>> -> memref<1x128xi32, #tpu.memory_space<vmem>>
        %dma_start3A_106 = tpu.memref_squeeze %dma_start3A_105 : memref<1x128xi32, #tpu.memory_space<vmem>> -> memref<128xi32, #tpu.memory_space<vmem>>
        %dma_start3A_107 = arith.constant 0 : i32
        %dma_start3A_108 = arith.constant 0 : i32
        %dma_start3A_109 = tpu.memref_slice %arg2[%dma_start3A_107, %dma_start3A_108] : memref<10112x64xf32, #tpu.memory_space<hbm>> -> memref<10112x64xf32, #tpu.memory_space<hbm>>
        tpu.enqueue_indirect_dma source(%dma_start3A_109 : memref<10112x64xf32, #tpu.memory_space<hbm>>) target(%arg9 : memref<128x64xf32, #tpu.memory_space<vmem>>) offsets(%dma_start3A_106 : memref<128xi32, #tpu.memory_space<vmem>>) semaphore(%arg12 : memref<!tpu.dma_semaphore, #tpu.memory_space<semaphore_mem>>)
        %mul3A_110 = arith.constant 2 : i32
        %mul3A_111 = arith.muli %mul3A_110, %scan3A_80 : i32
        %add3A_112 = arith.constant 1 : i32
        %add3A_113 = arith.addi %mul3A_111, %add3A_112 : i32
        %dma_wait3A_114 = arith.constant 0 : i32
        %dma_wait3A_115 = tpu.memref_slice %arg7[%add3A_113, %dma_wait3A_114] : memref<158x128xi32, #tpu.memory_space<vmem>> -> memref<1x128xi32, #tpu.memory_space<vmem>>
        %dma_wait3A_116 = tpu.memref_squeeze %dma_wait3A_115 : memref<1x128xi32, #tpu.memory_space<vmem>> -> memref<128xi32, #tpu.memory_space<vmem>>
        %dma_wait3A_117 = arith.constant 0 : i32
        %dma_wait3A_118 = arith.constant 0 : i32
        %dma_wait3A_119 = tpu.memref_slice %arg2[%dma_wait3A_117, %dma_wait3A_118] : memref<10112x64xf32, #tpu.memory_space<hbm>> -> memref<10112x64xf32, #tpu.memory_space<hbm>>
        tpu.wait_indirect_dma semaphore(%arg13 : memref<!tpu.dma_semaphore, #tpu.memory_space<semaphore_mem>>) src(%dma_wait3A_119 : memref<10112x64xf32, #tpu.memory_space<hbm>>) dst(%arg10 : memref<128x64xf32, #tpu.memory_space<vmem>>)
        %dma_start3A_120 = arith.constant 0 : i32
        %dma_start3A_121 = tpu.memref_slice %arg8[%add3A_113, %dma_start3A_120] : memref<158x128xi32, #tpu.memory_space<vmem>> -> memref<1x128xi32, #tpu.memory_space<vmem>>
        %dma_start3A_122 = tpu.memref_squeeze %dma_start3A_121 : memref<1x128xi32, #tpu.memory_space<vmem>> -> memref<128xi32, #tpu.memory_space<vmem>>
        %dma_start3A_123 = arith.constant 0 : i32
        %dma_start3A_124 = arith.constant 0 : i32
        %dma_start3A_125 = tpu.memref_slice %arg11[%dma_start3A_123, %dma_start3A_124] : memref<10112x64xf32, #tpu.memory_space<vmem_shared>> -> memref<10112x64xf32, #tpu.memory_space<vmem_shared>>
        tpu.enqueue_indirect_dma source(%arg10 : memref<128x64xf32, #tpu.memory_space<vmem>>) target(%dma_start3A_125 : memref<10112x64xf32, #tpu.memory_space<vmem_shared>>) offsets(%dma_start3A_122 : memref<128xi32, #tpu.memory_space<vmem>>) semaphore(%arg14 : memref<!tpu.dma_semaphore, #tpu.memory_space<semaphore_mem>>) {add = true}
        %dma_wait3A_126 = arith.constant 0 : i32
        %dma_wait3A_127 = tpu.memref_slice %arg8[%add3A_113, %dma_wait3A_126] : memref<158x128xi32, #tpu.memory_space<vmem>> -> memref<1x128xi32, #tpu.memory_space<vmem>>
        %dma_wait3A_128 = tpu.memref_squeeze %dma_wait3A_127 : memref<1x128xi32, #tpu.memory_space<vmem>> -> memref<128xi32, #tpu.memory_space<vmem>>
        %dma_wait3A_129 = arith.constant 0 : i32
        %dma_wait3A_130 = arith.constant 0 : i32
        %dma_wait3A_131 = tpu.memref_slice %arg11[%dma_wait3A_129, %dma_wait3A_130] : memref<10112x64xf32, #tpu.memory_space<vmem_shared>> -> memref<10112x64xf32, #tpu.memory_space<vmem_shared>>
        tpu.wait_indirect_dma semaphore(%arg14 : memref<!tpu.dma_semaphore, #tpu.memory_space<semaphore_mem>>) src(%arg10 : memref<128x64xf32, #tpu.memory_space<vmem>>) dst(%dma_wait3A_131 : memref<10112x64xf32, #tpu.memory_space<vmem_shared>>)
        %add3A_132 = arith.constant 2 : i32
        %add3A_133 = arith.addi %add3A_113, %add3A_132 : i32
        %dma_start3A_134 = arith.constant 0 : i32
        %dma_start3A_135 = tpu.memref_slice %arg7[%add3A_133, %dma_start3A_134] : memref<158x128xi32, #tpu.memory_space<vmem>> -> memref<1x128xi32, #tpu.memory_space<vmem>>
        %dma_start3A_136 = tpu.memref_squeeze %dma_start3A_135 : memref<1x128xi32, #tpu.memory_space<vmem>> -> memref<128xi32, #tpu.memory_space<vmem>>
        %dma_start3A_137 = arith.constant 0 : i32
        %dma_start3A_138 = arith.constant 0 : i32
        %dma_start3A_139 = tpu.memref_slice %arg2[%dma_start3A_137, %dma_start3A_138] : memref<10112x64xf32, #tpu.memory_space<hbm>> -> memref<10112x64xf32, #tpu.memory_space<hbm>>
        tpu.enqueue_indirect_dma source(%dma_start3A_139 : memref<10112x64xf32, #tpu.memory_space<hbm>>) target(%arg10 : memref<128x64xf32, #tpu.memory_space<vmem>>) offsets(%dma_start3A_136 : memref<128xi32, #tpu.memory_space<vmem>>) semaphore(%arg13 : memref<!tpu.dma_semaphore, #tpu.memory_space<semaphore_mem>>)
      }
      %scan3A_38 = arith.constant 78 : i32
      %dma_wait3A = arith.constant 156 : i32
      %dma_wait3A_39 = arith.constant 0 : i32
      %dma_wait3A_40 = tpu.memref_slice %arg7[%dma_wait3A, %dma_wait3A_39] : memref<158x128xi32, #tpu.memory_space<vmem>> -> memref<1x128xi32, #tpu.memory_space<vmem>>
      %dma_wait3A_41 = tpu.memref_squeeze %dma_wait3A_40 : memref<1x128xi32, #tpu.memory_space<vmem>> -> memref<128xi32, #tpu.memory_space<vmem>>
      %dma_wait3A_42 = arith.constant 0 : i32
      %dma_wait3A_43 = arith.constant 0 : i32
      %dma_wait3A_44 = tpu.memref_slice %arg2[%dma_wait3A_42, %dma_wait3A_43] : memref<10112x64xf32, #tpu.memory_space<hbm>> -> memref<10112x64xf32, #tpu.memory_space<hbm>>
      tpu.wait_indirect_dma semaphore(%arg12 : memref<!tpu.dma_semaphore, #tpu.memory_space<semaphore_mem>>) src(%dma_wait3A_44 : memref<10112x64xf32, #tpu.memory_space<hbm>>) dst(%arg9 : memref<128x64xf32, #tpu.memory_space<vmem>>)
      %dma_start3A_45 = arith.constant 156 : i32
      %dma_start3A_46 = arith.constant 0 : i32
      %dma_start3A_47 = tpu.memref_slice %arg8[%dma_start3A_45, %dma_start3A_46] : memref<158x128xi32, #tpu.memory_space<vmem>> -> memref<1x128xi32, #tpu.memory_space<vmem>>
      %dma_start3A_48 = tpu.memref_squeeze %dma_start3A_47 : memref<1x128xi32, #tpu.memory_space<vmem>> -> memref<128xi32, #tpu.memory_space<vmem>>
      %dma_start3A_49 = arith.constant 0 : i32
      %dma_start3A_50 = arith.constant 0 : i32
      %dma_start3A_51 = tpu.memref_slice %arg11[%dma_start3A_49, %dma_start3A_50] : memref<10112x64xf32, #tpu.memory_space<vmem_shared>> -> memref<10112x64xf32, #tpu.memory_space<vmem_shared>>
      tpu.enqueue_indirect_dma source(%arg9 : memref<128x64xf32, #tpu.memory_space<vmem>>) target(%dma_start3A_51 : memref<10112x64xf32, #tpu.memory_space<vmem_shared>>) offsets(%dma_start3A_48 : memref<128xi32, #tpu.memory_space<vmem>>) semaphore(%arg14 : memref<!tpu.dma_semaphore, #tpu.memory_space<semaphore_mem>>) {add = true}
      %dma_wait3A_52 = arith.constant 156 : i32
      %dma_wait3A_53 = arith.constant 0 : i32
      %dma_wait3A_54 = tpu.memref_slice %arg8[%dma_wait3A_52, %dma_wait3A_53] : memref<158x128xi32, #tpu.memory_space<vmem>> -> memref<1x128xi32, #tpu.memory_space<vmem>>
      %dma_wait3A_55 = tpu.memref_squeeze %dma_wait3A_54 : memref<1x128xi32, #tpu.memory_space<vmem>> -> memref<128xi32, #tpu.memory_space<vmem>>
      %dma_wait3A_56 = arith.constant 0 : i32
      %dma_wait3A_57 = arith.constant 0 : i32
      %dma_wait3A_58 = tpu.memref_slice %arg11[%dma_wait3A_56, %dma_wait3A_57] : memref<10112x64xf32, #tpu.memory_space<vmem_shared>> -> memref<10112x64xf32, #tpu.memory_space<vmem_shared>>
      tpu.wait_indirect_dma semaphore(%arg14 : memref<!tpu.dma_semaphore, #tpu.memory_space<semaphore_mem>>) src(%arg9 : memref<128x64xf32, #tpu.memory_space<vmem>>) dst(%dma_wait3A_58 : memref<10112x64xf32, #tpu.memory_space<vmem_shared>>)
      %dma_wait3A_59 = arith.constant 157 : i32
      %dma_wait3A_60 = arith.constant 0 : i32
      %dma_wait3A_61 = tpu.memref_slice %arg7[%dma_wait3A_59, %dma_wait3A_60] : memref<158x128xi32, #tpu.memory_space<vmem>> -> memref<1x128xi32, #tpu.memory_space<vmem>>
      %dma_wait3A_62 = tpu.memref_squeeze %dma_wait3A_61 : memref<1x128xi32, #tpu.memory_space<vmem>> -> memref<128xi32, #tpu.memory_space<vmem>>
      %dma_wait3A_63 = arith.constant 0 : i32
      %dma_wait3A_64 = arith.constant 0 : i32
      %dma_wait3A_65 = tpu.memref_slice %arg2[%dma_wait3A_63, %dma_wait3A_64] : memref<10112x64xf32, #tpu.memory_space<hbm>> -> memref<10112x64xf32, #tpu.memory_space<hbm>>
      tpu.wait_indirect_dma semaphore(%arg13 : memref<!tpu.dma_semaphore, #tpu.memory_space<semaphore_mem>>) src(%dma_wait3A_65 : memref<10112x64xf32, #tpu.memory_space<hbm>>) dst(%arg10 : memref<128x64xf32, #tpu.memory_space<vmem>>)
      %dma_start3A_66 = arith.constant 157 : i32
      %dma_start3A_67 = arith.constant 0 : i32
      %dma_start3A_68 = tpu.memref_slice %arg8[%dma_start3A_66, %dma_start3A_67] : memref<158x128xi32, #tpu.memory_space<vmem>> -> memref<1x128xi32, #tpu.memory_space<vmem>>
      %dma_start3A_69 = tpu.memref_squeeze %dma_start3A_68 : memref<1x128xi32, #tpu.memory_space<vmem>> -> memref<128xi32, #tpu.memory_space<vmem>>
      %dma_start3A_70 = arith.constant 0 : i32
      %dma_start3A_71 = arith.constant 0 : i32
      %dma_start3A_72 = tpu.memref_slice %arg11[%dma_start3A_70, %dma_start3A_71] : memref<10112x64xf32, #tpu.memory_space<vmem_shared>> -> memref<10112x64xf32, #tpu.memory_space<vmem_shared>>
      tpu.enqueue_indirect_dma source(%arg10 : memref<128x64xf32, #tpu.memory_space<vmem>>) target(%dma_start3A_72 : memref<10112x64xf32, #tpu.memory_space<vmem_shared>>) offsets(%dma_start3A_69 : memref<128xi32, #tpu.memory_space<vmem>>) semaphore(%arg14 : memref<!tpu.dma_semaphore, #tpu.memory_space<semaphore_mem>>) {add = true}
      %dma_wait3A_73 = arith.constant 157 : i32
      %dma_wait3A_74 = arith.constant 0 : i32
      %dma_wait3A_75 = tpu.memref_slice %arg8[%dma_wait3A_73, %dma_wait3A_74] : memref<158x128xi32, #tpu.memory_space<vmem>> -> memref<1x128xi32, #tpu.memory_space<vmem>>
      %dma_wait3A_76 = tpu.memref_squeeze %dma_wait3A_75 : memref<1x128xi32, #tpu.memory_space<vmem>> -> memref<128xi32, #tpu.memory_space<vmem>>
      %dma_wait3A_77 = arith.constant 0 : i32
      %dma_wait3A_78 = arith.constant 0 : i32
      %dma_wait3A_79 = tpu.memref_slice %arg11[%dma_wait3A_77, %dma_wait3A_78] : memref<10112x64xf32, #tpu.memory_space<vmem_shared>> -> memref<10112x64xf32, #tpu.memory_space<vmem_shared>>
      tpu.wait_indirect_dma semaphore(%arg14 : memref<!tpu.dma_semaphore, #tpu.memory_space<semaphore_mem>>) src(%arg10 : memref<128x64xf32, #tpu.memory_space<vmem>>) dst(%dma_wait3A_79 : memref<10112x64xf32, #tpu.memory_space<vmem_shared>>)
    } else {
    }
    %eq3A_12 = arith.constant 1 : i32
    %eq3A_13 = arith.cmpi eq, %arg0, %eq3A_12 : i32
    %convert_element_type3A_14 = arith.extui %eq3A_13 : i1 to i32
    %cond3A_15 = arith.constant 0 : i32
    %cond3A_16 = arith.cmpi ne, %convert_element_type3A_14, %cond3A_15 : i32
    scf.if %cond3A_16 {
      %dma_start3A = arith.constant 0 : i32
      %dma_start3A_21 = arith.constant 0 : i32
      %dma_start3A_22 = tpu.memref_slice %arg7[%dma_start3A, %dma_start3A_21] : memref<158x128xi32, #tpu.memory_space<vmem>> -> memref<1x128xi32, #tpu.memory_space<vmem>>
      %dma_start3A_23 = tpu.memref_squeeze %dma_start3A_22 : memref<1x128xi32, #tpu.memory_space<vmem>> -> memref<128xi32, #tpu.memory_space<vmem>>
      %dma_start3A_24 = arith.constant 0 : i32
      %dma_start3A_25 = arith.constant 0 : i32
      %dma_start3A_26 = tpu.memref_slice %arg3[%dma_start3A_24, %dma_start3A_25] : memref<10112x64xf32, #tpu.memory_space<hbm>> -> memref<10112x64xf32, #tpu.memory_space<hbm>>
      tpu.enqueue_indirect_dma source(%dma_start3A_26 : memref<10112x64xf32, #tpu.memory_space<hbm>>) target(%arg9 : memref<128x64xf32, #tpu.memory_space<vmem>>) offsets(%dma_start3A_23 : memref<128xi32, #tpu.memory_space<vmem>>) semaphore(%arg12 : memref<!tpu.dma_semaphore, #tpu.memory_space<semaphore_mem>>)
      %dma_start3A_27 = arith.constant 1 : i32
      %dma_start3A_28 = arith.constant 0 : i32
      %dma_start3A_29 = tpu.memref_slice %arg7[%dma_start3A_27, %dma_start3A_28] : memref<158x128xi32, #tpu.memory_space<vmem>> -> memref<1x128xi32, #tpu.memory_space<vmem>>
      %dma_start3A_30 = tpu.memref_squeeze %dma_start3A_29 : memref<1x128xi32, #tpu.memory_space<vmem>> -> memref<128xi32, #tpu.memory_space<vmem>>
      %dma_start3A_31 = arith.constant 0 : i32
      %dma_start3A_32 = arith.constant 0 : i32
      %dma_start3A_33 = tpu.memref_slice %arg3[%dma_start3A_31, %dma_start3A_32] : memref<10112x64xf32, #tpu.memory_space<hbm>> -> memref<10112x64xf32, #tpu.memory_space<hbm>>
      tpu.enqueue_indirect_dma source(%dma_start3A_33 : memref<10112x64xf32, #tpu.memory_space<hbm>>) target(%arg10 : memref<128x64xf32, #tpu.memory_space<vmem>>) offsets(%dma_start3A_30 : memref<128xi32, #tpu.memory_space<vmem>>) semaphore(%arg13 : memref<!tpu.dma_semaphore, #tpu.memory_space<semaphore_mem>>)
      %scan3A = arith.constant 0 : i32
      %scan3A_34 = arith.constant 0 : i32
      %scan3A_35 = arith.constant 78 : i32
      %scan3A_36 = arith.addi %scan3A_34, %scan3A_35 : i32
      %scan3A_37 = arith.constant 1 : i32
      scf.for %scan3A_80 = %scan3A_34 to %scan3A_36 step %scan3A_37  : i32 {
        %mul3A_81 = arith.constant 2 : i32
        %mul3A_82 = arith.muli %mul3A_81, %scan3A_80 : i32
        %add3A = arith.constant 0 : i32
        %add3A_83 = arith.addi %mul3A_82, %add3A : i32
        %dma_wait3A_84 = arith.constant 0 : i32
        %dma_wait3A_85 = tpu.memref_slice %arg7[%add3A_83, %dma_wait3A_84] : memref<158x128xi32, #tpu.memory_space<vmem>> -> memref<1x128xi32, #tpu.memory_space<vmem>>
        %dma_wait3A_86 = tpu.memref_squeeze %dma_wait3A_85 : memref<1x128xi32, #tpu.memory_space<vmem>> -> memref<128xi32, #tpu.memory_space<vmem>>
        %dma_wait3A_87 = arith.constant 0 : i32
        %dma_wait3A_88 = arith.constant 0 : i32
        %dma_wait3A_89 = tpu.memref_slice %arg3[%dma_wait3A_87, %dma_wait3A_88] : memref<10112x64xf32, #tpu.memory_space<hbm>> -> memref<10112x64xf32, #tpu.memory_space<hbm>>
        tpu.wait_indirect_dma semaphore(%arg12 : memref<!tpu.dma_semaphore, #tpu.memory_space<semaphore_mem>>) src(%dma_wait3A_89 : memref<10112x64xf32, #tpu.memory_space<hbm>>) dst(%arg9 : memref<128x64xf32, #tpu.memory_space<vmem>>)
        %dma_start3A_90 = arith.constant 0 : i32
        %dma_start3A_91 = tpu.memref_slice %arg8[%add3A_83, %dma_start3A_90] : memref<158x128xi32, #tpu.memory_space<vmem>> -> memref<1x128xi32, #tpu.memory_space<vmem>>
        %dma_start3A_92 = tpu.memref_squeeze %dma_start3A_91 : memref<1x128xi32, #tpu.memory_space<vmem>> -> memref<128xi32, #tpu.memory_space<vmem>>
        %dma_start3A_93 = arith.constant 0 : i32
        %dma_start3A_94 = arith.constant 0 : i32
        %dma_start3A_95 = tpu.memref_slice %arg11[%dma_start3A_93, %dma_start3A_94] : memref<10112x64xf32, #tpu.memory_space<vmem_shared>> -> memref<10112x64xf32, #tpu.memory_space<vmem_shared>>
        tpu.enqueue_indirect_dma source(%arg9 : memref<128x64xf32, #tpu.memory_space<vmem>>) target(%dma_start3A_95 : memref<10112x64xf32, #tpu.memory_space<vmem_shared>>) offsets(%dma_start3A_92 : memref<128xi32, #tpu.memory_space<vmem>>) semaphore(%arg14 : memref<!tpu.dma_semaphore, #tpu.memory_space<semaphore_mem>>) {add = true}
        %dma_wait3A_96 = arith.constant 0 : i32
        %dma_wait3A_97 = tpu.memref_slice %arg8[%add3A_83, %dma_wait3A_96] : memref<158x128xi32, #tpu.memory_space<vmem>> -> memref<1x128xi32, #tpu.memory_space<vmem>>
        %dma_wait3A_98 = tpu.memref_squeeze %dma_wait3A_97 : memref<1x128xi32, #tpu.memory_space<vmem>> -> memref<128xi32, #tpu.memory_space<vmem>>
        %dma_wait3A_99 = arith.constant 0 : i32
        %dma_wait3A_100 = arith.constant 0 : i32
        %dma_wait3A_101 = tpu.memref_slice %arg11[%dma_wait3A_99, %dma_wait3A_100] : memref<10112x64xf32, #tpu.memory_space<vmem_shared>> -> memref<10112x64xf32, #tpu.memory_space<vmem_shared>>
        tpu.wait_indirect_dma semaphore(%arg14 : memref<!tpu.dma_semaphore, #tpu.memory_space<semaphore_mem>>) src(%arg9 : memref<128x64xf32, #tpu.memory_space<vmem>>) dst(%dma_wait3A_101 : memref<10112x64xf32, #tpu.memory_space<vmem_shared>>)
        %add3A_102 = arith.constant 2 : i32
        %add3A_103 = arith.addi %add3A_83, %add3A_102 : i32
        %dma_start3A_104 = arith.constant 0 : i32
        %dma_start3A_105 = tpu.memref_slice %arg7[%add3A_103, %dma_start3A_104] : memref<158x128xi32, #tpu.memory_space<vmem>> -> memref<1x128xi32, #tpu.memory_space<vmem>>
        %dma_start3A_106 = tpu.memref_squeeze %dma_start3A_105 : memref<1x128xi32, #tpu.memory_space<vmem>> -> memref<128xi32, #tpu.memory_space<vmem>>
        %dma_start3A_107 = arith.constant 0 : i32
        %dma_start3A_108 = arith.constant 0 : i32
        %dma_start3A_109 = tpu.memref_slice %arg3[%dma_start3A_107, %dma_start3A_108] : memref<10112x64xf32, #tpu.memory_space<hbm>> -> memref<10112x64xf32, #tpu.memory_space<hbm>>
        tpu.enqueue_indirect_dma source(%dma_start3A_109 : memref<10112x64xf32, #tpu.memory_space<hbm>>) target(%arg9 : memref<128x64xf32, #tpu.memory_space<vmem>>) offsets(%dma_start3A_106 : memref<128xi32, #tpu.memory_space<vmem>>) semaphore(%arg12 : memref<!tpu.dma_semaphore, #tpu.memory_space<semaphore_mem>>)
        %mul3A_110 = arith.constant 2 : i32
        %mul3A_111 = arith.muli %mul3A_110, %scan3A_80 : i32
        %add3A_112 = arith.constant 1 : i32
        %add3A_113 = arith.addi %mul3A_111, %add3A_112 : i32
        %dma_wait3A_114 = arith.constant 0 : i32
        %dma_wait3A_115 = tpu.memref_slice %arg7[%add3A_113, %dma_wait3A_114] : memref<158x128xi32, #tpu.memory_space<vmem>> -> memref<1x128xi32, #tpu.memory_space<vmem>>
        %dma_wait3A_116 = tpu.memref_squeeze %dma_wait3A_115 : memref<1x128xi32, #tpu.memory_space<vmem>> -> memref<128xi32, #tpu.memory_space<vmem>>
        %dma_wait3A_117 = arith.constant 0 : i32
        %dma_wait3A_118 = arith.constant 0 : i32
        %dma_wait3A_119 = tpu.memref_slice %arg3[%dma_wait3A_117, %dma_wait3A_118] : memref<10112x64xf32, #tpu.memory_space<hbm>> -> memref<10112x64xf32, #tpu.memory_space<hbm>>
        tpu.wait_indirect_dma semaphore(%arg13 : memref<!tpu.dma_semaphore, #tpu.memory_space<semaphore_mem>>) src(%dma_wait3A_119 : memref<10112x64xf32, #tpu.memory_space<hbm>>) dst(%arg10 : memref<128x64xf32, #tpu.memory_space<vmem>>)
        %dma_start3A_120 = arith.constant 0 : i32
        %dma_start3A_121 = tpu.memref_slice %arg8[%add3A_113, %dma_start3A_120] : memref<158x128xi32, #tpu.memory_space<vmem>> -> memref<1x128xi32, #tpu.memory_space<vmem>>
        %dma_start3A_122 = tpu.memref_squeeze %dma_start3A_121 : memref<1x128xi32, #tpu.memory_space<vmem>> -> memref<128xi32, #tpu.memory_space<vmem>>
        %dma_start3A_123 = arith.constant 0 : i32
        %dma_start3A_124 = arith.constant 0 : i32
        %dma_start3A_125 = tpu.memref_slice %arg11[%dma_start3A_123, %dma_start3A_124] : memref<10112x64xf32, #tpu.memory_space<vmem_shared>> -> memref<10112x64xf32, #tpu.memory_space<vmem_shared>>
        tpu.enqueue_indirect_dma source(%arg10 : memref<128x64xf32, #tpu.memory_space<vmem>>) target(%dma_start3A_125 : memref<10112x64xf32, #tpu.memory_space<vmem_shared>>) offsets(%dma_start3A_122 : memref<128xi32, #tpu.memory_space<vmem>>) semaphore(%arg14 : memref<!tpu.dma_semaphore, #tpu.memory_space<semaphore_mem>>) {add = true}
        %dma_wait3A_126 = arith.constant 0 : i32
        %dma_wait3A_127 = tpu.memref_slice %arg8[%add3A_113, %dma_wait3A_126] : memref<158x128xi32, #tpu.memory_space<vmem>> -> memref<1x128xi32, #tpu.memory_space<vmem>>
        %dma_wait3A_128 = tpu.memref_squeeze %dma_wait3A_127 : memref<1x128xi32, #tpu.memory_space<vmem>> -> memref<128xi32, #tpu.memory_space<vmem>>
        %dma_wait3A_129 = arith.constant 0 : i32
        %dma_wait3A_130 = arith.constant 0 : i32
        %dma_wait3A_131 = tpu.memref_slice %arg11[%dma_wait3A_129, %dma_wait3A_130] : memref<10112x64xf32, #tpu.memory_space<vmem_shared>> -> memref<10112x64xf32, #tpu.memory_space<vmem_shared>>
        tpu.wait_indirect_dma semaphore(%arg14 : memref<!tpu.dma_semaphore, #tpu.memory_space<semaphore_mem>>) src(%arg10 : memref<128x64xf32, #tpu.memory_space<vmem>>) dst(%dma_wait3A_131 : memref<10112x64xf32, #tpu.memory_space<vmem_shared>>)
        %add3A_132 = arith.constant 2 : i32
        %add3A_133 = arith.addi %add3A_113, %add3A_132 : i32
        %dma_start3A_134 = arith.constant 0 : i32
        %dma_start3A_135 = tpu.memref_slice %arg7[%add3A_133, %dma_start3A_134] : memref<158x128xi32, #tpu.memory_space<vmem>> -> memref<1x128xi32, #tpu.memory_space<vmem>>
        %dma_start3A_136 = tpu.memref_squeeze %dma_start3A_135 : memref<1x128xi32, #tpu.memory_space<vmem>> -> memref<128xi32, #tpu.memory_space<vmem>>
        %dma_start3A_137 = arith.constant 0 : i32
        %dma_start3A_138 = arith.constant 0 : i32
        %dma_start3A_139 = tpu.memref_slice %arg3[%dma_start3A_137, %dma_start3A_138] : memref<10112x64xf32, #tpu.memory_space<hbm>> -> memref<10112x64xf32, #tpu.memory_space<hbm>>
        tpu.enqueue_indirect_dma source(%dma_start3A_139 : memref<10112x64xf32, #tpu.memory_space<hbm>>) target(%arg10 : memref<128x64xf32, #tpu.memory_space<vmem>>) offsets(%dma_start3A_136 : memref<128xi32, #tpu.memory_space<vmem>>) semaphore(%arg13 : memref<!tpu.dma_semaphore, #tpu.memory_space<semaphore_mem>>)
      }
      %scan3A_38 = arith.constant 78 : i32
      %dma_wait3A = arith.constant 156 : i32
      %dma_wait3A_39 = arith.constant 0 : i32
      %dma_wait3A_40 = tpu.memref_slice %arg7[%dma_wait3A, %dma_wait3A_39] : memref<158x128xi32, #tpu.memory_space<vmem>> -> memref<1x128xi32, #tpu.memory_space<vmem>>
      %dma_wait3A_41 = tpu.memref_squeeze %dma_wait3A_40 : memref<1x128xi32, #tpu.memory_space<vmem>> -> memref<128xi32, #tpu.memory_space<vmem>>
      %dma_wait3A_42 = arith.constant 0 : i32
      %dma_wait3A_43 = arith.constant 0 : i32
      %dma_wait3A_44 = tpu.memref_slice %arg3[%dma_wait3A_42, %dma_wait3A_43] : memref<10112x64xf32, #tpu.memory_space<hbm>> -> memref<10112x64xf32, #tpu.memory_space<hbm>>
      tpu.wait_indirect_dma semaphore(%arg12 : memref<!tpu.dma_semaphore, #tpu.memory_space<semaphore_mem>>) src(%dma_wait3A_44 : memref<10112x64xf32, #tpu.memory_space<hbm>>) dst(%arg9 : memref<128x64xf32, #tpu.memory_space<vmem>>)
      %dma_start3A_45 = arith.constant 156 : i32
      %dma_start3A_46 = arith.constant 0 : i32
      %dma_start3A_47 = tpu.memref_slice %arg8[%dma_start3A_45, %dma_start3A_46] : memref<158x128xi32, #tpu.memory_space<vmem>> -> memref<1x128xi32, #tpu.memory_space<vmem>>
      %dma_start3A_48 = tpu.memref_squeeze %dma_start3A_47 : memref<1x128xi32, #tpu.memory_space<vmem>> -> memref<128xi32, #tpu.memory_space<vmem>>
      %dma_start3A_49 = arith.constant 0 : i32
      %dma_start3A_50 = arith.constant 0 : i32
      %dma_start3A_51 = tpu.memref_slice %arg11[%dma_start3A_49, %dma_start3A_50] : memref<10112x64xf32, #tpu.memory_space<vmem_shared>> -> memref<10112x64xf32, #tpu.memory_space<vmem_shared>>
      tpu.enqueue_indirect_dma source(%arg9 : memref<128x64xf32, #tpu.memory_space<vmem>>) target(%dma_start3A_51 : memref<10112x64xf32, #tpu.memory_space<vmem_shared>>) offsets(%dma_start3A_48 : memref<128xi32, #tpu.memory_space<vmem>>) semaphore(%arg14 : memref<!tpu.dma_semaphore, #tpu.memory_space<semaphore_mem>>) {add = true}
      %dma_wait3A_52 = arith.constant 156 : i32
      %dma_wait3A_53 = arith.constant 0 : i32
      %dma_wait3A_54 = tpu.memref_slice %arg8[%dma_wait3A_52, %dma_wait3A_53] : memref<158x128xi32, #tpu.memory_space<vmem>> -> memref<1x128xi32, #tpu.memory_space<vmem>>
      %dma_wait3A_55 = tpu.memref_squeeze %dma_wait3A_54 : memref<1x128xi32, #tpu.memory_space<vmem>> -> memref<128xi32, #tpu.memory_space<vmem>>
      %dma_wait3A_56 = arith.constant 0 : i32
      %dma_wait3A_57 = arith.constant 0 : i32
      %dma_wait3A_58 = tpu.memref_slice %arg11[%dma_wait3A_56, %dma_wait3A_57] : memref<10112x64xf32, #tpu.memory_space<vmem_shared>> -> memref<10112x64xf32, #tpu.memory_space<vmem_shared>>
      tpu.wait_indirect_dma semaphore(%arg14 : memref<!tpu.dma_semaphore, #tpu.memory_space<semaphore_mem>>) src(%arg9 : memref<128x64xf32, #tpu.memory_space<vmem>>) dst(%dma_wait3A_58 : memref<10112x64xf32, #tpu.memory_space<vmem_shared>>)
      %dma_wait3A_59 = arith.constant 157 : i32
      %dma_wait3A_60 = arith.constant 0 : i32
      %dma_wait3A_61 = tpu.memref_slice %arg7[%dma_wait3A_59, %dma_wait3A_60] : memref<158x128xi32, #tpu.memory_space<vmem>> -> memref<1x128xi32, #tpu.memory_space<vmem>>
      %dma_wait3A_62 = tpu.memref_squeeze %dma_wait3A_61 : memref<1x128xi32, #tpu.memory_space<vmem>> -> memref<128xi32, #tpu.memory_space<vmem>>
      %dma_wait3A_63 = arith.constant 0 : i32
      %dma_wait3A_64 = arith.constant 0 : i32
      %dma_wait3A_65 = tpu.memref_slice %arg3[%dma_wait3A_63, %dma_wait3A_64] : memref<10112x64xf32, #tpu.memory_space<hbm>> -> memref<10112x64xf32, #tpu.memory_space<hbm>>
      tpu.wait_indirect_dma semaphore(%arg13 : memref<!tpu.dma_semaphore, #tpu.memory_space<semaphore_mem>>) src(%dma_wait3A_65 : memref<10112x64xf32, #tpu.memory_space<hbm>>) dst(%arg10 : memref<128x64xf32, #tpu.memory_space<vmem>>)
      %dma_start3A_66 = arith.constant 157 : i32
      %dma_start3A_67 = arith.constant 0 : i32
      %dma_start3A_68 = tpu.memref_slice %arg8[%dma_start3A_66, %dma_start3A_67] : memref<158x128xi32, #tpu.memory_space<vmem>> -> memref<1x128xi32, #tpu.memory_space<vmem>>
      %dma_start3A_69 = tpu.memref_squeeze %dma_start3A_68 : memref<1x128xi32, #tpu.memory_space<vmem>> -> memref<128xi32, #tpu.memory_space<vmem>>
      %dma_start3A_70 = arith.constant 0 : i32
      %dma_start3A_71 = arith.constant 0 : i32
      %dma_start3A_72 = tpu.memref_slice %arg11[%dma_start3A_70, %dma_start3A_71] : memref<10112x64xf32, #tpu.memory_space<vmem_shared>> -> memref<10112x64xf32, #tpu.memory_space<vmem_shared>>
      tpu.enqueue_indirect_dma source(%arg10 : memref<128x64xf32, #tpu.memory_space<vmem>>) target(%dma_start3A_72 : memref<10112x64xf32, #tpu.memory_space<vmem_shared>>) offsets(%dma_start3A_69 : memref<128xi32, #tpu.memory_space<vmem>>) semaphore(%arg14 : memref<!tpu.dma_semaphore, #tpu.memory_space<semaphore_mem>>) {add = true}
      %dma_wait3A_73 = arith.constant 157 : i32
      %dma_wait3A_74 = arith.constant 0 : i32
      %dma_wait3A_75 = tpu.memref_slice %arg8[%dma_wait3A_73, %dma_wait3A_74] : memref<158x128xi32, #tpu.memory_space<vmem>> -> memref<1x128xi32, #tpu.memory_space<vmem>>
      %dma_wait3A_76 = tpu.memref_squeeze %dma_wait3A_75 : memref<1x128xi32, #tpu.memory_space<vmem>> -> memref<128xi32, #tpu.memory_space<vmem>>
      %dma_wait3A_77 = arith.constant 0 : i32
      %dma_wait3A_78 = arith.constant 0 : i32
      %dma_wait3A_79 = tpu.memref_slice %arg11[%dma_wait3A_77, %dma_wait3A_78] : memref<10112x64xf32, #tpu.memory_space<vmem_shared>> -> memref<10112x64xf32, #tpu.memory_space<vmem_shared>>
      tpu.wait_indirect_dma semaphore(%arg14 : memref<!tpu.dma_semaphore, #tpu.memory_space<semaphore_mem>>) src(%arg10 : memref<128x64xf32, #tpu.memory_space<vmem>>) dst(%dma_wait3A_79 : memref<10112x64xf32, #tpu.memory_space<vmem_shared>>)
    } else {
    }
    %barrier3A_17 = arith.constant 0 : index
    tpu.barrier barrier_id(%barrier3A_17)
    %mul3A = arith.constant 632 : i32
    %mul3A_18 = arith.muli %arg1, %mul3A : i32
    %mul3A_19 = arith.constant 632 : i32
    %mul3A_20 = arith.muli %arg1, %mul3A_19 : i32
    "tpu.region"() ({
      %run_scoped3A = tpu.sem_alloc : memref<!tpu.dma_semaphore, #tpu.memory_space<semaphore_mem>>
      %dma_start3A = arith.constant 0 : i32
      %dma_start3A_21 = tpu.memref_slice %arg6[%arg0, %mul3A_20, %dma_start3A] : memref<2x10112x64xf32, #tpu.memory_space<hbm>> -> memref<1x632x64xf32, #tpu.memory_space<hbm>>
      %dma_start3A_22 = tpu.memref_squeeze %dma_start3A_21 : memref<1x632x64xf32, #tpu.memory_space<hbm>> -> memref<632x64xf32, #tpu.memory_space<hbm>>
      %dma_start3A_23 = arith.constant 0 : i32
      %dma_start3A_24 = tpu.memref_slice %arg11[%mul3A_18, %dma_start3A_23] : memref<10112x64xf32, #tpu.memory_space<vmem_shared>> -> memref<632x64xf32, #tpu.memory_space<vmem_shared>>
      tpu.enqueue_dma source(%dma_start3A_24 : memref<632x64xf32, #tpu.memory_space<vmem_shared>>) target(%dma_start3A_22 : memref<632x64xf32, #tpu.memory_space<hbm>>) target_semaphore(%run_scoped3A : memref<!tpu.dma_semaphore, #tpu.memory_space<semaphore_mem>>)
      %dma_wait3A = arith.constant 0 : i32
      %dma_wait3A_25 = tpu.memref_slice %arg6[%arg0, %mul3A_20, %dma_wait3A] : memref<2x10112x64xf32, #tpu.memory_space<hbm>> -> memref<1x632x64xf32, #tpu.memory_space<hbm>>
      %dma_wait3A_26 = tpu.memref_squeeze %dma_wait3A_25 : memref<1x632x64xf32, #tpu.memory_space<hbm>> -> memref<632x64xf32, #tpu.memory_space<hbm>>
      %dma_wait3A_27 = arith.constant 0 : i32
      %dma_wait3A_28 = tpu.memref_slice %arg11[%mul3A_18, %dma_wait3A_27] : memref<10112x64xf32, #tpu.memory_space<vmem_shared>> -> memref<632x64xf32, #tpu.memory_space<vmem_shared>>
      tpu.wait_dma2 semaphore(%run_scoped3A : memref<!tpu.dma_semaphore, #tpu.memory_space<semaphore_mem>>) src(%dma_wait3A_28 : memref<632x64xf32, #tpu.memory_space<vmem_shared>>) dst(%dma_wait3A_26 : memref<632x64xf32, #tpu.memory_space<hbm>>)
      tpu.yield
    }) : () -> ()
    return
  }
}

#map = affine_map<(d0, d1) -> (0, 0, 0)>
module attributes {stable_mosaic.version = 14 : i64} {
  func.func @_deg_body(%arg0: i32, %arg1: i32, %arg2: memref<16x158x128xi32, #tpu.memory_space<hbm>>, %arg3: memref<2x1x10112xf32, #tpu.memory_space<hbm>>, %arg4: memref<158x128xi32, #tpu.memory_space<vmem>>, %arg5: memref<128xf32, #tpu.memory_space<vmem>>, %arg6: memref<640xf32, #tpu.memory_space<vmem>>, %arg7: memref<10112xf32, #tpu.memory_space<vmem_shared>>) attributes {dimension_semantics = [#tpu.dimension_semantics<core_parallel>, #tpu.dimension_semantics<subcore_parallel>], iteration_bounds = array<i64: 2, 16>, scalar_prefetch = 0 : i64, scratch_operands = 4 : i64, tpu.core_type = #tpu.core_type<sc_vector_subcore>, window_params = [{transform_indices = #map}, {transform_indices = #map}]} {
    %broadcast_in_dim3A = arith.constant 1.000000e+00 : f32
    %broadcast_in_dim3A_0 = vector.broadcast %broadcast_in_dim3A : f32 to vector<16xf32>
    %swap3A = arith.constant 0 : index
    %swap3A_1 = tpu.vector_load %arg5[%swap3A] {strides = array<i32>} : memref<128xf32, #tpu.memory_space<vmem>>, vector<16xf32>,
    %swap3A_2 = vector.shape_cast %swap3A_1 : vector<16xf32> to vector<16xf32>
    %swap3A_3 = vector.shape_cast %broadcast_in_dim3A_0 : vector<16xf32> to vector<16xf32>
    tpu.vector_store %arg5[%swap3A], %swap3A_3 {strides = array<i32>} : memref<128xf32, #tpu.memory_space<vmem>>, vector<16xf32>,
    %broadcast_in_dim3A_4 = arith.constant 1.000000e+00 : f32
    %broadcast_in_dim3A_5 = vector.broadcast %broadcast_in_dim3A_4 : f32 to vector<16xf32>
    %swap3A_6 = arith.constant 16 : index
    %swap3A_7 = tpu.vector_load %arg5[%swap3A_6] {strides = array<i32>} : memref<128xf32, #tpu.memory_space<vmem>>, vector<16xf32>,
    %swap3A_8 = vector.shape_cast %swap3A_7 : vector<16xf32> to vector<16xf32>
    %swap3A_9 = vector.shape_cast %broadcast_in_dim3A_5 : vector<16xf32> to vector<16xf32>
    tpu.vector_store %arg5[%swap3A_6], %swap3A_9 {strides = array<i32>} : memref<128xf32, #tpu.memory_space<vmem>>, vector<16xf32>,
    %broadcast_in_dim3A_10 = arith.constant 1.000000e+00 : f32
    %broadcast_in_dim3A_11 = vector.broadcast %broadcast_in_dim3A_10 : f32 to vector<16xf32>
    %swap3A_12 = arith.constant 32 : index
    %swap3A_13 = tpu.vector_load %arg5[%swap3A_12] {strides = array<i32>} : memref<128xf32, #tpu.memory_space<vmem>>, vector<16xf32>,
    %swap3A_14 = vector.shape_cast %swap3A_13 : vector<16xf32> to vector<16xf32>
    %swap3A_15 = vector.shape_cast %broadcast_in_dim3A_11 : vector<16xf32> to vector<16xf32>
    tpu.vector_store %arg5[%swap3A_12], %swap3A_15 {strides = array<i32>} : memref<128xf32, #tpu.memory_space<vmem>>, vector<16xf32>,
    %broadcast_in_dim3A_16 = arith.constant 1.000000e+00 : f32
    %broadcast_in_dim3A_17 = vector.broadcast %broadcast_in_dim3A_16 : f32 to vector<16xf32>
    %swap3A_18 = arith.constant 48 : index
    %swap3A_19 = tpu.vector_load %arg5[%swap3A_18] {strides = array<i32>} : memref<128xf32, #tpu.memory_space<vmem>>, vector<16xf32>,
    %swap3A_20 = vector.shape_cast %swap3A_19 : vector<16xf32> to vector<16xf32>
    %swap3A_21 = vector.shape_cast %broadcast_in_dim3A_17 : vector<16xf32> to vector<16xf32>
    tpu.vector_store %arg5[%swap3A_18], %swap3A_21 {strides = array<i32>} : memref<128xf32, #tpu.memory_space<vmem>>, vector<16xf32>,
    %broadcast_in_dim3A_22 = arith.constant 1.000000e+00 : f32
    %broadcast_in_dim3A_23 = vector.broadcast %broadcast_in_dim3A_22 : f32 to vector<16xf32>
    %swap3A_24 = arith.constant 64 : index
    %swap3A_25 = tpu.vector_load %arg5[%swap3A_24] {strides = array<i32>} : memref<128xf32, #tpu.memory_space<vmem>>, vector<16xf32>,
    %swap3A_26 = vector.shape_cast %swap3A_25 : vector<16xf32> to vector<16xf32>
    %swap3A_27 = vector.shape_cast %broadcast_in_dim3A_23 : vector<16xf32> to vector<16xf32>
    tpu.vector_store %arg5[%swap3A_24], %swap3A_27 {strides = array<i32>} : memref<128xf32, #tpu.memory_space<vmem>>, vector<16xf32>,
    %broadcast_in_dim3A_28 = arith.constant 1.000000e+00 : f32
    %broadcast_in_dim3A_29 = vector.broadcast %broadcast_in_dim3A_28 : f32 to vector<16xf32>
    %swap3A_30 = arith.constant 80 : index
    %swap3A_31 = tpu.vector_load %arg5[%swap3A_30] {strides = array<i32>} : memref<128xf32, #tpu.memory_space<vmem>>, vector<16xf32>,
    %swap3A_32 = vector.shape_cast %swap3A_31 : vector<16xf32> to vector<16xf32>
    %swap3A_33 = vector.shape_cast %broadcast_in_dim3A_29 : vector<16xf32> to vector<16xf32>
    tpu.vector_store %arg5[%swap3A_30], %swap3A_33 {strides = array<i32>} : memref<128xf32, #tpu.memory_space<vmem>>, vector<16xf32>,
    %broadcast_in_dim3A_34 = arith.constant 1.000000e+00 : f32
    %broadcast_in_dim3A_35 = vector.broadcast %broadcast_in_dim3A_34 : f32 to vector<16xf32>
    %swap3A_36 = arith.constant 96 : index
    %swap3A_37 = tpu.vector_load %arg5[%swap3A_36] {strides = array<i32>} : memref<128xf32, #tpu.memory_space<vmem>>, vector<16xf32>,
    %swap3A_38 = vector.shape_cast %swap3A_37 : vector<16xf32> to vector<16xf32>
    %swap3A_39 = vector.shape_cast %broadcast_in_dim3A_35 : vector<16xf32> to vector<16xf32>
    tpu.vector_store %arg5[%swap3A_36], %swap3A_39 {strides = array<i32>} : memref<128xf32, #tpu.memory_space<vmem>>, vector<16xf32>,
    %broadcast_in_dim3A_40 = arith.constant 1.000000e+00 : f32
    %broadcast_in_dim3A_41 = vector.broadcast %broadcast_in_dim3A_40 : f32 to vector<16xf32>
    %swap3A_42 = arith.constant 112 : index
    %swap3A_43 = tpu.vector_load %arg5[%swap3A_42] {strides = array<i32>} : memref<128xf32, #tpu.memory_space<vmem>>, vector<16xf32>,
    %swap3A_44 = vector.shape_cast %swap3A_43 : vector<16xf32> to vector<16xf32>
    %swap3A_45 = vector.shape_cast %broadcast_in_dim3A_41 : vector<16xf32> to vector<16xf32>
    tpu.vector_store %arg5[%swap3A_42], %swap3A_45 {strides = array<i32>} : memref<128xf32, #tpu.memory_space<vmem>>, vector<16xf32>,
    %broadcast_in_dim3A_46 = arith.constant 0.000000e+00 : f32
    %broadcast_in_dim3A_47 = vector.broadcast %broadcast_in_dim3A_46 : f32 to vector<16xf32>
    %swap3A_48 = arith.constant 0 : index
    %swap3A_49 = tpu.vector_load %arg6[%swap3A_48] {strides = array<i32>} : memref<640xf32, #tpu.memory_space<vmem>>, vector<16xf32>,
    %swap3A_50 = vector.shape_cast %swap3A_49 : vector<16xf32> to vector<16xf32>
    %swap3A_51 = vector.shape_cast %broadcast_in_dim3A_47 : vector<16xf32> to vector<16xf32>
    tpu.vector_store %arg6[%swap3A_48], %swap3A_51 {strides = array<i32>} : memref<640xf32, #tpu.memory_space<vmem>>, vector<16xf32>,
    %broadcast_in_dim3A_52 = arith.constant 0.000000e+00 : f32
    %broadcast_in_dim3A_53 = vector.broadcast %broadcast_in_dim3A_52 : f32 to vector<16xf32>
    %swap3A_54 = arith.constant 16 : index
    %swap3A_55 = tpu.vector_load %arg6[%swap3A_54] {strides = array<i32>} : memref<640xf32, #tpu.memory_space<vmem>>, vector<16xf32>,
    %swap3A_56 = vector.shape_cast %swap3A_55 : vector<16xf32> to vector<16xf32>
    %swap3A_57 = vector.shape_cast %broadcast_in_dim3A_53 : vector<16xf32> to vector<16xf32>
    tpu.vector_store %arg6[%swap3A_54], %swap3A_57 {strides = array<i32>} : memref<640xf32, #tpu.memory_space<vmem>>, vector<16xf32>,
    %broadcast_in_dim3A_58 = arith.constant 0.000000e+00 : f32
    %broadcast_in_dim3A_59 = vector.broadcast %broadcast_in_dim3A_58 : f32 to vector<16xf32>
    %swap3A_60 = arith.constant 32 : index
    %swap3A_61 = tpu.vector_load %arg6[%swap3A_60] {strides = array<i32>} : memref<640xf32, #tpu.memory_space<vmem>>, vector<16xf32>,
    %swap3A_62 = vector.shape_cast %swap3A_61 : vector<16xf32> to vector<16xf32>
    %swap3A_63 = vector.shape_cast %broadcast_in_dim3A_59 : vector<16xf32> to vector<16xf32>
    tpu.vector_store %arg6[%swap3A_60], %swap3A_63 {strides = array<i32>} : memref<640xf32, #tpu.memory_space<vmem>>, vector<16xf32>,
    %broadcast_in_dim3A_64 = arith.constant 0.000000e+00 : f32
    %broadcast_in_dim3A_65 = vector.broadcast %broadcast_in_dim3A_64 : f32 to vector<16xf32>
    %swap3A_66 = arith.constant 48 : index
    %swap3A_67 = tpu.vector_load %arg6[%swap3A_66] {strides = array<i32>} : memref<640xf32, #tpu.memory_space<vmem>>, vector<16xf32>,
    %swap3A_68 = vector.shape_cast %swap3A_67 : vector<16xf32> to vector<16xf32>
    %swap3A_69 = vector.shape_cast %broadcast_in_dim3A_65 : vector<16xf32> to vector<16xf32>
    tpu.vector_store %arg6[%swap3A_66], %swap3A_69 {strides = array<i32>} : memref<640xf32, #tpu.memory_space<vmem>>, vector<16xf32>,
    %broadcast_in_dim3A_70 = arith.constant 0.000000e+00 : f32
    %broadcast_in_dim3A_71 = vector.broadcast %broadcast_in_dim3A_70 : f32 to vector<16xf32>
    %swap3A_72 = arith.constant 64 : index
    %swap3A_73 = tpu.vector_load %arg6[%swap3A_72] {strides = array<i32>} : memref<640xf32, #tpu.memory_space<vmem>>, vector<16xf32>,
    %swap3A_74 = vector.shape_cast %swap3A_73 : vector<16xf32> to vector<16xf32>
    %swap3A_75 = vector.shape_cast %broadcast_in_dim3A_71 : vector<16xf32> to vector<16xf32>
    tpu.vector_store %arg6[%swap3A_72], %swap3A_75 {strides = array<i32>} : memref<640xf32, #tpu.memory_space<vmem>>, vector<16xf32>,
    %broadcast_in_dim3A_76 = arith.constant 0.000000e+00 : f32
    %broadcast_in_dim3A_77 = vector.broadcast %broadcast_in_dim3A_76 : f32 to vector<16xf32>
    %swap3A_78 = arith.constant 80 : index
    %swap3A_79 = tpu.vector_load %arg6[%swap3A_78] {strides = array<i32>} : memref<640xf32, #tpu.memory_space<vmem>>, vector<16xf32>,
    %swap3A_80 = vector.shape_cast %swap3A_79 : vector<16xf32> to vector<16xf32>
    %swap3A_81 = vector.shape_cast %broadcast_in_dim3A_77 : vector<16xf32> to vector<16xf32>
    tpu.vector_store %arg6[%swap3A_78], %swap3A_81 {strides = array<i32>} : memref<640xf32, #tpu.memory_space<vmem>>, vector<16xf32>,
    %broadcast_in_dim3A_82 = arith.constant 0.000000e+00 : f32
    %broadcast_in_dim3A_83 = vector.broadcast %broadcast_in_dim3A_82 : f32 to vector<16xf32>
    %swap3A_84 = arith.constant 96 : index
    %swap3A_85 = tpu.vector_load %arg6[%swap3A_84] {strides = array<i32>} : memref<640xf32, #tpu.memory_space<vmem>>, vector<16xf32>,
    %swap3A_86 = vector.shape_cast %swap3A_85 : vector<16xf32> to vector<16xf32>
    %swap3A_87 = vector.shape_cast %broadcast_in_dim3A_83 : vector<16xf32> to vector<16xf32>
    tpu.vector_store %arg6[%swap3A_84], %swap3A_87 {strides = array<i32>} : memref<640xf32, #tpu.memory_space<vmem>>, vector<16xf32>,
    %broadcast_in_dim3A_88 = arith.constant 0.000000e+00 : f32
    %broadcast_in_dim3A_89 = vector.broadcast %broadcast_in_dim3A_88 : f32 to vector<16xf32>
    %swap3A_90 = arith.constant 112 : index
    %swap3A_91 = tpu.vector_load %arg6[%swap3A_90] {strides = array<i32>} : memref<640xf32, #tpu.memory_space<vmem>>, vector<16xf32>,
    %swap3A_92 = vector.shape_cast %swap3A_91 : vector<16xf32> to vector<16xf32>
    %swap3A_93 = vector.shape_cast %broadcast_in_dim3A_89 : vector<16xf32> to vector<16xf32>
    tpu.vector_store %arg6[%swap3A_90], %swap3A_93 {strides = array<i32>} : memref<640xf32, #tpu.memory_space<vmem>>, vector<16xf32>,
    %broadcast_in_dim3A_94 = arith.constant 0.000000e+00 : f32
    %broadcast_in_dim3A_95 = vector.broadcast %broadcast_in_dim3A_94 : f32 to vector<16xf32>
    %swap3A_96 = arith.constant 128 : index
    %swap3A_97 = tpu.vector_load %arg6[%swap3A_96] {strides = array<i32>} : memref<640xf32, #tpu.memory_space<vmem>>, vector<16xf32>,
    %swap3A_98 = vector.shape_cast %swap3A_97 : vector<16xf32> to vector<16xf32>
    %swap3A_99 = vector.shape_cast %broadcast_in_dim3A_95 : vector<16xf32> to vector<16xf32>
    tpu.vector_store %arg6[%swap3A_96], %swap3A_99 {strides = array<i32>} : memref<640xf32, #tpu.memory_space<vmem>>, vector<16xf32>,
    %broadcast_in_dim3A_100 = arith.constant 0.000000e+00 : f32
    %broadcast_in_dim3A_101 = vector.broadcast %broadcast_in_dim3A_100 : f32 to vector<16xf32>
    %swap3A_102 = arith.constant 144 : index
    %swap3A_103 = tpu.vector_load %arg6[%swap3A_102] {strides = array<i32>} : memref<640xf32, #tpu.memory_space<vmem>>, vector<16xf32>,
    %swap3A_104 = vector.shape_cast %swap3A_103 : vector<16xf32> to vector<16xf32>
    %swap3A_105 = vector.shape_cast %broadcast_in_dim3A_101 : vector<16xf32> to vector<16xf32>
    tpu.vector_store %arg6[%swap3A_102], %swap3A_105 {strides = array<i32>} : memref<640xf32, #tpu.memory_space<vmem>>, vector<16xf32>,
    %broadcast_in_dim3A_106 = arith.constant 0.000000e+00 : f32
    %broadcast_in_dim3A_107 = vector.broadcast %broadcast_in_dim3A_106 : f32 to vector<16xf32>
    %swap3A_108 = arith.constant 160 : index
    %swap3A_109 = tpu.vector_load %arg6[%swap3A_108] {strides = array<i32>} : memref<640xf32, #tpu.memory_space<vmem>>, vector<16xf32>,
    %swap3A_110 = vector.shape_cast %swap3A_109 : vector<16xf32> to vector<16xf32>
    %swap3A_111 = vector.shape_cast %broadcast_in_dim3A_107 : vector<16xf32> to vector<16xf32>
    tpu.vector_store %arg6[%swap3A_108], %swap3A_111 {strides = array<i32>} : memref<640xf32, #tpu.memory_space<vmem>>, vector<16xf32>,
    %broadcast_in_dim3A_112 = arith.constant 0.000000e+00 : f32
    %broadcast_in_dim3A_113 = vector.broadcast %broadcast_in_dim3A_112 : f32 to vector<16xf32>
    %swap3A_114 = arith.constant 176 : index
    %swap3A_115 = tpu.vector_load %arg6[%swap3A_114] {strides = array<i32>} : memref<640xf32, #tpu.memory_space<vmem>>, vector<16xf32>,
    %swap3A_116 = vector.shape_cast %swap3A_115 : vector<16xf32> to vector<16xf32>
    %swap3A_117 = vector.shape_cast %broadcast_in_dim3A_113 : vector<16xf32> to vector<16xf32>
    tpu.vector_store %arg6[%swap3A_114], %swap3A_117 {strides = array<i32>} : memref<640xf32, #tpu.memory_space<vmem>>, vector<16xf32>,
    %broadcast_in_dim3A_118 = arith.constant 0.000000e+00 : f32
    %broadcast_in_dim3A_119 = vector.broadcast %broadcast_in_dim3A_118 : f32 to vector<16xf32>
    %swap3A_120 = arith.constant 192 : index
    %swap3A_121 = tpu.vector_load %arg6[%swap3A_120] {strides = array<i32>} : memref<640xf32, #tpu.memory_space<vmem>>, vector<16xf32>,
    %swap3A_122 = vector.shape_cast %swap3A_121 : vector<16xf32> to vector<16xf32>
    %swap3A_123 = vector.shape_cast %broadcast_in_dim3A_119 : vector<16xf32> to vector<16xf32>
    tpu.vector_store %arg6[%swap3A_120], %swap3A_123 {strides = array<i32>} : memref<640xf32, #tpu.memory_space<vmem>>, vector<16xf32>,
    %broadcast_in_dim3A_124 = arith.constant 0.000000e+00 : f32
    %broadcast_in_dim3A_125 = vector.broadcast %broadcast_in_dim3A_124 : f32 to vector<16xf32>
    %swap3A_126 = arith.constant 208 : index
    %swap3A_127 = tpu.vector_load %arg6[%swap3A_126] {strides = array<i32>} : memref<640xf32, #tpu.memory_space<vmem>>, vector<16xf32>,
    %swap3A_128 = vector.shape_cast %swap3A_127 : vector<16xf32> to vector<16xf32>
    %swap3A_129 = vector.shape_cast %broadcast_in_dim3A_125 : vector<16xf32> to vector<16xf32>
    tpu.vector_store %arg6[%swap3A_126], %swap3A_129 {strides = array<i32>} : memref<640xf32, #tpu.memory_space<vmem>>, vector<16xf32>,
    %broadcast_in_dim3A_130 = arith.constant 0.000000e+00 : f32
    %broadcast_in_dim3A_131 = vector.broadcast %broadcast_in_dim3A_130 : f32 to vector<16xf32>
    %swap3A_132 = arith.constant 224 : index
    %swap3A_133 = tpu.vector_load %arg6[%swap3A_132] {strides = array<i32>} : memref<640xf32, #tpu.memory_space<vmem>>, vector<16xf32>,
    %swap3A_134 = vector.shape_cast %swap3A_133 : vector<16xf32> to vector<16xf32>
    %swap3A_135 = vector.shape_cast %broadcast_in_dim3A_131 : vector<16xf32> to vector<16xf32>
    tpu.vector_store %arg6[%swap3A_132], %swap3A_135 {strides = array<i32>} : memref<640xf32, #tpu.memory_space<vmem>>, vector<16xf32>,
    %broadcast_in_dim3A_136 = arith.constant 0.000000e+00 : f32
    %broadcast_in_dim3A_137 = vector.broadcast %broadcast_in_dim3A_136 : f32 to vector<16xf32>
    %swap3A_138 = arith.constant 240 : index
    %swap3A_139 = tpu.vector_load %arg6[%swap3A_138] {strides = array<i32>} : memref<640xf32, #tpu.memory_space<vmem>>, vector<16xf32>,
    %swap3A_140 = vector.shape_cast %swap3A_139 : vector<16xf32> to vector<16xf32>
    %swap3A_141 = vector.shape_cast %broadcast_in_dim3A_137 : vector<16xf32> to vector<16xf32>
    tpu.vector_store %arg6[%swap3A_138], %swap3A_141 {strides = array<i32>} : memref<640xf32, #tpu.memory_space<vmem>>, vector<16xf32>,
    %broadcast_in_dim3A_142 = arith.constant 0.000000e+00 : f32
    %broadcast_in_dim3A_143 = vector.broadcast %broadcast_in_dim3A_142 : f32 to vector<16xf32>
    %swap3A_144 = arith.constant 256 : index
    %swap3A_145 = tpu.vector_load %arg6[%swap3A_144] {strides = array<i32>} : memref<640xf32, #tpu.memory_space<vmem>>, vector<16xf32>,
    %swap3A_146 = vector.shape_cast %swap3A_145 : vector<16xf32> to vector<16xf32>
    %swap3A_147 = vector.shape_cast %broadcast_in_dim3A_143 : vector<16xf32> to vector<16xf32>
    tpu.vector_store %arg6[%swap3A_144], %swap3A_147 {strides = array<i32>} : memref<640xf32, #tpu.memory_space<vmem>>, vector<16xf32>,
    %broadcast_in_dim3A_148 = arith.constant 0.000000e+00 : f32
    %broadcast_in_dim3A_149 = vector.broadcast %broadcast_in_dim3A_148 : f32 to vector<16xf32>
    %swap3A_150 = arith.constant 272 : index
    %swap3A_151 = tpu.vector_load %arg6[%swap3A_150] {strides = array<i32>} : memref<640xf32, #tpu.memory_space<vmem>>, vector<16xf32>,
    %swap3A_152 = vector.shape_cast %swap3A_151 : vector<16xf32> to vector<16xf32>
    %swap3A_153 = vector.shape_cast %broadcast_in_dim3A_149 : vector<16xf32> to vector<16xf32>
    tpu.vector_store %arg6[%swap3A_150], %swap3A_153 {strides = array<i32>} : memref<640xf32, #tpu.memory_space<vmem>>, vector<16xf32>,
    %broadcast_in_dim3A_154 = arith.constant 0.000000e+00 : f32
    %broadcast_in_dim3A_155 = vector.broadcast %broadcast_in_dim3A_154 : f32 to vector<16xf32>
    %swap3A_156 = arith.constant 288 : index
    %swap3A_157 = tpu.vector_load %arg6[%swap3A_156] {strides = array<i32>} : memref<640xf32, #tpu.memory_space<vmem>>, vector<16xf32>,
    %swap3A_158 = vector.shape_cast %swap3A_157 : vector<16xf32> to vector<16xf32>
    %swap3A_159 = vector.shape_cast %broadcast_in_dim3A_155 : vector<16xf32> to vector<16xf32>
    tpu.vector_store %arg6[%swap3A_156], %swap3A_159 {strides = array<i32>} : memref<640xf32, #tpu.memory_space<vmem>>, vector<16xf32>,
    %broadcast_in_dim3A_160 = arith.constant 0.000000e+00 : f32
    %broadcast_in_dim3A_161 = vector.broadcast %broadcast_in_dim3A_160 : f32 to vector<16xf32>
    %swap3A_162 = arith.constant 304 : index
    %swap3A_163 = tpu.vector_load %arg6[%swap3A_162] {strides = array<i32>} : memref<640xf32, #tpu.memory_space<vmem>>, vector<16xf32>,
    %swap3A_164 = vector.shape_cast %swap3A_163 : vector<16xf32> to vector<16xf32>
    %swap3A_165 = vector.shape_cast %broadcast_in_dim3A_161 : vector<16xf32> to vector<16xf32>
    tpu.vector_store %arg6[%swap3A_162], %swap3A_165 {strides = array<i32>} : memref<640xf32, #tpu.memory_space<vmem>>, vector<16xf32>,
    %broadcast_in_dim3A_166 = arith.constant 0.000000e+00 : f32
    %broadcast_in_dim3A_167 = vector.broadcast %broadcast_in_dim3A_166 : f32 to vector<16xf32>
    %swap3A_168 = arith.constant 320 : index
    %swap3A_169 = tpu.vector_load %arg6[%swap3A_168] {strides = array<i32>} : memref<640xf32, #tpu.memory_space<vmem>>, vector<16xf32>,
    %swap3A_170 = vector.shape_cast %swap3A_169 : vector<16xf32> to vector<16xf32>
    %swap3A_171 = vector.shape_cast %broadcast_in_dim3A_167 : vector<16xf32> to vector<16xf32>
    tpu.vector_store %arg6[%swap3A_168], %swap3A_171 {strides = array<i32>} : memref<640xf32, #tpu.memory_space<vmem>>, vector<16xf32>,
    %broadcast_in_dim3A_172 = arith.constant 0.000000e+00 : f32
    %broadcast_in_dim3A_173 = vector.broadcast %broadcast_in_dim3A_172 : f32 to vector<16xf32>
    %swap3A_174 = arith.constant 336 : index
    %swap3A_175 = tpu.vector_load %arg6[%swap3A_174] {strides = array<i32>} : memref<640xf32, #tpu.memory_space<vmem>>, vector<16xf32>,
    %swap3A_176 = vector.shape_cast %swap3A_175 : vector<16xf32> to vector<16xf32>
    %swap3A_177 = vector.shape_cast %broadcast_in_dim3A_173 : vector<16xf32> to vector<16xf32>
    tpu.vector_store %arg6[%swap3A_174], %swap3A_177 {strides = array<i32>} : memref<640xf32, #tpu.memory_space<vmem>>, vector<16xf32>,
    %broadcast_in_dim3A_178 = arith.constant 0.000000e+00 : f32
    %broadcast_in_dim3A_179 = vector.broadcast %broadcast_in_dim3A_178 : f32 to vector<16xf32>
    %swap3A_180 = arith.constant 352 : index
    %swap3A_181 = tpu.vector_load %arg6[%swap3A_180] {strides = array<i32>} : memref<640xf32, #tpu.memory_space<vmem>>, vector<16xf32>,
    %swap3A_182 = vector.shape_cast %swap3A_181 : vector<16xf32> to vector<16xf32>
    %swap3A_183 = vector.shape_cast %broadcast_in_dim3A_179 : vector<16xf32> to vector<16xf32>
    tpu.vector_store %arg6[%swap3A_180], %swap3A_183 {strides = array<i32>} : memref<640xf32, #tpu.memory_space<vmem>>, vector<16xf32>,
    %broadcast_in_dim3A_184 = arith.constant 0.000000e+00 : f32
    %broadcast_in_dim3A_185 = vector.broadcast %broadcast_in_dim3A_184 : f32 to vector<16xf32>
    %swap3A_186 = arith.constant 368 : index
    %swap3A_187 = tpu.vector_load %arg6[%swap3A_186] {strides = array<i32>} : memref<640xf32, #tpu.memory_space<vmem>>, vector<16xf32>,
    %swap3A_188 = vector.shape_cast %swap3A_187 : vector<16xf32> to vector<16xf32>
    %swap3A_189 = vector.shape_cast %broadcast_in_dim3A_185 : vector<16xf32> to vector<16xf32>
    tpu.vector_store %arg6[%swap3A_186], %swap3A_189 {strides = array<i32>} : memref<640xf32, #tpu.memory_space<vmem>>, vector<16xf32>,
    %broadcast_in_dim3A_190 = arith.constant 0.000000e+00 : f32
    %broadcast_in_dim3A_191 = vector.broadcast %broadcast_in_dim3A_190 : f32 to vector<16xf32>
    %swap3A_192 = arith.constant 384 : index
    %swap3A_193 = tpu.vector_load %arg6[%swap3A_192] {strides = array<i32>} : memref<640xf32, #tpu.memory_space<vmem>>, vector<16xf32>,
    %swap3A_194 = vector.shape_cast %swap3A_193 : vector<16xf32> to vector<16xf32>
    %swap3A_195 = vector.shape_cast %broadcast_in_dim3A_191 : vector<16xf32> to vector<16xf32>
    tpu.vector_store %arg6[%swap3A_192], %swap3A_195 {strides = array<i32>} : memref<640xf32, #tpu.memory_space<vmem>>, vector<16xf32>,
    %broadcast_in_dim3A_196 = arith.constant 0.000000e+00 : f32
    %broadcast_in_dim3A_197 = vector.broadcast %broadcast_in_dim3A_196 : f32 to vector<16xf32>
    %swap3A_198 = arith.constant 400 : index
    %swap3A_199 = tpu.vector_load %arg6[%swap3A_198] {strides = array<i32>} : memref<640xf32, #tpu.memory_space<vmem>>, vector<16xf32>,
    %swap3A_200 = vector.shape_cast %swap3A_199 : vector<16xf32> to vector<16xf32>
    %swap3A_201 = vector.shape_cast %broadcast_in_dim3A_197 : vector<16xf32> to vector<16xf32>
    tpu.vector_store %arg6[%swap3A_198], %swap3A_201 {strides = array<i32>} : memref<640xf32, #tpu.memory_space<vmem>>, vector<16xf32>,
    %broadcast_in_dim3A_202 = arith.constant 0.000000e+00 : f32
    %broadcast_in_dim3A_203 = vector.broadcast %broadcast_in_dim3A_202 : f32 to vector<16xf32>
    %swap3A_204 = arith.constant 416 : index
    %swap3A_205 = tpu.vector_load %arg6[%swap3A_204] {strides = array<i32>} : memref<640xf32, #tpu.memory_space<vmem>>, vector<16xf32>,
    %swap3A_206 = vector.shape_cast %swap3A_205 : vector<16xf32> to vector<16xf32>
    %swap3A_207 = vector.shape_cast %broadcast_in_dim3A_203 : vector<16xf32> to vector<16xf32>
    tpu.vector_store %arg6[%swap3A_204], %swap3A_207 {strides = array<i32>} : memref<640xf32, #tpu.memory_space<vmem>>, vector<16xf32>,
    %broadcast_in_dim3A_208 = arith.constant 0.000000e+00 : f32
    %broadcast_in_dim3A_209 = vector.broadcast %broadcast_in_dim3A_208 : f32 to vector<16xf32>
    %swap3A_210 = arith.constant 432 : index
    %swap3A_211 = tpu.vector_load %arg6[%swap3A_210] {strides = array<i32>} : memref<640xf32, #tpu.memory_space<vmem>>, vector<16xf32>,
    %swap3A_212 = vector.shape_cast %swap3A_211 : vector<16xf32> to vector<16xf32>
    %swap3A_213 = vector.shape_cast %broadcast_in_dim3A_209 : vector<16xf32> to vector<16xf32>
    tpu.vector_store %arg6[%swap3A_210], %swap3A_213 {strides = array<i32>} : memref<640xf32, #tpu.memory_space<vmem>>, vector<16xf32>,
    %broadcast_in_dim3A_214 = arith.constant 0.000000e+00 : f32
    %broadcast_in_dim3A_215 = vector.broadcast %broadcast_in_dim3A_214 : f32 to vector<16xf32>
    %swap3A_216 = arith.constant 448 : index
    %swap3A_217 = tpu.vector_load %arg6[%swap3A_216] {strides = array<i32>} : memref<640xf32, #tpu.memory_space<vmem>>, vector<16xf32>,
    %swap3A_218 = vector.shape_cast %swap3A_217 : vector<16xf32> to vector<16xf32>
    %swap3A_219 = vector.shape_cast %broadcast_in_dim3A_215 : vector<16xf32> to vector<16xf32>
    tpu.vector_store %arg6[%swap3A_216], %swap3A_219 {strides = array<i32>} : memref<640xf32, #tpu.memory_space<vmem>>, vector<16xf32>,
    %broadcast_in_dim3A_220 = arith.constant 0.000000e+00 : f32
    %broadcast_in_dim3A_221 = vector.broadcast %broadcast_in_dim3A_220 : f32 to vector<16xf32>
    %swap3A_222 = arith.constant 464 : index
    %swap3A_223 = tpu.vector_load %arg6[%swap3A_222] {strides = array<i32>} : memref<640xf32, #tpu.memory_space<vmem>>, vector<16xf32>,
    %swap3A_224 = vector.shape_cast %swap3A_223 : vector<16xf32> to vector<16xf32>
    %swap3A_225 = vector.shape_cast %broadcast_in_dim3A_221 : vector<16xf32> to vector<16xf32>
    tpu.vector_store %arg6[%swap3A_222], %swap3A_225 {strides = array<i32>} : memref<640xf32, #tpu.memory_space<vmem>>, vector<16xf32>,
    %broadcast_in_dim3A_226 = arith.constant 0.000000e+00 : f32
    %broadcast_in_dim3A_227 = vector.broadcast %broadcast_in_dim3A_226 : f32 to vector<16xf32>
    %swap3A_228 = arith.constant 480 : index
    %swap3A_229 = tpu.vector_load %arg6[%swap3A_228] {strides = array<i32>} : memref<640xf32, #tpu.memory_space<vmem>>, vector<16xf32>,
    %swap3A_230 = vector.shape_cast %swap3A_229 : vector<16xf32> to vector<16xf32>
    %swap3A_231 = vector.shape_cast %broadcast_in_dim3A_227 : vector<16xf32> to vector<16xf32>
    tpu.vector_store %arg6[%swap3A_228], %swap3A_231 {strides = array<i32>} : memref<640xf32, #tpu.memory_space<vmem>>, vector<16xf32>,
    %broadcast_in_dim3A_232 = arith.constant 0.000000e+00 : f32
    %broadcast_in_dim3A_233 = vector.broadcast %broadcast_in_dim3A_232 : f32 to vector<16xf32>
    %swap3A_234 = arith.constant 496 : index
    %swap3A_235 = tpu.vector_load %arg6[%swap3A_234] {strides = array<i32>} : memref<640xf32, #tpu.memory_space<vmem>>, vector<16xf32>,
    %swap3A_236 = vector.shape_cast %swap3A_235 : vector<16xf32> to vector<16xf32>
    %swap3A_237 = vector.shape_cast %broadcast_in_dim3A_233 : vector<16xf32> to vector<16xf32>
    tpu.vector_store %arg6[%swap3A_234], %swap3A_237 {strides = array<i32>} : memref<640xf32, #tpu.memory_space<vmem>>, vector<16xf32>,
    %broadcast_in_dim3A_238 = arith.constant 0.000000e+00 : f32
    %broadcast_in_dim3A_239 = vector.broadcast %broadcast_in_dim3A_238 : f32 to vector<16xf32>
    %swap3A_240 = arith.constant 512 : index
    %swap3A_241 = tpu.vector_load %arg6[%swap3A_240] {strides = array<i32>} : memref<640xf32, #tpu.memory_space<vmem>>, vector<16xf32>,
    %swap3A_242 = vector.shape_cast %swap3A_241 : vector<16xf32> to vector<16xf32>
    %swap3A_243 = vector.shape_cast %broadcast_in_dim3A_239 : vector<16xf32> to vector<16xf32>
    tpu.vector_store %arg6[%swap3A_240], %swap3A_243 {strides = array<i32>} : memref<640xf32, #tpu.memory_space<vmem>>, vector<16xf32>,
    %broadcast_in_dim3A_244 = arith.constant 0.000000e+00 : f32
    %broadcast_in_dim3A_245 = vector.broadcast %broadcast_in_dim3A_244 : f32 to vector<16xf32>
    %swap3A_246 = arith.constant 528 : index
    %swap3A_247 = tpu.vector_load %arg6[%swap3A_246] {strides = array<i32>} : memref<640xf32, #tpu.memory_space<vmem>>, vector<16xf32>,
    %swap3A_248 = vector.shape_cast %swap3A_247 : vector<16xf32> to vector<16xf32>
    %swap3A_249 = vector.shape_cast %broadcast_in_dim3A_245 : vector<16xf32> to vector<16xf32>
    tpu.vector_store %arg6[%swap3A_246], %swap3A_249 {strides = array<i32>} : memref<640xf32, #tpu.memory_space<vmem>>, vector<16xf32>,
    %broadcast_in_dim3A_250 = arith.constant 0.000000e+00 : f32
    %broadcast_in_dim3A_251 = vector.broadcast %broadcast_in_dim3A_250 : f32 to vector<16xf32>
    %swap3A_252 = arith.constant 544 : index
    %swap3A_253 = tpu.vector_load %arg6[%swap3A_252] {strides = array<i32>} : memref<640xf32, #tpu.memory_space<vmem>>, vector<16xf32>,
    %swap3A_254 = vector.shape_cast %swap3A_253 : vector<16xf32> to vector<16xf32>
    %swap3A_255 = vector.shape_cast %broadcast_in_dim3A_251 : vector<16xf32> to vector<16xf32>
    tpu.vector_store %arg6[%swap3A_252], %swap3A_255 {strides = array<i32>} : memref<640xf32, #tpu.memory_space<vmem>>, vector<16xf32>,
    %broadcast_in_dim3A_256 = arith.constant 0.000000e+00 : f32
    %broadcast_in_dim3A_257 = vector.broadcast %broadcast_in_dim3A_256 : f32 to vector<16xf32>
    %swap3A_258 = arith.constant 560 : index
    %swap3A_259 = tpu.vector_load %arg6[%swap3A_258] {strides = array<i32>} : memref<640xf32, #tpu.memory_space<vmem>>, vector<16xf32>,
    %swap3A_260 = vector.shape_cast %swap3A_259 : vector<16xf32> to vector<16xf32>
    %swap3A_261 = vector.shape_cast %broadcast_in_dim3A_257 : vector<16xf32> to vector<16xf32>
    tpu.vector_store %arg6[%swap3A_258], %swap3A_261 {strides = array<i32>} : memref<640xf32, #tpu.memory_space<vmem>>, vector<16xf32>,
    %broadcast_in_dim3A_262 = arith.constant 0.000000e+00 : f32
    %broadcast_in_dim3A_263 = vector.broadcast %broadcast_in_dim3A_262 : f32 to vector<16xf32>
    %swap3A_264 = arith.constant 576 : index
    %swap3A_265 = tpu.vector_load %arg6[%swap3A_264] {strides = array<i32>} : memref<640xf32, #tpu.memory_space<vmem>>, vector<16xf32>,
    %swap3A_266 = vector.shape_cast %swap3A_265 : vector<16xf32> to vector<16xf32>
    %swap3A_267 = vector.shape_cast %broadcast_in_dim3A_263 : vector<16xf32> to vector<16xf32>
    tpu.vector_store %arg6[%swap3A_264], %swap3A_267 {strides = array<i32>} : memref<640xf32, #tpu.memory_space<vmem>>, vector<16xf32>,
    %broadcast_in_dim3A_268 = arith.constant 0.000000e+00 : f32
    %broadcast_in_dim3A_269 = vector.broadcast %broadcast_in_dim3A_268 : f32 to vector<16xf32>
    %swap3A_270 = arith.constant 592 : index
    %swap3A_271 = tpu.vector_load %arg6[%swap3A_270] {strides = array<i32>} : memref<640xf32, #tpu.memory_space<vmem>>, vector<16xf32>,
    %swap3A_272 = vector.shape_cast %swap3A_271 : vector<16xf32> to vector<16xf32>
    %swap3A_273 = vector.shape_cast %broadcast_in_dim3A_269 : vector<16xf32> to vector<16xf32>
    tpu.vector_store %arg6[%swap3A_270], %swap3A_273 {strides = array<i32>} : memref<640xf32, #tpu.memory_space<vmem>>, vector<16xf32>,
    %broadcast_in_dim3A_274 = arith.constant 0.000000e+00 : f32
    %broadcast_in_dim3A_275 = vector.broadcast %broadcast_in_dim3A_274 : f32 to vector<16xf32>
    %swap3A_276 = arith.constant 608 : index
    %swap3A_277 = tpu.vector_load %arg6[%swap3A_276] {strides = array<i32>} : memref<640xf32, #tpu.memory_space<vmem>>, vector<16xf32>,
    %swap3A_278 = vector.shape_cast %swap3A_277 : vector<16xf32> to vector<16xf32>
    %swap3A_279 = vector.shape_cast %broadcast_in_dim3A_275 : vector<16xf32> to vector<16xf32>
    tpu.vector_store %arg6[%swap3A_276], %swap3A_279 {strides = array<i32>} : memref<640xf32, #tpu.memory_space<vmem>>, vector<16xf32>,
    %broadcast_in_dim3A_280 = arith.constant 0.000000e+00 : f32
    %broadcast_in_dim3A_281 = vector.broadcast %broadcast_in_dim3A_280 : f32 to vector<16xf32>
    %swap3A_282 = arith.constant 624 : index
    %swap3A_283 = tpu.vector_load %arg6[%swap3A_282] {strides = array<i32>} : memref<640xf32, #tpu.memory_space<vmem>>, vector<16xf32>,
    %swap3A_284 = vector.shape_cast %swap3A_283 : vector<16xf32> to vector<16xf32>
    %swap3A_285 = vector.shape_cast %broadcast_in_dim3A_281 : vector<16xf32> to vector<16xf32>
    tpu.vector_store %arg6[%swap3A_282], %swap3A_285 {strides = array<i32>} : memref<640xf32, #tpu.memory_space<vmem>>, vector<16xf32>,
    %mul3A = arith.constant 632 : i32
    %mul3A_286 = arith.muli %arg1, %mul3A : i32
    "tpu.region"() ({
      %run_scoped3A = tpu.sem_alloc : memref<!tpu.dma_semaphore, #tpu.memory_space<semaphore_mem>>
      %dma_start3A = arith.constant 0 : i32
      %dma_start3A_307 = tpu.memref_slice %arg6[%dma_start3A] : memref<640xf32, #tpu.memory_space<vmem>> -> memref<632xf32, #tpu.memory_space<vmem>>
      %dma_start3A_308 = tpu.memref_slice %arg7[%mul3A_286] : memref<10112xf32, #tpu.memory_space<vmem_shared>> -> memref<632xf32, #tpu.memory_space<vmem_shared>>
      %dma_start3A_309 = tpu.memref_slice %arg7[%mul3A_286] : memref<10112xf32, #tpu.memory_space<vmem_shared>> -> memref<632xf32, #tpu.memory_space<vmem_shared>>
      %dma_start3A_310 = arith.constant 0 : i32
      %dma_start3A_311 = tpu.memref_slice %arg6[%dma_start3A_310] : memref<640xf32, #tpu.memory_space<vmem>> -> memref<632xf32, #tpu.memory_space<vmem>>
      tpu.enqueue_dma source(%dma_start3A_311 : memref<632xf32, #tpu.memory_space<vmem>>) target(%dma_start3A_309 : memref<632xf32, #tpu.memory_space<vmem_shared>>) target_semaphore(%run_scoped3A : memref<!tpu.dma_semaphore, #tpu.memory_space<semaphore_mem>>)
      %dma_wait3A = arith.constant 0 : i32
      %dma_wait3A_312 = tpu.memref_slice %arg6[%dma_wait3A] : memref<640xf32, #tpu.memory_space<vmem>> -> memref<632xf32, #tpu.memory_space<vmem>>
      %dma_wait3A_313 = tpu.memref_slice %arg7[%mul3A_286] : memref<10112xf32, #tpu.memory_space<vmem_shared>> -> memref<632xf32, #tpu.memory_space<vmem_shared>>
      %dma_wait3A_314 = tpu.memref_slice %arg7[%mul3A_286] : memref<10112xf32, #tpu.memory_space<vmem_shared>> -> memref<632xf32, #tpu.memory_space<vmem_shared>>
      %dma_wait3A_315 = arith.constant 0 : i32
      %dma_wait3A_316 = tpu.memref_slice %arg6[%dma_wait3A_315] : memref<640xf32, #tpu.memory_space<vmem>> -> memref<632xf32, #tpu.memory_space<vmem>>
      tpu.wait_dma2 semaphore(%run_scoped3A : memref<!tpu.dma_semaphore, #tpu.memory_space<semaphore_mem>>) src(%dma_wait3A_316 : memref<632xf32, #tpu.memory_space<vmem>>) dst(%dma_wait3A_314 : memref<632xf32, #tpu.memory_space<vmem_shared>>)
      tpu.yield
    }) : () -> ()
    %barrier3A = arith.constant 0 : index
    tpu.barrier barrier_id(%barrier3A)
    "tpu.region"() ({
      %run_scoped3A = tpu.sem_alloc : memref<!tpu.dma_semaphore, #tpu.memory_space<semaphore_mem>>
      %dma_start3A = arith.constant 0 : i32
      %dma_start3A_307 = arith.constant 0 : i32
      %dma_start3A_308 = tpu.memref_slice %arg2[%arg1, %dma_start3A, %dma_start3A_307] : memref<16x158x128xi32, #tpu.memory_space<hbm>> -> memref<1x158x128xi32, #tpu.memory_space<hbm>>
      %dma_start3A_309 = tpu.memref_squeeze %dma_start3A_308 : memref<1x158x128xi32, #tpu.memory_space<hbm>> -> memref<158x128xi32, #tpu.memory_space<hbm>>
      %dma_start3A_310 = arith.constant 0 : i32
      %dma_start3A_311 = arith.constant 0 : i32
      %dma_start3A_312 = tpu.memref_slice %arg2[%arg1, %dma_start3A_310, %dma_start3A_311] : memref<16x158x128xi32, #tpu.memory_space<hbm>> -> memref<1x158x128xi32, #tpu.memory_space<hbm>>
      %dma_start3A_313 = tpu.memref_squeeze %dma_start3A_312 : memref<1x158x128xi32, #tpu.memory_space<hbm>> -> memref<158x128xi32, #tpu.memory_space<hbm>>
      tpu.enqueue_dma source(%dma_start3A_313 : memref<158x128xi32, #tpu.memory_space<hbm>>) target(%arg4 : memref<158x128xi32, #tpu.memory_space<vmem>>) target_semaphore(%run_scoped3A : memref<!tpu.dma_semaphore, #tpu.memory_space<semaphore_mem>>)
      %dma_wait3A = arith.constant 0 : i32
      %dma_wait3A_314 = arith.constant 0 : i32
      %dma_wait3A_315 = tpu.memref_slice %arg2[%arg1, %dma_wait3A, %dma_wait3A_314] : memref<16x158x128xi32, #tpu.memory_space<hbm>> -> memref<1x158x128xi32, #tpu.memory_space<hbm>>
      %dma_wait3A_316 = tpu.memref_squeeze %dma_wait3A_315 : memref<1x158x128xi32, #tpu.memory_space<hbm>> -> memref<158x128xi32, #tpu.memory_space<hbm>>
      %dma_wait3A_317 = arith.constant 0 : i32
      %dma_wait3A_318 = arith.constant 0 : i32
      %dma_wait3A_319 = tpu.memref_slice %arg2[%arg1, %dma_wait3A_317, %dma_wait3A_318] : memref<16x158x128xi32, #tpu.memory_space<hbm>> -> memref<1x158x128xi32, #tpu.memory_space<hbm>>
      %dma_wait3A_320 = tpu.memref_squeeze %dma_wait3A_319 : memref<1x158x128xi32, #tpu.memory_space<hbm>> -> memref<158x128xi32, #tpu.memory_space<hbm>>
      tpu.wait_dma2 semaphore(%run_scoped3A : memref<!tpu.dma_semaphore, #tpu.memory_space<semaphore_mem>>) src(%dma_wait3A_320 : memref<158x128xi32, #tpu.memory_space<hbm>>) dst(%arg4 : memref<158x128xi32, #tpu.memory_space<vmem>>)
      tpu.yield
    }) : () -> ()
    %mul3A_287 = arith.constant 79 : i32
    %mul3A_288 = arith.muli %arg0, %mul3A_287 : i32
    %add3A = arith.constant 1 : i32
    %add3A_289 = arith.addi %arg0, %add3A : i32
    %mul3A_290 = arith.constant 79 : i32
    %mul3A_291 = arith.muli %add3A_289, %mul3A_290 : i32
    %while3A = arith.constant 0 : i32
    %while3A_292 = arith.subi %mul3A_291, %mul3A_288 : i32
    %while3A_293 = arith.addi %mul3A_288, %while3A_292 : i32
    %while3A_294 = arith.constant 1 : i32
    %while3A_295 = arith.divsi %while3A_292, %while3A_294 : i32
    %while3A_296 = arith.muli %while3A_295, %while3A_294 : i32
    %while3A_297 = arith.addi %mul3A_288, %while3A_296 : i32
    %while3A_298 = arith.constant 1 : i32
    scf.for %while3A_307 = %mul3A_288 to %while3A_297 step %while3A_298  : i32 {
      "tpu.region"() ({
        %run_scoped3A = tpu.sem_alloc : memref<!tpu.dma_semaphore, #tpu.memory_space<semaphore_mem>>
        %dma_start3A = arith.constant 0 : i32
        %dma_start3A_308 = tpu.memref_slice %arg4[%while3A_307, %dma_start3A] : memref<158x128xi32, #tpu.memory_space<vmem>> -> memref<1x128xi32, #tpu.memory_space<vmem>>
        %dma_start3A_309 = tpu.memref_squeeze %dma_start3A_308 : memref<1x128xi32, #tpu.memory_space<vmem>> -> memref<128xi32, #tpu.memory_space<vmem>>
        %dma_start3A_310 = arith.constant 0 : i32
        %dma_start3A_311 = tpu.memref_slice %arg7[%dma_start3A_310] : memref<10112xf32, #tpu.memory_space<vmem_shared>> -> memref<10112xf32, #tpu.memory_space<vmem_shared>>
        tpu.enqueue_indirect_dma source(%arg5 : memref<128xf32, #tpu.memory_space<vmem>>) target(%dma_start3A_311 : memref<10112xf32, #tpu.memory_space<vmem_shared>>) offsets(%dma_start3A_309 : memref<128xi32, #tpu.memory_space<vmem>>) semaphore(%run_scoped3A : memref<!tpu.dma_semaphore, #tpu.memory_space<semaphore_mem>>) {add = true}
        %dma_wait3A = arith.constant 0 : i32
        %dma_wait3A_312 = tpu.memref_slice %arg4[%while3A_307, %dma_wait3A] : memref<158x128xi32, #tpu.memory_space<vmem>> -> memref<1x128xi32, #tpu.memory_space<vmem>>
        %dma_wait3A_313 = tpu.memref_squeeze %dma_wait3A_312 : memref<1x128xi32, #tpu.memory_space<vmem>> -> memref<128xi32, #tpu.memory_space<vmem>>
        %dma_wait3A_314 = arith.constant 0 : i32
        %dma_wait3A_315 = tpu.memref_slice %arg7[%dma_wait3A_314] : memref<10112xf32, #tpu.memory_space<vmem_shared>> -> memref<10112xf32, #tpu.memory_space<vmem_shared>>
        tpu.wait_indirect_dma semaphore(%run_scoped3A : memref<!tpu.dma_semaphore, #tpu.memory_space<semaphore_mem>>) src(%arg5 : memref<128xf32, #tpu.memory_space<vmem>>) dst(%dma_wait3A_315 : memref<10112xf32, #tpu.memory_space<vmem_shared>>)
        tpu.yield
      }) : () -> ()
    }
    %while3A_299 = arith.constant 1 : i32
    scf.for %while3A_307 = %while3A_297 to %while3A_293 step %while3A_299  : i32 {
      "tpu.region"() ({
        %run_scoped3A = tpu.sem_alloc : memref<!tpu.dma_semaphore, #tpu.memory_space<semaphore_mem>>
        %dma_start3A = arith.constant 0 : i32
        %dma_start3A_308 = tpu.memref_slice %arg4[%while3A_307, %dma_start3A] : memref<158x128xi32, #tpu.memory_space<vmem>> -> memref<1x128xi32, #tpu.memory_space<vmem>>
        %dma_start3A_309 = tpu.memref_squeeze %dma_start3A_308 : memref<1x128xi32, #tpu.memory_space<vmem>> -> memref<128xi32, #tpu.memory_space<vmem>>
        %dma_start3A_310 = arith.constant 0 : i32
        %dma_start3A_311 = tpu.memref_slice %arg7[%dma_start3A_310] : memref<10112xf32, #tpu.memory_space<vmem_shared>> -> memref<10112xf32, #tpu.memory_space<vmem_shared>>
        tpu.enqueue_indirect_dma source(%arg5 : memref<128xf32, #tpu.memory_space<vmem>>) target(%dma_start3A_311 : memref<10112xf32, #tpu.memory_space<vmem_shared>>) offsets(%dma_start3A_309 : memref<128xi32, #tpu.memory_space<vmem>>) semaphore(%run_scoped3A : memref<!tpu.dma_semaphore, #tpu.memory_space<semaphore_mem>>) {add = true}
        %dma_wait3A = arith.constant 0 : i32
        %dma_wait3A_312 = tpu.memref_slice %arg4[%while3A_307, %dma_wait3A] : memref<158x128xi32, #tpu.memory_space<vmem>> -> memref<1x128xi32, #tpu.memory_space<vmem>>
        %dma_wait3A_313 = tpu.memref_squeeze %dma_wait3A_312 : memref<1x128xi32, #tpu.memory_space<vmem>> -> memref<128xi32, #tpu.memory_space<vmem>>
        %dma_wait3A_314 = arith.constant 0 : i32
        %dma_wait3A_315 = tpu.memref_slice %arg7[%dma_wait3A_314] : memref<10112xf32, #tpu.memory_space<vmem_shared>> -> memref<10112xf32, #tpu.memory_space<vmem_shared>>
        tpu.wait_indirect_dma semaphore(%run_scoped3A : memref<!tpu.dma_semaphore, #tpu.memory_space<semaphore_mem>>) src(%arg5 : memref<128xf32, #tpu.memory_space<vmem>>) dst(%dma_wait3A_315 : memref<10112xf32, #tpu.memory_space<vmem_shared>>)
        tpu.yield
      }) : () -> ()
    }
    %barrier3A_300 = arith.constant 0 : index
    tpu.barrier barrier_id(%barrier3A_300)
    %lt3A = arith.constant 15 : i32
    %lt3A_301 = arith.cmpi slt, %arg1, %lt3A : i32
    %convert_element_type3A = arith.extui %lt3A_301 : i1 to i32
    %cond3A = arith.constant 0 : i32
    %cond3A_302 = arith.cmpi ne, %convert_element_type3A, %cond3A : i32
    scf.if %cond3A_302 {
      %mul3A_307 = arith.constant 640 : i32
      %mul3A_308 = arith.muli %arg1, %mul3A_307 : i32
      %mul3A_309 = arith.constant 640 : i32
      %mul3A_310 = arith.muli %arg1, %mul3A_309 : i32
      %run_scoped3A = arith.constant 0 : i32
      "tpu.region"() ({
        %run_scoped3A_311 = tpu.sem_alloc : memref<!tpu.dma_semaphore, #tpu.memory_space<semaphore_mem>>
        %dma_start3A = tpu.memref_slice %arg3[%arg0, %run_scoped3A, %mul3A_310] : memref<2x1x10112xf32, #tpu.memory_space<hbm>> -> memref<1x1x640xf32, #tpu.memory_space<hbm>>
        %dma_start3A_312 = tpu.memref_squeeze %dma_start3A : memref<1x1x640xf32, #tpu.memory_space<hbm>> -> memref<640xf32, #tpu.memory_space<hbm>>
        %dma_start3A_313 = tpu.memref_slice %arg7[%mul3A_308] : memref<10112xf32, #tpu.memory_space<vmem_shared>> -> memref<640xf32, #tpu.memory_space<vmem_shared>>
        tpu.enqueue_dma source(%dma_start3A_313 : memref<640xf32, #tpu.memory_space<vmem_shared>>) target(%dma_start3A_312 : memref<640xf32, #tpu.memory_space<hbm>>) target_semaphore(%run_scoped3A_311 : memref<!tpu.dma_semaphore, #tpu.memory_space<semaphore_mem>>)
        %dma_wait3A = tpu.memref_slice %arg3[%arg0, %run_scoped3A, %mul3A_310] : memref<2x1x10112xf32, #tpu.memory_space<hbm>> -> memref<1x1x640xf32, #tpu.memory_space<hbm>>
        %dma_wait3A_314 = tpu.memref_squeeze %dma_wait3A : memref<1x1x640xf32, #tpu.memory_space<hbm>> -> memref<640xf32, #tpu.memory_space<hbm>>
        %dma_wait3A_315 = tpu.memref_slice %arg7[%mul3A_308] : memref<10112xf32, #tpu.memory_space<vmem_shared>> -> memref<640xf32, #tpu.memory_space<vmem_shared>>
        tpu.wait_dma2 semaphore(%run_scoped3A_311 : memref<!tpu.dma_semaphore, #tpu.memory_space<semaphore_mem>>) src(%dma_wait3A_315 : memref<640xf32, #tpu.memory_space<vmem_shared>>) dst(%dma_wait3A_314 : memref<640xf32, #tpu.memory_space<hbm>>)
        tpu.yield
      }) : () -> ()
    } else {
    }
    %eq3A = arith.constant 15 : i32
    %eq3A_303 = arith.cmpi eq, %arg1, %eq3A : i32
    %convert_element_type3A_304 = arith.extui %eq3A_303 : i1 to i32
    %cond3A_305 = arith.constant 0 : i32
    %cond3A_306 = arith.cmpi ne, %convert_element_type3A_304, %cond3A_305 : i32
    scf.if %cond3A_306 {
      %run_scoped3A = arith.constant 0 : i32
      "tpu.region"() ({
        %run_scoped3A_307 = tpu.sem_alloc : memref<!tpu.dma_semaphore, #tpu.memory_space<semaphore_mem>>
        %dma_start3A = arith.constant 9600 : i32
        %dma_start3A_308 = tpu.memref_slice %arg3[%arg0, %run_scoped3A, %dma_start3A] : memref<2x1x10112xf32, #tpu.memory_space<hbm>> -> memref<1x1x512xf32, #tpu.memory_space<hbm>>
        %dma_start3A_309 = tpu.memref_squeeze %dma_start3A_308 : memref<1x1x512xf32, #tpu.memory_space<hbm>> -> memref<512xf32, #tpu.memory_space<hbm>>
        %dma_start3A_310 = arith.constant 9600 : i32
        %dma_start3A_311 = tpu.memref_slice %arg7[%dma_start3A_310] : memref<10112xf32, #tpu.memory_space<vmem_shared>> -> memref<512xf32, #tpu.memory_space<vmem_shared>>
        tpu.enqueue_dma source(%dma_start3A_311 : memref<512xf32, #tpu.memory_space<vmem_shared>>) target(%dma_start3A_309 : memref<512xf32, #tpu.memory_space<hbm>>) target_semaphore(%run_scoped3A_307 : memref<!tpu.dma_semaphore, #tpu.memory_space<semaphore_mem>>)
        %dma_wait3A = arith.constant 9600 : i32
        %dma_wait3A_312 = tpu.memref_slice %arg3[%arg0, %run_scoped3A, %dma_wait3A] : memref<2x1x10112xf32, #tpu.memory_space<hbm>> -> memref<1x1x512xf32, #tpu.memory_space<hbm>>
        %dma_wait3A_313 = tpu.memref_squeeze %dma_wait3A_312 : memref<1x1x512xf32, #tpu.memory_space<hbm>> -> memref<512xf32, #tpu.memory_space<hbm>>
        %dma_wait3A_314 = arith.constant 9600 : i32
        %dma_wait3A_315 = tpu.memref_slice %arg7[%dma_wait3A_314] : memref<10112xf32, #tpu.memory_space<vmem_shared>> -> memref<512xf32, #tpu.memory_space<vmem_shared>>
        tpu.wait_dma2 semaphore(%run_scoped3A_307 : memref<!tpu.dma_semaphore, #tpu.memory_space<semaphore_mem>>) src(%dma_wait3A_315 : memref<512xf32, #tpu.memory_space<vmem_shared>>) dst(%dma_wait3A_313 : memref<512xf32, #tpu.memory_space<hbm>>)
        tpu.yield
      }) : () -> ()
    } else {
    }
    return
  }
}

module attributes {stable_mosaic.version = 14 : i64} {
  func.func @_mm1_body(%arg0: i32, %arg1: memref<632x128xf32, #tpu.memory_space<vmem>>, %arg2: memref<128x128xf32, #tpu.memory_space<vmem>>, %arg3: memref<632x2xf32, #tpu.memory_space<vmem>>, %arg4: memref<2x632x64xf32, #tpu.memory_space<vmem>>) attributes {dimension_semantics = [#tpu.dimension_semantics<arbitrary>], iteration_bounds = array<i64: 16>, scalar_prefetch = 0 : i64, scratch_operands = 0 : i64, tpu.core_type = #tpu.core_type<tc>, window_params = [{transform_indices = @transform_0, window_bounds = array<i64: 632, 128>}, {pipeline_mode = #tpu.pipeline_mode<synchronous>, transform_indices = @transform_1, window_bounds = array<i64: 128, 128>}, {transform_indices = @transform_2, window_bounds = array<i64: 632, 2>}, {transform_indices = @transform_3, window_bounds = array<i64: 2, 632, 64>}]} {
    %get3A = arith.constant 0 : index
    %get3A_0 = arith.constant 0 : index
    %get3A_1 = vector.load %arg1[%get3A, %get3A_0] : memref<632x128xf32, #tpu.memory_space<vmem>>, vector<632x128xf32>
    %get3A_2 = arith.constant 0 : index
    %get3A_3 = arith.constant 0 : index
    %get3A_4 = vector.load %arg2[%get3A_2, %get3A_3] : memref<128x128xf32, #tpu.memory_space<vmem>>, vector<128x128xf32>
    %dot_general3A = arith.constant dense<0.000000e+00> : vector<632x128xf32>
    %dot_general3A_5 = tpu.matmul %get3A_1, %get3A_4, %dot_general3A {dimension_numbers = #tpu.dot_dimension_numbers<[1], [0], [0], [1], [0, 0, 1, 1], [], []>, transpose_lhs_hint = false} : vector<632x128xf32>, vector<128x128xf32>, vector<632x128xf32> -> vector<632x128xf32>
    %get3A_6 = arith.constant 0 : index
    %get3A_7 = arith.constant 0 : index
    %get3A_8 = vector.load %arg3[%get3A_6, %get3A_7] : memref<632x2xf32, #tpu.memory_space<vmem>>, vector<632x1xf32>
    %get3A_9 = arith.constant 0 : index
    %get3A_10 = arith.constant 1 : index
    %get3A_11 = vector.load %arg3[%get3A_9, %get3A_10] : memref<632x2xf32, #tpu.memory_space<vmem>>, vector<632x1xf32>
    %add3A = arith.addf %get3A_8, %get3A_11 : vector<632x1xf32>
    %add3A_12 = arith.constant 1.000000e+00 : f32
    %add3A_13 = vector.broadcast %add3A_12 : f32 to vector<632x1xf32>
    %add3A_14 = arith.addf %add3A, %add3A_13 : vector<632x1xf32>
    %rsqrt3A = math.rsqrt %add3A_14 : vector<632x1xf32>
    %mul3A = vector.broadcast %rsqrt3A : vector<632x1xf32> to vector<632x128xf32>
    %mul3A_15 = arith.mulf %dot_general3A_5, %mul3A : vector<632x128xf32>
    %slice3A = vector.extract_strided_slice %mul3A_15 {offsets = [0, 0], sizes = [632, 64], strides = [1, 1]} : vector<632x128xf32> to vector<632x64xf32>
    %swap3A = arith.constant 0 : index
    %swap3A_16 = arith.constant 0 : index
    %swap3A_17 = arith.constant 0 : index
    %swap3A_18 = vector.load %arg4[%swap3A, %swap3A_16, %swap3A_17] : memref<2x632x64xf32, #tpu.memory_space<vmem>>, vector<1x632x64xf32>
    %swap3A_19 = vector.shape_cast %swap3A_18 : vector<1x632x64xf32> to vector<632x64xf32>
    %swap3A_20 = vector.shape_cast %slice3A : vector<632x64xf32> to vector<1x632x64xf32>
    tpu.vector_store %arg4[%swap3A, %swap3A_16, %swap3A_17], %swap3A_20 {strides = array<i32>} : memref<2x632x64xf32, #tpu.memory_space<vmem>>, vector<1x632x64xf32>,
    %slice3A_21 = vector.extract_strided_slice %mul3A_15 {offsets = [0, 64], sizes = [632, 64], strides = [1, 1]} : vector<632x128xf32> to vector<632x64xf32>
    %swap3A_22 = arith.constant 1 : index
    %swap3A_23 = arith.constant 0 : index
    %swap3A_24 = arith.constant 0 : index
    %swap3A_25 = vector.load %arg4[%swap3A_22, %swap3A_23, %swap3A_24] : memref<2x632x64xf32, #tpu.memory_space<vmem>>, vector<1x632x64xf32>
    %swap3A_26 = vector.shape_cast %swap3A_25 : vector<1x632x64xf32> to vector<632x64xf32>
    %swap3A_27 = vector.shape_cast %slice3A_21 : vector<632x64xf32> to vector<1x632x64xf32>
    tpu.vector_store %arg4[%swap3A_22, %swap3A_23, %swap3A_24], %swap3A_27 {strides = array<i32>} : memref<2x632x64xf32, #tpu.memory_space<vmem>>, vector<1x632x64xf32>,
    return
  }
  func.func @transform_0(%arg0: i32) -> (i32, i32) {
    %c0_i32 = arith.constant 0 : i32
    %c0_i32_0 = arith.constant 0 : i32
    return %arg0, %c0_i32 : i32, i32
  }
  func.func @transform_1(%arg0: i32) -> (i32, i32) {
    %c0_i32 = arith.constant 0 : i32
    %c0_i32_0 = arith.constant 0 : i32
    %c0_i32_1 = arith.constant 0 : i32
    return %c0_i32, %c0_i32_0 : i32, i32
  }
  func.func @transform_2(%arg0: i32) -> (i32, i32) {
    %c0_i32 = arith.constant 0 : i32
    %c0_i32_0 = arith.constant 0 : i32
    return %arg0, %c0_i32 : i32, i32
  }
  func.func @transform_3(%arg0: i32) -> (i32, i32, i32) {
    %c0_i32 = arith.constant 0 : i32
    %c0_i32_0 = arith.constant 0 : i32
    %c0_i32_1 = arith.constant 0 : i32
    return %c0_i32, %arg0, %c0_i32_0 : i32, i32, i32
  }
}

module attributes {stable_mosaic.version = 14 : i64} {
  func.func @_mid_body(%arg0: i32, %arg1: memref<2x632x64xf32, #tpu.memory_space<vmem>>, %arg2: memref<632x2xf32, #tpu.memory_space<vmem>>, %arg3: memref<1x128xf32, #tpu.memory_space<vmem>>, %arg4: memref<1x128xf32, #tpu.memory_space<vmem>>, %arg5: memref<1x128xf32, #tpu.memory_space<vmem>>, %arg6: memref<128x128xf32, #tpu.memory_space<vmem>>, %arg7: memref<2x632x64xf32, #tpu.memory_space<vmem>>) attributes {dimension_semantics = [#tpu.dimension_semantics<arbitrary>], iteration_bounds = array<i64: 16>, scalar_prefetch = 0 : i64, scratch_operands = 0 : i64, tpu.core_type = #tpu.core_type<tc>, window_params = [{transform_indices = @transform_0, window_bounds = array<i64: 2, 632, 64>}, {transform_indices = @transform_1, window_bounds = array<i64: 632, 2>}, {pipeline_mode = #tpu.pipeline_mode<synchronous>, transform_indices = @transform_2, window_bounds = array<i64: 1, 128>}, {pipeline_mode = #tpu.pipeline_mode<synchronous>, transform_indices = @transform_3, window_bounds = array<i64: 1, 128>}, {pipeline_mode = #tpu.pipeline_mode<synchronous>, transform_indices = @transform_4, window_bounds = array<i64: 1, 128>}, {pipeline_mode = #tpu.pipeline_mode<synchronous>, transform_indices = @transform_5, window_bounds = array<i64: 128, 128>}, {transform_indices = @transform_6, window_bounds = array<i64: 2, 632, 64>}]} {
    %get3A = arith.constant 0 : index
    %get3A_0 = arith.constant 0 : index
    %get3A_1 = vector.load %arg2[%get3A, %get3A_0] : memref<632x2xf32, #tpu.memory_space<vmem>>, vector<632x1xf32>
    %get3A_2 = arith.constant 0 : index
    %get3A_3 = arith.constant 1 : index
    %get3A_4 = vector.load %arg2[%get3A_2, %get3A_3] : memref<632x2xf32, #tpu.memory_space<vmem>>, vector<632x1xf32>
    %add3A = arith.addf %get3A_1, %get3A_4 : vector<632x1xf32>
    %add3A_5 = arith.constant 1.000000e+00 : f32
    %add3A_6 = vector.broadcast %add3A_5 : f32 to vector<632x1xf32>
    %add3A_7 = arith.addf %add3A, %add3A_6 : vector<632x1xf32>
    %rsqrt3A = math.rsqrt %add3A_7 : vector<632x1xf32>
    %get3A_8 = arith.constant 0 : index
    %get3A_9 = arith.constant 0 : index
    %get3A_10 = arith.constant 0 : index
    %get3A_11 = vector.load %arg1[%get3A_8, %get3A_9, %get3A_10] : memref<2x632x64xf32, #tpu.memory_space<vmem>>, vector<1x632x64xf32>
    %get3A_12 = vector.shape_cast %get3A_11 : vector<1x632x64xf32> to vector<632x64xf32>
    %get3A_13 = arith.constant 1 : index
    %get3A_14 = arith.constant 0 : index
    %get3A_15 = arith.constant 0 : index
    %get3A_16 = vector.load %arg1[%get3A_13, %get3A_14, %get3A_15] : memref<2x632x64xf32, #tpu.memory_space<vmem>>, vector<1x632x64xf32>
    %get3A_17 = vector.shape_cast %get3A_16 : vector<1x632x64xf32> to vector<632x64xf32>
    %concatenate3A = tpu.concatenate %get3A_12, %get3A_17 in 1 : vector<632x64xf32>, vector<632x64xf32> -> vector<632x128xf32>
    %mul3A = vector.broadcast %rsqrt3A : vector<632x1xf32> to vector<632x128xf32>
    %mul3A_18 = arith.mulf %concatenate3A, %mul3A : vector<632x128xf32>
    %get3A_19 = arith.constant 0 : index
    %get3A_20 = arith.constant 0 : index
    %get3A_21 = vector.load %arg3[%get3A_19, %get3A_20] : memref<1x128xf32, #tpu.memory_space<vmem>>, vector<1x128xf32>
    %add3A_22 = vector.broadcast %get3A_21 : vector<1x128xf32> to vector<632x128xf32>
    %add3A_23 = arith.addf %mul3A_18, %add3A_22 : vector<632x128xf32>
    %reduce_sum3A = arith.constant dense<0.000000e+00> : vector<632xf32>
    %reduce_sum3A_24 = vector.multi_reduction <add>, %add3A_23, %reduce_sum3A [1] : vector<632x128xf32> to vector<632xf32>
    %broadcast_in_dim3A = vector.shape_cast %reduce_sum3A_24 : vector<632xf32> to vector<632x1xf32>
    %div3A = arith.constant 1.280000e+02 : f32
    %div3A_25 = vector.broadcast %div3A : f32 to vector<632x1xf32>
    %div3A_26 = arith.divf %broadcast_in_dim3A, %div3A_25 : vector<632x1xf32>
    %sub3A = vector.broadcast %div3A_26 : vector<632x1xf32> to vector<632x128xf32>
    %sub3A_27 = arith.subf %add3A_23, %sub3A : vector<632x128xf32>
    %integer_pow3A = arith.mulf %sub3A_27, %sub3A_27 : vector<632x128xf32>
    %reduce_sum3A_28 = arith.constant dense<0.000000e+00> : vector<632xf32>
    %reduce_sum3A_29 = vector.multi_reduction <add>, %integer_pow3A, %reduce_sum3A_28 [1] : vector<632x128xf32> to vector<632xf32>
    %broadcast_in_dim3A_30 = vector.shape_cast %reduce_sum3A_29 : vector<632xf32> to vector<632x1xf32>
    %div3A_31 = arith.constant 1.280000e+02 : f32
    %div3A_32 = vector.broadcast %div3A_31 : f32 to vector<632x1xf32>
    %div3A_33 = arith.divf %broadcast_in_dim3A_30, %div3A_32 : vector<632x1xf32>
    %sub3A_34 = vector.broadcast %div3A_26 : vector<632x1xf32> to vector<632x128xf32>
    %sub3A_35 = arith.subf %add3A_23, %sub3A_34 : vector<632x128xf32>
    %add3A_36 = arith.constant 9.99999974E-6 : f32
    %add3A_37 = vector.broadcast %add3A_36 : f32 to vector<632x1xf32>
    %add3A_38 = arith.addf %div3A_33, %add3A_37 : vector<632x1xf32>
    %rsqrt3A_39 = math.rsqrt %add3A_38 : vector<632x1xf32>
    %mul3A_40 = vector.broadcast %rsqrt3A_39 : vector<632x1xf32> to vector<632x128xf32>
    %mul3A_41 = arith.mulf %sub3A_35, %mul3A_40 : vector<632x128xf32>
    %get3A_42 = arith.constant 0 : index
    %get3A_43 = arith.constant 0 : index
    %get3A_44 = vector.load %arg4[%get3A_42, %get3A_43] : memref<1x128xf32, #tpu.memory_space<vmem>>, vector<1x128xf32>
    %mul3A_45 = vector.broadcast %get3A_44 : vector<1x128xf32> to vector<632x128xf32>
    %mul3A_46 = arith.mulf %mul3A_41, %mul3A_45 : vector<632x128xf32>
    %get3A_47 = arith.constant 0 : index
    %get3A_48 = arith.constant 0 : index
    %get3A_49 = vector.load %arg5[%get3A_47, %get3A_48] : memref<1x128xf32, #tpu.memory_space<vmem>>, vector<1x128xf32>
    %add3A_50 = vector.broadcast %get3A_49 : vector<1x128xf32> to vector<632x128xf32>
    %add3A_51 = arith.addf %mul3A_46, %add3A_50 : vector<632x128xf32>
    %max3A = arith.constant 0.000000e+00 : f32
    %max3A_52 = vector.broadcast %max3A : f32 to vector<632x128xf32>
    %max3A_53 = arith.maximumf %add3A_51, %max3A_52 : vector<632x128xf32>
    %get3A_54 = arith.constant 0 : index
    %get3A_55 = arith.constant 0 : index
    %get3A_56 = vector.load %arg6[%get3A_54, %get3A_55] : memref<128x128xf32, #tpu.memory_space<vmem>>, vector<128x128xf32>
    %dot_general3A = arith.constant dense<0.000000e+00> : vector<632x128xf32>
    %dot_general3A_57 = tpu.matmul %max3A_53, %get3A_56, %dot_general3A {dimension_numbers = #tpu.dot_dimension_numbers<[1], [0], [0], [1], [0, 0, 1, 1], [], []>, transpose_lhs_hint = false} : vector<632x128xf32>, vector<128x128xf32>, vector<632x128xf32> -> vector<632x128xf32>
    %mul3A_58 = vector.broadcast %rsqrt3A : vector<632x1xf32> to vector<632x128xf32>
    %mul3A_59 = arith.mulf %dot_general3A_57, %mul3A_58 : vector<632x128xf32>
    %slice3A = vector.extract_strided_slice %mul3A_59 {offsets = [0, 0], sizes = [632, 64], strides = [1, 1]} : vector<632x128xf32> to vector<632x64xf32>
    %swap3A = arith.constant 0 : index
    %swap3A_60 = arith.constant 0 : index
    %swap3A_61 = arith.constant 0 : index
    %swap3A_62 = vector.load %arg7[%swap3A, %swap3A_60, %swap3A_61] : memref<2x632x64xf32, #tpu.memory_space<vmem>>, vector<1x632x64xf32>
    %swap3A_63 = vector.shape_cast %swap3A_62 : vector<1x632x64xf32> to vector<632x64xf32>
    %swap3A_64 = vector.shape_cast %slice3A : vector<632x64xf32> to vector<1x632x64xf32>
    tpu.vector_store %arg7[%swap3A, %swap3A_60, %swap3A_61], %swap3A_64 {strides = array<i32>} : memref<2x632x64xf32, #tpu.memory_space<vmem>>, vector<1x632x64xf32>,
    %slice3A_65 = vector.extract_strided_slice %mul3A_59 {offsets = [0, 64], sizes = [632, 64], strides = [1, 1]} : vector<632x128xf32> to vector<632x64xf32>
    %swap3A_66 = arith.constant 1 : index
    %swap3A_67 = arith.constant 0 : index
    %swap3A_68 = arith.constant 0 : index
    %swap3A_69 = vector.load %arg7[%swap3A_66, %swap3A_67, %swap3A_68] : memref<2x632x64xf32, #tpu.memory_space<vmem>>, vector<1x632x64xf32>
    %swap3A_70 = vector.shape_cast %swap3A_69 : vector<1x632x64xf32> to vector<632x64xf32>
    %swap3A_71 = vector.shape_cast %slice3A_65 : vector<632x64xf32> to vector<1x632x64xf32>
    tpu.vector_store %arg7[%swap3A_66, %swap3A_67, %swap3A_68], %swap3A_71 {strides = array<i32>} : memref<2x632x64xf32, #tpu.memory_space<vmem>>, vector<1x632x64xf32>,
    return
  }
  func.func @transform_0(%arg0: i32) -> (i32, i32, i32) {
    %c0_i32 = arith.constant 0 : i32
    %c0_i32_0 = arith.constant 0 : i32
    %c0_i32_1 = arith.constant 0 : i32
    return %c0_i32, %arg0, %c0_i32_0 : i32, i32, i32
  }
  func.func @transform_1(%arg0: i32) -> (i32, i32) {
    %c0_i32 = arith.constant 0 : i32
    %c0_i32_0 = arith.constant 0 : i32
    return %arg0, %c0_i32 : i32, i32
  }
  func.func @transform_2(%arg0: i32) -> (i32, i32) {
    %c0_i32 = arith.constant 0 : i32
    %c0_i32_0 = arith.constant 0 : i32
    %c0_i32_1 = arith.constant 0 : i32
    return %c0_i32, %c0_i32_0 : i32, i32
  }
  func.func @transform_3(%arg0: i32) -> (i32, i32) {
    %c0_i32 = arith.constant 0 : i32
    %c0_i32_0 = arith.constant 0 : i32
    %c0_i32_1 = arith.constant 0 : i32
    return %c0_i32, %c0_i32_0 : i32, i32
  }
  func.func @transform_4(%arg0: i32) -> (i32, i32) {
    %c0_i32 = arith.constant 0 : i32
    %c0_i32_0 = arith.constant 0 : i32
    %c0_i32_1 = arith.constant 0 : i32
    return %c0_i32, %c0_i32_0 : i32, i32
  }
  func.func @transform_5(%arg0: i32) -> (i32, i32) {
    %c0_i32 = arith.constant 0 : i32
    %c0_i32_0 = arith.constant 0 : i32
    %c0_i32_1 = arith.constant 0 : i32
    return %c0_i32, %c0_i32_0 : i32, i32
  }
  func.func @transform_6(%arg0: i32) -> (i32, i32, i32) {
    %c0_i32 = arith.constant 0 : i32
    %c0_i32_0 = arith.constant 0 : i32
    %c0_i32_1 = arith.constant 0 : i32
    return %c0_i32, %arg0, %c0_i32_0 : i32, i32, i32
  }
}

module attributes {stable_mosaic.version = 14 : i64} {
  func.func @_fin_body(%arg0: i32, %arg1: memref<2x400x64xf32, #tpu.memory_space<vmem>>, %arg2: memref<400x2xf32, #tpu.memory_space<vmem>>, %arg3: memref<1x128xf32, #tpu.memory_space<vmem>>, %arg4: memref<400x128xf32, #tpu.memory_space<vmem>>) attributes {dimension_semantics = [#tpu.dimension_semantics<arbitrary>], iteration_bounds = array<i64: 25>, scalar_prefetch = 0 : i64, scratch_operands = 0 : i64, tpu.core_type = #tpu.core_type<tc>, window_params = [{transform_indices = @transform_0, window_bounds = array<i64: 2, 400, 64>}, {transform_indices = @transform_1, window_bounds = array<i64: 400, 2>}, {pipeline_mode = #tpu.pipeline_mode<synchronous>, transform_indices = @transform_2, window_bounds = array<i64: 1, 128>}, {transform_indices = @transform_3, window_bounds = array<i64: 400, 128>}]} {
    %get3A = arith.constant 0 : index
    %get3A_0 = arith.constant 0 : index
    %get3A_1 = arith.constant 0 : index
    %get3A_2 = vector.load %arg1[%get3A, %get3A_0, %get3A_1] : memref<2x400x64xf32, #tpu.memory_space<vmem>>, vector<1x400x64xf32>
    %get3A_3 = vector.shape_cast %get3A_2 : vector<1x400x64xf32> to vector<400x64xf32>
    %get3A_4 = arith.constant 1 : index
    %get3A_5 = arith.constant 0 : index
    %get3A_6 = arith.constant 0 : index
    %get3A_7 = vector.load %arg1[%get3A_4, %get3A_5, %get3A_6] : memref<2x400x64xf32, #tpu.memory_space<vmem>>, vector<1x400x64xf32>
    %get3A_8 = vector.shape_cast %get3A_7 : vector<1x400x64xf32> to vector<400x64xf32>
    %concatenate3A = tpu.concatenate %get3A_3, %get3A_8 in 1 : vector<400x64xf32>, vector<400x64xf32> -> vector<400x128xf32>
    %get3A_9 = arith.constant 0 : index
    %get3A_10 = arith.constant 0 : index
    %get3A_11 = vector.load %arg2[%get3A_9, %get3A_10] : memref<400x2xf32, #tpu.memory_space<vmem>>, vector<400x1xf32>
    %get3A_12 = arith.constant 0 : index
    %get3A_13 = arith.constant 1 : index
    %get3A_14 = vector.load %arg2[%get3A_12, %get3A_13] : memref<400x2xf32, #tpu.memory_space<vmem>>, vector<400x1xf32>
    %add3A = arith.addf %get3A_11, %get3A_14 : vector<400x1xf32>
    %add3A_15 = arith.constant 1.000000e+00 : f32
    %add3A_16 = vector.broadcast %add3A_15 : f32 to vector<400x1xf32>
    %add3A_17 = arith.addf %add3A, %add3A_16 : vector<400x1xf32>
    %rsqrt3A = math.rsqrt %add3A_17 : vector<400x1xf32>
    %mul3A = vector.broadcast %rsqrt3A : vector<400x1xf32> to vector<400x128xf32>
    %mul3A_18 = arith.mulf %concatenate3A, %mul3A : vector<400x128xf32>
    %get3A_19 = arith.constant 0 : index
    %get3A_20 = arith.constant 0 : index
    %get3A_21 = vector.load %arg3[%get3A_19, %get3A_20] : memref<1x128xf32, #tpu.memory_space<vmem>>, vector<1x128xf32>
    %add3A_22 = vector.broadcast %get3A_21 : vector<1x128xf32> to vector<400x128xf32>
    %add3A_23 = arith.addf %mul3A_18, %add3A_22 : vector<400x128xf32>
    %swap3A = arith.constant 0 : index
    %swap3A_24 = arith.constant 0 : index
    %swap3A_25 = vector.load %arg4[%swap3A, %swap3A_24] : memref<400x128xf32, #tpu.memory_space<vmem>>, vector<400x128xf32>
    tpu.vector_store %arg4[%swap3A, %swap3A_24], %add3A_23 {strides = array<i32>} : memref<400x128xf32, #tpu.memory_space<vmem>>, vector<400x128xf32>,
    return
  }
  func.func @transform_0(%arg0: i32) -> (i32, i32, i32) {
    %c0_i32 = arith.constant 0 : i32
    %c0_i32_0 = arith.constant 0 : i32
    %c0_i32_1 = arith.constant 0 : i32
    return %c0_i32, %arg0, %c0_i32_0 : i32, i32, i32
  }
  func.func @transform_1(%arg0: i32) -> (i32, i32) {
    %c0_i32 = arith.constant 0 : i32
    %c0_i32_0 = arith.constant 0 : i32
    return %arg0, %c0_i32 : i32, i32
  }
  func.func @transform_2(%arg0: i32) -> (i32, i32) {
    %c0_i32 = arith.constant 0 : i32
    %c0_i32_0 = arith.constant 0 : i32
    %c0_i32_1 = arith.constant 0 : i32
    return %c0_i32, %c0_i32_0 : i32, i32
  }
  func.func @transform_3(%arg0: i32) -> (i32, i32) {
    %c0_i32 = arith.constant 0 : i32
    %c0_i32_0 = arith.constant 0 : i32
    return %arg0, %c0_i32 : i32, i32
  }
}

</mosaic_0001>

<sc_bundles>
// kernel: kernel.11.cloned.1.call-start
scs
__scs_entry_jumppad:
0x0: {  	(pc) =	sbr.rel $0x88, $3  }
0x1: {  	(tag) =	ssettag $0x0;
	lr =	simm.s32 $0x1  }
0x2: {  	[smem:$0x3F99] =	sst lr;
	_ =	strace $0xD0000000  }
0x3: {  	_ = 	snop  }
0x4: {  	_ = 	snop  }
0x5: {  	_ = 	snop  }
0x6: {  	_ = 	snop  }
0x7: {  	_ = 	snop  }
__scs_overlays_trampoline_lowered:
0x8: {  	[smem:$0x3FA8] =	sst s0  }
0x9: {  	[smem:$0x3FA9] =	sst s1  }
0xa: {  	[smem:$0x3FAA] =	sst s2  }
0xb: {  	[smem:$0x3FAB] =	sst s3  }
0xc: {  	[smem:$0x3FAC] =	sst s4  }
0xd: {  	[smem:$0x3FAD] =	sst s5  }
0xe: {  	[smem:$0x3FAE] =	sst s6  }
0xf: {  	[smem:$0x3FAF] =	sst s7  }
0x10: {  	[smem:$0x3FB0] =	sst s8  }
0x11: {  	[smem:$0x3FB1] =	sst s9;
	s0 =	simm.s32 @!p0 $0x0  }
0x12: {  	s1 =	sld [smem:$0x3F97];
	s0 =	simm.s32 @p0 $0x1  }
0x13: {  	[smem:$0x3FB2] =	sst s0;
	s0 =	simm.s32 @!p1 $0x0  }
0x14: {  	s2 =	sld [smem:$0x3F96];
	s0 =	simm.s32 @p1 $0x1  }
0x15: {  	[smem:$0x3FB3] =	sst s0;
	s0 =	simm.s32 @!p2 $0x0  }
0x16: {  	s3 =	sld [smem:$0x3FDB];
	s0 =	simm.s32 @p2 $0x1  }
0x17: {  	s4 =	simm.s32 $0x1BF5;
	[smem:$0x3FB5] =	sst s0  }
0x18: {  	s0 =	sld [smem:$0x3F98];
	_ =	swait.ge [sflag:s4], $0x0  }
0x19: {  	s7 =	sld [smem:$0x3F99]  }
0x1a: {  	s8 =	sadd.s32 $0xFFFFE003, lr  }
0x1b: {  	s9 =	sadd.s32 $0xFFFFFEF7, lr;
	s5 =	simm.s32 $0xFFFFFFFF;
	p2 =	slt.u32 s8, $0xFFFFF086  }
0x1c: {  	p1 =	slt.u32 s9, $0xF7A;
	s5 =	simm.s32 @!p2 $0x0  }
0x1d: {  	s5 =	simm.s32 @p1 $0x1;
	p0 =	seq.s32 s7, s2  }
0x1e: {  	s7 =	smul.u32 @!p0 $0xF7A, s2;
	p2 =	seq.s32 @!p0 s5, $0x0  }
0x1f: {  	s9 =	smul.u32 $0xF7A, s1;
	s8 =	simm.s32 @!p0 $0x1BF5;
	p2 =	por !p2, p0  }
0x20: {  	[sflag:s8] =	ssyncset.s32 @!p0 $0xFFFFF086;
	s6 =	sadd.s32 @!p0 s3, s7;
	s7 =	simm.s32 @!p0 $0x108  }
0x21: {  	s3 =	sadd.s32 s3, s9;
	s6 =	sadd.s32 @!p0 $0x88, s6;
	s7 =	simm.s32 @p2 $0x1082  }
0x22: {  	[simem:s7], [sflag:s8] =	dma.local @!p0 [hbm:s6], $0xF7A  }
0x23: {  	s9 =	sor.u32 $0xD0000000, s2;
	s6 =	simm.s32 $0x108;
	_ =	swait.ge @!p0 [sflag:s8], $0x0  }
0x24: {  	s3 =	sadd.s32 $0x88, s3;
	s6 =	simm.s32 @!p1 $0x1082;
	[sflag:s4] =	ssyncset.s32 $0xFFFFF086  }
0x25: {  	[simem:s6], [sflag:s4] =	dma.local [hbm:s3], $0xF7A  }
0x26: {  	[smem:$0x3F99] =	sst s1;
	(tag) =	ssettag s2;
	_ =	strace s9  }
0x27: {  	s1 =	sld [smem:$0x3FA9]  }
0x28: {  	s2 =	sld [smem:$0x3FAA]  }
0x29: {  	s4 =	sld [smem:$0x3FAC]  }
0x2a: {  	p0 =	seq.s32 s5, $0x0;
	s5 =	sld [smem:$0x3FAD]  }
0x2b: {  	s6 =	sld [smem:$0x3FAE]  }
0x2c: {  	s7 =	sld [smem:$0x3FAF]  }
0x2d: {  	s3 =	simm.s32 $0x108;
	s8 =	sld [smem:$0x3FB0]  }
0x2e: {  	s3 =	simm.s32 @!p0 $0x1082;
	s9 =	sld [smem:$0x3FB1]  }
0x2f: {  	lr =	sadd.s32 s0, s3;
	s0 =	sld [smem:$0x3FA8]  }
0x30: {  	s3 =	sld [smem:$0x3FAB]  }
0x31: {  	[smem:$0x3FB4] =	sst s10  }
0x32: {  	s10 =	sld [smem:$0x3FB2];
	_ =	sdelay $0x3  }
0x33: {  	p0 =	seq.s32 s10, $0x1;
	s10 =	sld [smem:$0x3FB4];
	_ =	sdelay $0x3  }
0x34: {  	[smem:$0x3FB4] =	sst s10  }
0x35: {  	s10 =	sld [smem:$0x3FB3];
	_ =	sdelay $0x3  }
0x36: {  	p1 =	seq.s32 s10, $0x1;
	s10 =	sld [smem:$0x3FB4];
	_ =	sdelay $0x3  }
0x37: {  	[smem:$0x3FB4] =	sst s10  }
0x38: {  	s10 =	sld [smem:$0x3FB5]  }
0x39: {  	_ = 	snop;
	(pc) =	sbr.ind lr, $3  }
0x3a: {  	_ = 	snop  }
0x3b: {  	_ = 	snop  }
0x3c: {  	p2 =	seq.s32 s10, $0x1;
	s10 =	sld [smem:$0x3FB4]  }
0x3d: {  	_ =	shalt  }
0x3e: {  	_ =	shalt  }
0x3f: {  	_ =	shalt  }
0x40: {  	_ =	shalt  }
0x41: {  	_ =	shalt  }
0x42: {  	_ =	shalt  }
0x43: {  	_ =	shalt  }
0x44: {  	_ =	shalt  }
0x45: {  	_ =	shalt  }
0x46: {  	_ =	shalt  }
0x47: {  	_ =	shalt  }
0x48: {  	_ =	shalt  }
0x49: {  	_ =	shalt  }
0x4a: {  	_ =	shalt  }
0x4b: {  	_ =	shalt  }
0x4c: {  	_ =	shalt  }
0x4d: {  	_ =	shalt  }
0x4e: {  	_ =	shalt  }
0x4f: {  	_ =	shalt  }
0x50: {  	_ =	shalt  }
0x51: {  	_ =	shalt  }
0x52: {  	_ =	shalt  }
0x53: {  	_ =	shalt  }
0x54: {  	_ =	shalt  }
0x55: {  	_ =	shalt  }
0x56: {  	_ =	shalt  }
0x57: {  	_ =	shalt  }
0x58: {  	_ =	shalt  }
0x59: {  	_ =	shalt  }
0x5a: {  	_ =	shalt  }
0x5b: {  	_ =	shalt  }
0x5c: {  	_ =	shalt  }
0x5d: {  	_ =	shalt  }
0x5e: {  	_ =	shalt  }
0x5f: {  	_ =	shalt  }
0x60: {  	_ =	shalt  }
0x61: {  	_ =	shalt  }
0x62: {  	_ =	shalt  }
0x63: {  	_ =	shalt  }
0x64: {  	_ =	shalt  }
0x65: {  	_ =	shalt  }
0x66: {  	_ =	shalt  }
0x67: {  	_ =	shalt  }
0x68: {  	_ =	shalt  }
0x69: {  	_ =	shalt  }
0x6a: {  	_ =	shalt  }
0x6b: {  	_ =	shalt  }
0x6c: {  	_ =	shalt  }
0x6d: {  	_ =	shalt  }
0x6e: {  	_ =	shalt  }
0x6f: {  	_ =	shalt  }
0x70: {  	_ =	shalt  }
0x71: {  	_ =	shalt  }
0x72: {  	_ =	shalt  }
0x73: {  	_ =	shalt  }
0x74: {  	_ =	shalt  }
0x75: {  	_ =	shalt  }
0x76: {  	_ =	shalt  }
0x77: {  	_ =	shalt  }
0x78: {  	_ =	shalt  }
0x79: {  	_ =	shalt  }
0x7a: {  	_ =	shalt  }
0x7b: {  	_ =	shalt  }
0x7c: {  	_ =	shalt  }
0x7d: {  	_ =	shalt  }
0x7e: {  	_ =	shalt  }
0x7f: {  	_ =	shalt  }
0x80: {  	_ =	shalt  }
0x81: {  	_ =	shalt  }
0x82: {  	_ =	shalt  }
0x83: {  	_ =	shalt  }
0x84: {  	_ =	shalt  }
0x85: {  	_ =	shalt  }
0x86: {  	_ =	shalt  }
0x87: {  	_ =	shalt  }
.Lfunc_end0:
.L_simem_size_0:
called_computation.1_lowered:
.L_overlay_start_0:
0x88: {  	s2 =	sld [smem:$0x3FD9]  }
0x89: {  	s3 =	sld [smem:$0x3FFE];
	_ =	sdelay $0x1  }
0x8a: {  	s1 =	srdreg.scid  }
0x8b: {  	s0 =	sand.u32 $0x1, s1  }
0x8c: {  	s17 =	sshll.u32 s0, $0xA;
	s2 =	sadd.s32 s3, s2  }
0x8d: {  	s2 =	sadd.s32 s2, s17  }
0x8e: {  	[smem:$0x3FC0] =	sst s2  }
0x8f: {  	_ = 	snop  }
0x90: {  	s2 =	sld [smem:$0x3FD0];
	(tm) =	ssettm $0x1  }
0x91: {  	s18 =	sld [smem:$0x3FFB];
	_ =	sdelay $0x3  }
0x92: {  	_ =	strace s18  }
0x93: {  	s3 =	sld [smem:$0x3FFC];
	_ =	sdelay $0x3  }
0x94: {  	_ =	strace s3  }
0x95: {  	s3 =	sld [smem:$0x3FFD];
	_ =	sdelay $0x3  }
0x96: {  	_ =	strace s3  }
0x97: {  	_ =	strace $0x8FFFFFFF  }
0x98: {  	s19 =	sld [smem:$0x3FDB];
	_ =	sdelay $0x1  }
0x99: {  	s4 =	simm.s32 $_scs_section_size  }
0x9a: {  	s5 =	simm.s32 $_size__tile_overlayer_lowered;
	s6 =	simm.s32 $_tile_overlayer_lowered  }
0x9b: {  	s22 =	simm.s32 $0x1BFF;
	s21 =	sshll.u32 s6, $0x1;
	s3 =	sadd.s32 s4, s19  }
0x9c: {  	s7 =	simm.s32 $0x0;
	s20 =	sshll.u32 s5, $0x1;
	s5 =	sadd.s32 s21, s3  }
0x9d: {  	[timem:s7], [sflag:s22] =	dma.local [hbm:s5], s20  }
0x9e: {  	_ =	swait.ge [sflag:s22], s20  }
0x9f: {  	s4 =	ssub.s32 $0x0, s20;
	[sflag:s22] =	ssyncset.done $0x0  }
0xa0: {  	[sflag:s22] =	ssyncadd.s32 s4;
	_ =	sdelay $0x1  }
0xa1: {  	s23 =	simm.s32 $0x1B8B  }
0xa2: {  	_ =	swait.ge [sflag:s23], $0x1  }
0xa3: {  	[sflag:s23] =	ssyncset.done $0x0  }
0xa4: {  	s25 =	simm.s32 $0x1B8E;
	s24 =	sld [smem:$0x3FFE];
	[sflag:s23] =	ssyncadd.s32 $0xFFFFFFFF  }
0xa5: {  	s26 =	simm.s32 $execute0_lowered;
	[smem:$0x3FD2] =	sst s25  }
0xa6: {  	s5 =	sshll.u32 s26, $0x1;
	_ =	strace $0x80000049;
	[dreg:$0x1] =	wrdreg $0xFFFFFFFF  }
0xa7: {  	s28 =	simm.s32 $_size_execute0_lowered;
	s3 =	sadd.s32 s3, s5;
	[dreg:$0x0] =	wrdreg $0x0  }
0xa8: {  	s5 =	sshll.u32 s28, $0x1;
	[dreg:$0x2] =	wrdreg s3  }
0xa9: {  	[dreg:$0x3] =	wrdreg s5  }
0xaa: {  	[dreg:$0x4] =	wrdreg $0xC0  }
0xab: {  	_ =	task [dreg:s7], $0x5FFFF  }
0xac: {  	[dreg:$0x1] =	wrdreg $0xFFFFFFFF  }
0xad: {  	[dreg:$0x0] =	wrdreg $0x60  }
0xae: {  	[dreg:$0x2] =	wrdreg s2  }
0xaf: {  	[dreg:$0x3] =	wrdreg s24  }
0xb0: {  	[dreg:$0x4] =	wrdreg $0xDE000  }
0xb1: {  	[dreg:$0x5] =	wrdreg $0x9  }
0xb2: {  	_ =	task.clear_ibuf [dreg:s7], $0x6FFFF;
	_ =	strace $0x90000049  }
0xb3: {  	s29 =	simm.s32 $0x9;
	_ =	strace $0x8000004B  }
0xb4: {  	_ =	swait.ge [sflag:s29], $0x1  }
0xb5: {  	[sflag:s29] =	ssyncadd.s32 $0xFFFFFFFF  }
0xb6: {  	_ =	strace $0x9000004B  }
0xb7: {  	_ =	sfence  }
0xb8: {  	s30 =	sld [smem:$0x0];
	_ =	sdelay $0x2  }
0xb9: {  	s31 =	sshll.u32 s1, $0xD;
	s1 =	sshrl.u32 s1, $0x2  }
0xba: {  	s3 =	sand.u32 $0x4000, s31;
	s1 =	sadd.s32 s1, s30  }
0xbb: {  	s0 =	sor.u32 s3, s0;
	s1 =	sshll.u32 s1, $0x11  }
0xbc: {  	s0 =	sor.u32 s1, s0  }
0xbd: {  	s0 =	sadd.s32 $0x8F2B, s0  }
0xbe: {  	[sflag:s0] =	ssyncadd.remote.s32 $0x1  }
0xbf: {  	_ =	sfence.sel $0xFFFF  }
0xc0: {  	[dreg:$0x0] =	wrdreg $0xFFFFFFFF;
	(pc) =	sbr.abs _section_cstart, $3  }
0xc1: {  	[dreg:$0x1] =	wrdreg $0xFFFFFFFF  }
0xc2: {  	_ =	task.clear_ibuf [dreg:s7], $0x2FFFF;
	_ =	strace $0x9FFFFFFF  }
0xc3: {  	(tm) =	ssettm $0x7FFFFFFF  }
tec
execute0_lowered:
.L_overlay_start_1:
0x0: {  	(tag) =	ssettag $0x1  }
0x1: {  	s2 =	rddreg [dreg:$0x0]  }
0x2: {  	s6 =	rddreg [dreg:$0x1]  }
0x3: {  	s3 =	rddreg [dreg:$0x2]  }
0x4: {  	s0 =	rddreg [dreg:$0x3];
	s1 =	stileid.u32  }
0x5: {  	s5 =	srdreg.scid;
	s4 =	simm.s32 $0x0;
	s16 =	simm.s32 $0x9E00  }
0x6: {  	s17 =	simm.s32 $0xBE00;
	s18 =	simm.s32 $0x1;
	s19 =	simm.s32 $0x3  }
0x7: {  	s20 =	simm.s32 $0x2;
	s21 =	simm.s32 $0x9D00;
	s22 =	simm.s32 $0x9D80  }
0x8: {  	s23 =	simm.s32 $0x0;
	s12 =	sand.u32 $0x1, s5;
	s7 =	smul.u32 $0x9E00, s1  }
0x9: {  	[smem:$0x7FF] =	sst s4;
	s8 =	smul.u32 $0x9E0, s1;
	s15 =	sshll.u32 s1, $0x6  }
0xa: {  	s5 =	smul.u32 $0x9E000, s12;
	_ =	strace $0x8000004A;
	s10 =	ssub.s32 $0x2, s12  }
0xb: {  	p0 =	seq.s32 s12, $0x0;
	s11 =	sshrl.u32 s10, $0x1;
	s8 =	sadd.s32 s8, s6  }
0xc: {  	s13 =	sadd.s32 s7, s3;
	s31 =	sshrl.u32 s7, $0x3;
	s9 =	sadd.s32 s7, s5  }
0xd: {  	s5 =	sadd.s32 $0x16400, s6;
	s10 =	ssub.s32 s10, s11;
	s7 =	sadd.s32 $0x2800, s8  }
.Ltmp0:
0xe: {  	s11 =	sor.u32 $0x1C04, s15;
	s9 =	sshrl.u32 s9, $0x3;
	(pc) =	sbr.rel .LBB2_1-.Ltmp0, $4  }
0xf: {  	s15 =	simm.s32 $0x80;
	s14 =	smov.u32 s5;
	s9 =	sadd.s32 s9, s6  }
0x10: {  	s6 =	sadd.s32 $0xC600, s8;
	s14 =	smov.u32 @p0 s2;
	p0 =	sne.s32 s12, $0x0  }
0x11: {  	s12 =	sshrl.u32 s13, $0x3;
	s13 =	simm.s32 $0x4;
	s8 =	sadd.s32 $0x2A000, s9  }
0x12: {  	s9 =	smax.u32 s10, $0x1;
	s10 =	sadd.s32 s14, s31;
	s14 =	simm.s32 $0x4F00  }
.LBB2_7:
0x13: {  	[tilespmem:s17], [sflag:$0x2] =	stream.indirect.gather [hbm4b:s5+s15], $0x40, s25, s15, $0xb8;
	[tilespmem:$0x17C00] =	vst v63  }
.LBB2_8:
0x14: {  	_ =	swait.ge [sflag:s18], $0x2000  }
0x15: {  	[sflag:s18] =	ssyncset.done $0x0  }
0x16: {  	[sflag:s18] =	ssyncadd.s32 $0xFFFFE000  }
0x17: {  	[spmem:s3] =	stream.indirect.scatter.add.f32 [tilespmem:s16], [sflag:$0x3], $0x40, s21, s15, $0xb8;
	[tilespmem:$0x17C00] =	vst v63  }
0x18: {  	_ =	swait.ge [sflag:s19], $0x2000  }
0x19: {  	[sflag:s19] =	ssyncset.done $0x0  }
0x1a: {  	[sflag:s19] =	ssyncadd.s32 $0xFFFFE000  }
0x1b: {  	_ =	swait.ge [sflag:s20], $0x2000  }
0x1c: {  	[sflag:s20] =	ssyncset.done $0x0  }
0x1d: {  	[sflag:s20] =	ssyncadd.s32 $0xFFFFE000  }
0x1e: {  	[spmem:s3] =	stream.indirect.scatter.add.f32 [tilespmem:s17], [sflag:$0x3], $0x40, s22, s15, $0xb8;
	[tilespmem:$0x17C00] =	vst v63  }
0x1f: {  	_ =	swait.ge [sflag:s19], $0x2000  }
0x20: {  	s23 =	sadd.s32 $0x1, s23;
	[sflag:s19] =	ssyncset.done $0x0  }
0x21: {  	p1 =	sne.s32 s23, s9;
	[sflag:s19] =	ssyncadd.s32 $0xFFFFE000  }
.Ltmp1:
0x22: {  	[bflag:$0x0] =	sbarrier.arrive $0xFFFF;
	(pc) =	sbr.rel @!p1 .LBB2_9-.Ltmp1, $4  }
0x23: {  	[hbm:s8], [sflag:s11] =	dma.local [spmem:s12], $0x13C0  }
0x24: {  	_ =	swait.ge [sflag:s13], $0x13C0  }
0x25: {  	[sflag:s13] =	ssyncset.done $0x0  }
0x26: {  	[sflag:s13] =	ssyncadd.s32 $0xFFFFEC40  }
.LBB2_1:
0x27: {  	[spmem:s12], [sflag:s11] =	dma.local [hbm:s10], $0x13C0  }
0x28: {  	_ =	swait.ge [sflag:s13], $0x13C0  }
0x29: {  	[sflag:s13] =	ssyncset.done $0x0  }
0x2a: {  	[sflag:s13] =	ssyncadd.s32 $0xFFFFEC40  }
0x2b: {  	[bflag:$0x0] =	sbarrier.arrive $0xFFFF  }
0x2c: {  	[tilespmem:s4], [sflag:$0x4] =	stream.linear.gather [hbm4b:s6+s4], $0x4F00, $0x38;
	[tilespmem:$0x17C00] =	vst v63  }
0x2d: {  	_ =	swait.ge [sflag:s13], $0x4F00  }
0x2e: {  	[sflag:s13] =	ssyncset.done $0x0  }
.Ltmp2:
0x2f: {  	[sflag:s13] =	ssyncadd.s32 $0xFFFFB100;
	(pc) =	sbr.rel @p0 .LBB2_5-.Ltmp2, $4  }
0x30: {  	[tilespmem:s14], [sflag:$0x4] =	stream.linear.gather [hbm4b:s7+s4], $0x4F00, $0x38;
	[tilespmem:$0x17C00] =	vst v63  }
0x31: {  	_ =	swait.ge [sflag:s13], $0x4F00  }
0x32: {  	[sflag:s13] =	ssyncset.done $0x0  }
0x33: {  	s24 =	simm.s32 $0x0;
	[sflag:s13] =	ssyncadd.s32 $0xFFFFB100  }
0x34: {  	[tilespmem:s16], [sflag:$0x1] =	stream.indirect.gather [hbm4b:s2+s15], $0x40, s24, s15, $0xb8;
	[tilespmem:$0x17C00] =	vst v63  }
0x35: {  	_ = 	snop  }
0x36: {  	[tilespmem:s17], [sflag:$0x2] =	stream.indirect.gather [hbm4b:s2+s15], $0x40, s15, s15, $0xb8;
	[tilespmem:$0x17C00] =	vst v63  }
0x37: {  	_ =	swait.ge [sflag:s18], $0x2000  }
0x38: {  	[sflag:s18] =	ssyncset.done $0x0  }
0x39: {  	s29 =	simm.s32 $0x4F00;
	[sflag:s18] =	ssyncadd.s32 $0xFFFFE000  }
0x3a: {  	[spmem:s3] =	stream.indirect.scatter.add.f32 [tilespmem:s16], [sflag:$0x3], $0x40, s29, s15, $0xb8;
	[tilespmem:$0x17C00] =	vst v63  }
0x3b: {  	_ =	swait.ge [sflag:s19], $0x2000  }
0x3c: {  	[sflag:s19] =	ssyncset.done $0x0  }
0x3d: {  	s30 =	simm.s32 $0x100;
	[sflag:s19] =	ssyncadd.s32 $0xFFFFE000  }
0x3e: {  	[tilespmem:s16], [sflag:$0x1] =	stream.indirect.gather [hbm4b:s2+s15], $0x40, s30, s15, $0xb8;
	[tilespmem:$0x17C00] =	vst v63  }
0x3f: {  	_ =	swait.ge [sflag:s20], $0x2000  }
0x40: {  	[sflag:s20] =	ssyncset.done $0x0  }
0x41: {  	s31 =	simm.s32 $0x4F80;
	[sflag:s20] =	ssyncadd.s32 $0xFFFFE000  }
0x42: {  	[spmem:s3] =	stream.indirect.scatter.add.f32 [tilespmem:s17], [sflag:$0x3], $0x40, s31, s15, $0xb8;
	[tilespmem:$0x17C00] =	vst v63  }
0x43: {  	_ =	swait.ge [sflag:s19], $0x2000  }
0x44: {  	[sflag:s19] =	ssyncset.done $0x0  }
0x45: {  	s24 =	simm.s32 $0x400;
	s25 =	simm.s32 $0x180;
	[sflag:s19] =	ssyncadd.s32 $0xFFFFE000  }
.LBB2_3:
0x46: {  	[tilespmem:s17], [sflag:$0x2] =	stream.indirect.gather [hbm4b:s2+s15], $0x40, s25, s15, $0xb8;
	[tilespmem:$0x17C00] =	vst v63  }
0x47: {  	s25 =	smov.u32 s24  }
0x48: {  	p1 =	seq.s32 s24, $0x13400;
	s24 =	sadd.s32 $0x400, s24;
	_ =	swait.ge [sflag:s18], $0x2000  }
0x49: {  	s25 =	sshra.s32 s25, $0x2;
	[sflag:s18] =	ssyncset.done $0x0  }
0x4a: {  	s26 =	sadd.s32 $0x4F00, s25;
	[sflag:s18] =	ssyncadd.s32 $0xFFFFE000  }
0x4b: {  	[spmem:s3] =	stream.indirect.scatter.add.f32 [tilespmem:s16], [sflag:$0x3], $0x40, s26, s15, $0xb8;
	[tilespmem:$0x17C00] =	vst v63  }
0x4c: {  	_ =	swait.ge [sflag:s19], $0x2000  }
0x4d: {  	[sflag:s19] =	ssyncset.done $0x0  }
0x4e: {  	s26 =	sadd.s32 $0x100, s25;
	[sflag:s19] =	ssyncadd.s32 $0xFFFFE000  }
0x4f: {  	[tilespmem:s16], [sflag:$0x1] =	stream.indirect.gather [hbm4b:s2+s15], $0x40, s26, s15, $0xb8;
	[tilespmem:$0x17C00] =	vst v63  }
0x50: {  	_ =	swait.ge [sflag:s20], $0x2000  }
0x51: {  	[sflag:s20] =	ssyncset.done $0x0  }
.Ltmp3:
0x52: {  	s26 =	sadd.s32 $0x4F80, s25;
	[sflag:s20] =	ssyncadd.s32 $0xFFFFE000;
	(pc) =	sbr.rel @!p1 .LBB2_3-.Ltmp3, $4  }
0x53: {  	[spmem:s3] =	stream.indirect.scatter.add.f32 [tilespmem:s17], [sflag:$0x3], $0x40, s26, s15, $0xb8;
	[tilespmem:$0x17C00] =	vst v63  }
0x54: {  	_ =	swait.ge [sflag:s19], $0x2000  }
0x55: {  	[sflag:s19] =	ssyncset.done $0x0  }
0x56: {  	s25 =	sadd.s32 $0x180, s25;
	[sflag:s19] =	ssyncadd.s32 $0xFFFFE000  }
.Ltmp4:
0x57: {  	(pc) =	sbr.rel .LBB2_8-.Ltmp4, $2  }
0x58: {  	_ =	sdelay $0x2  }
0x59: {  	[tilespmem:s17], [sflag:$0x2] =	stream.indirect.gather [hbm4b:s2+s15], $0x40, s25, s15, $0xb8;
	[tilespmem:$0x17C00] =	vst v63  }
.LBB2_5:
0x5a: {  	[tilespmem:s16], [sflag:$0x1] =	stream.indirect.gather [hbm4b:s5+s15], $0x40, s24, s15, $0xb8;
	[tilespmem:$0x17C00] =	vst v63  }
0x5b: {  	_ = 	snop  }
0x5c: {  	[tilespmem:s17], [sflag:$0x2] =	stream.indirect.gather [hbm4b:s5+s15], $0x40, s15, s15, $0xb8;
	[tilespmem:$0x17C00] =	vst v63  }
0x5d: {  	_ =	swait.ge [sflag:s18], $0x2000  }
0x5e: {  	[sflag:s18] =	ssyncset.done $0x0  }
0x5f: {  	s29 =	simm.s32 $0x4F00;
	[sflag:s18] =	ssyncadd.s32 $0xFFFFE000  }
0x60: {  	[spmem:s3] =	stream.indirect.scatter.add.f32 [tilespmem:s16], [sflag:$0x3], $0x40, s29, s15, $0xb8;
	[tilespmem:$0x17C00] =	vst v63  }
0x61: {  	_ =	swait.ge [sflag:s19], $0x2000  }
0x62: {  	[sflag:s19] =	ssyncset.done $0x0  }
0x63: {  	s30 =	simm.s32 $0x100;
	[sflag:s19] =	ssyncadd.s32 $0xFFFFE000  }
0x64: {  	[tilespmem:s16], [sflag:$0x1] =	stream.indirect.gather [hbm4b:s5+s15], $0x40, s30, s15, $0xb8;
	[tilespmem:$0x17C00] =	vst v63  }
0x65: {  	_ =	swait.ge [sflag:s20], $0x2000  }
0x66: {  	[sflag:s20] =	ssyncset.done $0x0  }
0x67: {  	s31 =	simm.s32 $0x4F80;
	[sflag:s20] =	ssyncadd.s32 $0xFFFFE000  }
0x68: {  	[spmem:s3] =	stream.indirect.scatter.add.f32 [tilespmem:s17], [sflag:$0x3], $0x40, s31, s15, $0xb8;
	[tilespmem:$0x17C00] =	vst v63  }
0x69: {  	_ =	swait.ge [sflag:s19], $0x2000  }
0x6a: {  	[sflag:s19] =	ssyncset.done $0x0  }
0x6b: {  	s24 =	simm.s32 $0x400;
	s25 =	simm.s32 $0x180;
	[sflag:s19] =	ssyncadd.s32 $0xFFFFE000  }
.LBB2_6:
0x6c: {  	[tilespmem:s17], [sflag:$0x2] =	stream.indirect.gather [hbm4b:s5+s15], $0x40, s25, s15, $0xb8;
	[tilespmem:$0x17C00] =	vst v63  }
0x6d: {  	s25 =	smov.u32 s24  }
0x6e: {  	p1 =	sne.s32 s24, $0x13400;
	s24 =	sadd.s32 $0x400, s24;
	_ =	swait.ge [sflag:s18], $0x2000  }
0x6f: {  	s25 =	sshra.s32 s25, $0x2;
	[sflag:s18] =	ssyncset.done $0x0  }
0x70: {  	s26 =	sadd.s32 $0x4F00, s25;
	[sflag:s18] =	ssyncadd.s32 $0xFFFFE000  }
0x71: {  	[spmem:s3] =	stream.indirect.scatter.add.f32 [tilespmem:s16], [sflag:$0x3], $0x40, s26, s15, $0xb8;
	[tilespmem:$0x17C00] =	vst v63  }
0x72: {  	_ =	swait.ge [sflag:s19], $0x2000  }
0x73: {  	[sflag:s19] =	ssyncset.done $0x0  }
0x74: {  	s26 =	sadd.s32 $0x100, s25;
	[sflag:s19] =	ssyncadd.s32 $0xFFFFE000  }
0x75: {  	[tilespmem:s16], [sflag:$0x1] =	stream.indirect.gather [hbm4b:s5+s15], $0x40, s26, s15, $0xb8;
	[tilespmem:$0x17C00] =	vst v63  }
0x76: {  	_ =	swait.ge [sflag:s20], $0x2000  }
0x77: {  	[sflag:s20] =	ssyncset.done $0x0  }
.Ltmp5:
0x78: {  	s26 =	sadd.s32 $0x4F80, s25;
	[sflag:s20] =	ssyncadd.s32 $0xFFFFE000;
	(pc) =	sbr.rel @p1 .LBB2_6-.Ltmp5, $4  }
0x79: {  	[spmem:s3] =	stream.indirect.scatter.add.f32 [tilespmem:s17], [sflag:$0x3], $0x40, s26, s15, $0xb8;
	[tilespmem:$0x17C00] =	vst v63  }
0x7a: {  	_ =	swait.ge [sflag:s19], $0x2000  }
0x7b: {  	[sflag:s19] =	ssyncset.done $0x0  }
0x7c: {  	s25 =	sadd.s32 $0x180, s25;
	[sflag:s19] =	ssyncadd.s32 $0xFFFFE000  }
.Ltmp6:
0x7d: {  	_ = 	snop;
	(pc) =	sbr.rel .LBB2_7-.Ltmp6, $1  }
0x7e: {  	_ =	sdelay $0x3  }
.LBB2_9:
0x7f: {  	_ =	sfence.sel $0x180000  }
0x80: {  	[bflag:$0x0] =	sbarrier.arrive $0xFFFF  }
0x81: {  	p0 =	sne.s32 s1, $0x0;
	_ =	strace $0x9000004A  }
0x82: {  	s0 =	sadd.s32 @!p0 $0x100000, s0;
	[bflag:$0x2] =	sbarrier.arrive $0xFFFF  }
0x83: {  	[sflag:s0] =	ssyncadd.tile.s32 @!p0 $0x1;
	_ =	shalt  }
.Lfunc_end2:
_tile_overlayer_lowered:
.L_overlay_start_2:
0x84: {  	(tag) =	ssettag $0x2  }
0x85: {  	s0 =	rddreg [dreg:$0x0];
	s2 =	stileid.u32  }
0x86: {  	s1 =	rddreg [dreg:$0x1];
	p0 =	sne.s32 s2, $0x0  }
0x87: {  	s3 =	rddreg [dreg:$0x2];
	[bflag:$0x3] =	sbarrier.arrive $0xFFFF;
	s2 =	simm.s32 @!p0 $0x1C04  }
0x88: {  	[timem:s3], [sflag:s2] =	dma.local @!p0 [hbm:s0], s1  }
0x89: {  	s0 =	simm.s32 @!p0 $0x4  }
0x8a: {  	_ =	swait.ge @!p0 [sflag:s0], s1  }
0x8b: {  	s1 =	ssub.s32 @!p0 $0x0, s1;
	[sflag:s0] =	ssyncset.done @!p0 $0x0  }
0x8c: {  	[sflag:s0] =	ssyncadd.s32 @!p0 s1  }
0x8d: {  	[bflag:$0x3] =	sbarrier.arrive $0xFFFF  }
0x8e: {  	_ =	shalt  }

// kernel: kernel.14.cloned.1.call-start
scs
__scs_entry_jumppad:
0x0: {  	(pc) =	sbr.rel $0x88, $3  }
0x1: {  	(tag) =	ssettag $0x0;
	lr =	simm.s32 $0x1  }
0x2: {  	[smem:$0x3F99] =	sst lr;
	_ =	strace $0xD0000000  }
0x3: {  	_ = 	snop  }
0x4: {  	_ = 	snop  }
0x5: {  	_ = 	snop  }
0x6: {  	_ = 	snop  }
0x7: {  	_ = 	snop  }
__scs_overlays_trampoline_lowered:
0x8: {  	[smem:$0x3FA8] =	sst s0  }
0x9: {  	[smem:$0x3FA9] =	sst s1  }
0xa: {  	[smem:$0x3FAA] =	sst s2  }
0xb: {  	[smem:$0x3FAB] =	sst s3  }
0xc: {  	[smem:$0x3FAC] =	sst s4  }
0xd: {  	[smem:$0x3FAD] =	sst s5  }
0xe: {  	[smem:$0x3FAE] =	sst s6  }
0xf: {  	[smem:$0x3FAF] =	sst s7  }
0x10: {  	[smem:$0x3FB0] =	sst s8  }
0x11: {  	[smem:$0x3FB1] =	sst s9;
	s0 =	simm.s32 @!p0 $0x0  }
0x12: {  	s1 =	sld [smem:$0x3F97];
	s0 =	simm.s32 @p0 $0x1  }
0x13: {  	[smem:$0x3FB2] =	sst s0;
	s0 =	simm.s32 @!p1 $0x0  }
0x14: {  	s2 =	sld [smem:$0x3F96];
	s0 =	simm.s32 @p1 $0x1  }
0x15: {  	[smem:$0x3FB3] =	sst s0;
	s0 =	simm.s32 @!p2 $0x0  }
0x16: {  	s3 =	sld [smem:$0x3FDB];
	s0 =	simm.s32 @p2 $0x1  }
0x17: {  	s4 =	simm.s32 $0x1BF5;
	[smem:$0x3FB5] =	sst s0  }
0x18: {  	s0 =	sld [smem:$0x3F98];
	_ =	swait.ge [sflag:s4], $0x0  }
0x19: {  	s7 =	sld [smem:$0x3F99]  }
0x1a: {  	s8 =	sadd.s32 $0xFFFFE003, lr  }
0x1b: {  	s9 =	sadd.s32 $0xFFFFFEF7, lr;
	s5 =	simm.s32 $0xFFFFFFFF;
	p2 =	slt.u32 s8, $0xFFFFF086  }
0x1c: {  	p1 =	slt.u32 s9, $0xF7A;
	s5 =	simm.s32 @!p2 $0x0  }
0x1d: {  	s5 =	simm.s32 @p1 $0x1;
	p0 =	seq.s32 s7, s2  }
0x1e: {  	s7 =	smul.u32 @!p0 $0xF7A, s2;
	p2 =	seq.s32 @!p0 s5, $0x0  }
0x1f: {  	s9 =	smul.u32 $0xF7A, s1;
	s8 =	simm.s32 @!p0 $0x1BF5;
	p2 =	por !p2, p0  }
0x20: {  	[sflag:s8] =	ssyncset.s32 @!p0 $0xFFFFF086;
	s6 =	sadd.s32 @!p0 s3, s7;
	s7 =	simm.s32 @!p0 $0x108  }
0x21: {  	s3 =	sadd.s32 s3, s9;
	s6 =	sadd.s32 @!p0 $0x88, s6;
	s7 =	simm.s32 @p2 $0x1082  }
0x22: {  	[simem:s7], [sflag:s8] =	dma.local @!p0 [hbm:s6], $0xF7A  }
0x23: {  	s9 =	sor.u32 $0xD0000000, s2;
	s6 =	simm.s32 $0x108;
	_ =	swait.ge @!p0 [sflag:s8], $0x0  }
0x24: {  	s3 =	sadd.s32 $0x88, s3;
	s6 =	simm.s32 @!p1 $0x1082;
	[sflag:s4] =	ssyncset.s32 $0xFFFFF086  }
0x25: {  	[simem:s6], [sflag:s4] =	dma.local [hbm:s3], $0xF7A  }
0x26: {  	[smem:$0x3F99] =	sst s1;
	(tag) =	ssettag s2;
	_ =	strace s9  }
0x27: {  	s1 =	sld [smem:$0x3FA9]  }
0x28: {  	s2 =	sld [smem:$0x3FAA]  }
0x29: {  	s4 =	sld [smem:$0x3FAC]  }
0x2a: {  	p0 =	seq.s32 s5, $0x0;
	s5 =	sld [smem:$0x3FAD]  }
0x2b: {  	s6 =	sld [smem:$0x3FAE]  }
0x2c: {  	s7 =	sld [smem:$0x3FAF]  }
0x2d: {  	s3 =	simm.s32 $0x108;
	s8 =	sld [smem:$0x3FB0]  }
0x2e: {  	s3 =	simm.s32 @!p0 $0x1082;
	s9 =	sld [smem:$0x3FB1]  }
0x2f: {  	lr =	sadd.s32 s0, s3;
	s0 =	sld [smem:$0x3FA8]  }
0x30: {  	s3 =	sld [smem:$0x3FAB]  }
0x31: {  	[smem:$0x3FB4] =	sst s10  }
0x32: {  	s10 =	sld [smem:$0x3FB2];
	_ =	sdelay $0x3  }
0x33: {  	p0 =	seq.s32 s10, $0x1;
	s10 =	sld [smem:$0x3FB4];
	_ =	sdelay $0x3  }
0x34: {  	[smem:$0x3FB4] =	sst s10  }
0x35: {  	s10 =	sld [smem:$0x3FB3];
	_ =	sdelay $0x3  }
0x36: {  	p1 =	seq.s32 s10, $0x1;
	s10 =	sld [smem:$0x3FB4];
	_ =	sdelay $0x3  }
0x37: {  	[smem:$0x3FB4] =	sst s10  }
0x38: {  	s10 =	sld [smem:$0x3FB5]  }
0x39: {  	_ = 	snop;
	(pc) =	sbr.ind lr, $3  }
0x3a: {  	_ = 	snop  }
0x3b: {  	_ = 	snop  }
0x3c: {  	p2 =	seq.s32 s10, $0x1;
	s10 =	sld [smem:$0x3FB4]  }
0x3d: {  	_ =	shalt  }
0x3e: {  	_ =	shalt  }
0x3f: {  	_ =	shalt  }
0x40: {  	_ =	shalt  }
0x41: {  	_ =	shalt  }
0x42: {  	_ =	shalt  }
0x43: {  	_ =	shalt  }
0x44: {  	_ =	shalt  }
0x45: {  	_ =	shalt  }
0x46: {  	_ =	shalt  }
0x47: {  	_ =	shalt  }
0x48: {  	_ =	shalt  }
0x49: {  	_ =	shalt  }
0x4a: {  	_ =	shalt  }
0x4b: {  	_ =	shalt  }
0x4c: {  	_ =	shalt  }
0x4d: {  	_ =	shalt  }
0x4e: {  	_ =	shalt  }
0x4f: {  	_ =	shalt  }
0x50: {  	_ =	shalt  }
0x51: {  	_ =	shalt  }
0x52: {  	_ =	shalt  }
0x53: {  	_ =	shalt  }
0x54: {  	_ =	shalt  }
0x55: {  	_ =	shalt  }
0x56: {  	_ =	shalt  }
0x57: {  	_ =	shalt  }
0x58: {  	_ =	shalt  }
0x59: {  	_ =	shalt  }
0x5a: {  	_ =	shalt  }
0x5b: {  	_ =	shalt  }
0x5c: {  	_ =	shalt  }
0x5d: {  	_ =	shalt  }
0x5e: {  	_ =	shalt  }
0x5f: {  	_ =	shalt  }
0x60: {  	_ =	shalt  }
0x61: {  	_ =	shalt  }
0x62: {  	_ =	shalt  }
0x63: {  	_ =	shalt  }
0x64: {  	_ =	shalt  }
0x65: {  	_ =	shalt  }
0x66: {  	_ =	shalt  }
0x67: {  	_ =	shalt  }
0x68: {  	_ =	shalt  }
0x69: {  	_ =	shalt  }
0x6a: {  	_ =	shalt  }
0x6b: {  	_ =	shalt  }
0x6c: {  	_ =	shalt  }
0x6d: {  	_ =	shalt  }
0x6e: {  	_ =	shalt  }
0x6f: {  	_ =	shalt  }
0x70: {  	_ =	shalt  }
0x71: {  	_ =	shalt  }
0x72: {  	_ =	shalt  }
0x73: {  	_ =	shalt  }
0x74: {  	_ =	shalt  }
0x75: {  	_ =	shalt  }
0x76: {  	_ =	shalt  }
0x77: {  	_ =	shalt  }
0x78: {  	_ =	shalt  }
0x79: {  	_ =	shalt  }
0x7a: {  	_ =	shalt  }
0x7b: {  	_ =	shalt  }
0x7c: {  	_ =	shalt  }
0x7d: {  	_ =	shalt  }
0x7e: {  	_ =	shalt  }
0x7f: {  	_ =	shalt  }
0x80: {  	_ =	shalt  }
0x81: {  	_ =	shalt  }
0x82: {  	_ =	shalt  }
0x83: {  	_ =	shalt  }
0x84: {  	_ =	shalt  }
0x85: {  	_ =	shalt  }
0x86: {  	_ =	shalt  }
0x87: {  	_ =	shalt  }
.Lfunc_end0:
.L_simem_size_0:
called_computation.2_lowered:
.L_overlay_start_0:
0x88: {  	s2 =	sld [smem:$0x3FD9]  }
0x89: {  	s3 =	sld [smem:$0x3FFE];
	_ =	sdelay $0x1  }
0x8a: {  	s1 =	srdreg.scid  }
0x8b: {  	s0 =	sand.u32 $0x1, s1  }
0x8c: {  	s17 =	sshll.u32 s0, $0xA;
	s2 =	sadd.s32 s3, s2  }
0x8d: {  	s2 =	sadd.s32 s2, s17  }
0x8e: {  	[smem:$0x3FC0] =	sst s2  }
0x8f: {  	_ = 	snop  }
0x90: {  	s2 =	sld [smem:$0x3FD0];
	(tm) =	ssettm $0x1  }
0x91: {  	s18 =	sld [smem:$0x3FFB];
	_ =	sdelay $0x3  }
0x92: {  	_ =	strace s18  }
0x93: {  	s3 =	sld [smem:$0x3FFC];
	_ =	sdelay $0x3  }
0x94: {  	_ =	strace s3  }
0x95: {  	s3 =	sld [smem:$0x3FFD];
	_ =	sdelay $0x3  }
0x96: {  	_ =	strace s3  }
0x97: {  	_ =	strace $0x8FFFFFFF  }
0x98: {  	s19 =	sld [smem:$0x3FDB];
	_ =	sdelay $0x1  }
0x99: {  	s4 =	simm.s32 $_scs_section_size  }
0x9a: {  	s5 =	simm.s32 $_size__tile_overlayer_lowered;
	s6 =	simm.s32 $_tile_overlayer_lowered  }
0x9b: {  	s22 =	simm.s32 $0x1BFF;
	s21 =	sshll.u32 s6, $0x1;
	s3 =	sadd.s32 s4, s19  }
0x9c: {  	s7 =	simm.s32 $0x0;
	s20 =	sshll.u32 s5, $0x1;
	s5 =	sadd.s32 s21, s3  }
0x9d: {  	[timem:s7], [sflag:s22] =	dma.local [hbm:s5], s20  }
0x9e: {  	_ =	swait.ge [sflag:s22], s20  }
0x9f: {  	s4 =	ssub.s32 $0x0, s20;
	[sflag:s22] =	ssyncset.done $0x0  }
0xa0: {  	[sflag:s22] =	ssyncadd.s32 s4;
	_ =	sdelay $0x1  }
0xa1: {  	s23 =	simm.s32 $0x1B8B  }
0xa2: {  	_ =	swait.ge [sflag:s23], $0x1  }
0xa3: {  	[sflag:s23] =	ssyncset.done $0x0  }
0xa4: {  	s25 =	simm.s32 $0x1B8E;
	s24 =	sld [smem:$0x3FFE];
	[sflag:s23] =	ssyncadd.s32 $0xFFFFFFFF  }
0xa5: {  	s26 =	simm.s32 $execute0_lowered;
	[smem:$0x3FD2] =	sst s25  }
0xa6: {  	s5 =	sshll.u32 s26, $0x1;
	_ =	strace $0x8000004C;
	[dreg:$0x1] =	wrdreg $0xFFFFFFFF  }
0xa7: {  	s28 =	simm.s32 $_size_execute0_lowered;
	s3 =	sadd.s32 s3, s5;
	[dreg:$0x0] =	wrdreg $0x0  }
0xa8: {  	s5 =	sshll.u32 s28, $0x1;
	[dreg:$0x2] =	wrdreg s3  }
0xa9: {  	[dreg:$0x3] =	wrdreg s5  }
0xaa: {  	[dreg:$0x4] =	wrdreg $0xC0  }
0xab: {  	_ =	task [dreg:s7], $0x5FFFF  }
0xac: {  	[dreg:$0x1] =	wrdreg $0xFFFFFFFF  }
0xad: {  	[dreg:$0x0] =	wrdreg $0x60  }
0xae: {  	[dreg:$0x2] =	wrdreg s2  }
0xaf: {  	[dreg:$0x3] =	wrdreg s24  }
0xb0: {  	[dreg:$0x4] =	wrdreg $0xDE000  }
0xb1: {  	[dreg:$0x5] =	wrdreg $0x9  }
0xb2: {  	_ =	task.clear_ibuf [dreg:s7], $0x6FFFF;
	_ =	strace $0x9000004C  }
0xb3: {  	s29 =	simm.s32 $0x9;
	_ =	strace $0x8000004E  }
0xb4: {  	_ =	swait.ge [sflag:s29], $0x1  }
0xb5: {  	[sflag:s29] =	ssyncadd.s32 $0xFFFFFFFF  }
0xb6: {  	_ =	strace $0x9000004E  }
0xb7: {  	_ =	sfence  }
0xb8: {  	s30 =	sld [smem:$0x0];
	_ =	sdelay $0x2  }
0xb9: {  	s31 =	sshll.u32 s1, $0xD;
	s1 =	sshrl.u32 s1, $0x2  }
0xba: {  	s3 =	sand.u32 $0x4000, s31;
	s1 =	sadd.s32 s1, s30  }
0xbb: {  	s0 =	sor.u32 s3, s0;
	s1 =	sshll.u32 s1, $0x11  }
0xbc: {  	s0 =	sor.u32 s1, s0  }
0xbd: {  	s0 =	sadd.s32 $0x8F2B, s0  }
0xbe: {  	[sflag:s0] =	ssyncadd.remote.s32 $0x1  }
0xbf: {  	_ =	sfence.sel $0xFFFF  }
0xc0: {  	[dreg:$0x0] =	wrdreg $0xFFFFFFFF;
	(pc) =	sbr.abs _section_cstart, $3  }
0xc1: {  	[dreg:$0x1] =	wrdreg $0xFFFFFFFF  }
0xc2: {  	_ =	task.clear_ibuf [dreg:s7], $0x2FFFF;
	_ =	strace $0x9FFFFFFF  }
0xc3: {  	(tm) =	ssettm $0x7FFFFFFF  }
tec
execute0_lowered:
.L_overlay_start_1:
0x0: {  	(tag) =	ssettag $0x1  }
0x1: {  	s2 =	rddreg [dreg:$0x0]  }
0x2: {  	s6 =	rddreg [dreg:$0x1]  }
0x3: {  	s3 =	rddreg [dreg:$0x2]  }
0x4: {  	s0 =	rddreg [dreg:$0x3];
	s1 =	stileid.u32  }
0x5: {  	s5 =	srdreg.scid;
	s4 =	simm.s32 $0x0;
	s16 =	simm.s32 $0x9E00  }
0x6: {  	s17 =	simm.s32 $0xBE00;
	s18 =	simm.s32 $0x1;
	s19 =	simm.s32 $0x3  }
0x7: {  	s20 =	simm.s32 $0x2;
	s21 =	simm.s32 $0x9D00;
	s22 =	simm.s32 $0x9D80  }
0x8: {  	s23 =	simm.s32 $0x0;
	s12 =	sand.u32 $0x1, s5;
	s7 =	smul.u32 $0x9E00, s1  }
0x9: {  	[smem:$0x7FF] =	sst s4;
	s8 =	smul.u32 $0x9E0, s1;
	s15 =	sshll.u32 s1, $0x6  }
0xa: {  	s5 =	smul.u32 $0x9E000, s12;
	_ =	strace $0x8000004D;
	s10 =	ssub.s32 $0x2, s12  }
0xb: {  	p0 =	seq.s32 s12, $0x0;
	s11 =	sshrl.u32 s10, $0x1;
	s8 =	sadd.s32 s8, s6  }
0xc: {  	s13 =	sadd.s32 s7, s3;
	s31 =	sshrl.u32 s7, $0x3;
	s9 =	sadd.s32 s7, s5  }
0xd: {  	s5 =	sadd.s32 $0x16400, s6;
	s10 =	ssub.s32 s10, s11;
	s7 =	sadd.s32 $0x2800, s8  }
.Ltmp0:
0xe: {  	s11 =	sor.u32 $0x1C04, s15;
	s9 =	sshrl.u32 s9, $0x3;
	(pc) =	sbr.rel .LBB2_1-.Ltmp0, $4  }
0xf: {  	s15 =	simm.s32 $0x80;
	s14 =	smov.u32 s5;
	s9 =	sadd.s32 s9, s6  }
0x10: {  	s6 =	sadd.s32 $0xC600, s8;
	s14 =	smov.u32 @p0 s2;
	p0 =	sne.s32 s12, $0x0  }
0x11: {  	s12 =	sshrl.u32 s13, $0x3;
	s13 =	simm.s32 $0x4;
	s8 =	sadd.s32 $0x2A000, s9  }
0x12: {  	s9 =	smax.u32 s10, $0x1;
	s10 =	sadd.s32 s14, s31;
	s14 =	simm.s32 $0x4F00  }
.LBB2_7:
0x13: {  	[tilespmem:s17], [sflag:$0x2] =	stream.indirect.gather [hbm4b:s5+s15], $0x40, s25, s15, $0xb8;
	[tilespmem:$0x17C00] =	vst v63  }
.LBB2_8:
0x14: {  	_ =	swait.ge [sflag:s18], $0x2000  }
0x15: {  	[sflag:s18] =	ssyncset.done $0x0  }
0x16: {  	[sflag:s18] =	ssyncadd.s32 $0xFFFFE000  }
0x17: {  	[spmem:s3] =	stream.indirect.scatter.add.f32 [tilespmem:s16], [sflag:$0x3], $0x40, s21, s15, $0xb8;
	[tilespmem:$0x17C00] =	vst v63  }
0x18: {  	_ =	swait.ge [sflag:s19], $0x2000  }
0x19: {  	[sflag:s19] =	ssyncset.done $0x0  }
0x1a: {  	[sflag:s19] =	ssyncadd.s32 $0xFFFFE000  }
0x1b: {  	_ =	swait.ge [sflag:s20], $0x2000  }
0x1c: {  	[sflag:s20] =	ssyncset.done $0x0  }
0x1d: {  	[sflag:s20] =	ssyncadd.s32 $0xFFFFE000  }
0x1e: {  	[spmem:s3] =	stream.indirect.scatter.add.f32 [tilespmem:s17], [sflag:$0x3], $0x40, s22, s15, $0xb8;
	[tilespmem:$0x17C00] =	vst v63  }
0x1f: {  	_ =	swait.ge [sflag:s19], $0x2000  }
0x20: {  	s23 =	sadd.s32 $0x1, s23;
	[sflag:s19] =	ssyncset.done $0x0  }
0x21: {  	p1 =	sne.s32 s23, s9;
	[sflag:s19] =	ssyncadd.s32 $0xFFFFE000  }
.Ltmp1:
0x22: {  	[bflag:$0x0] =	sbarrier.arrive $0xFFFF;
	(pc) =	sbr.rel @!p1 .LBB2_9-.Ltmp1, $4  }
0x23: {  	[hbm:s8], [sflag:s11] =	dma.local [spmem:s12], $0x13C0  }
0x24: {  	_ =	swait.ge [sflag:s13], $0x13C0  }
0x25: {  	[sflag:s13] =	ssyncset.done $0x0  }
0x26: {  	[sflag:s13] =	ssyncadd.s32 $0xFFFFEC40  }
.LBB2_1:
0x27: {  	[spmem:s12], [sflag:s11] =	dma.local [hbm:s10], $0x13C0  }
0x28: {  	_ =	swait.ge [sflag:s13], $0x13C0  }
0x29: {  	[sflag:s13] =	ssyncset.done $0x0  }
0x2a: {  	[sflag:s13] =	ssyncadd.s32 $0xFFFFEC40  }
0x2b: {  	[bflag:$0x0] =	sbarrier.arrive $0xFFFF  }
0x2c: {  	[tilespmem:s4], [sflag:$0x4] =	stream.linear.gather [hbm4b:s6+s4], $0x4F00, $0x38;
	[tilespmem:$0x17C00] =	vst v63  }
0x2d: {  	_ =	swait.ge [sflag:s13], $0x4F00  }
0x2e: {  	[sflag:s13] =	ssyncset.done $0x0  }
.Ltmp2:
0x2f: {  	[sflag:s13] =	ssyncadd.s32 $0xFFFFB100;
	(pc) =	sbr.rel @p0 .LBB2_5-.Ltmp2, $4  }
0x30: {  	[tilespmem:s14], [sflag:$0x4] =	stream.linear.gather [hbm4b:s7+s4], $0x4F00, $0x38;
	[tilespmem:$0x17C00] =	vst v63  }
0x31: {  	_ =	swait.ge [sflag:s13], $0x4F00  }
0x32: {  	[sflag:s13] =	ssyncset.done $0x0  }
0x33: {  	s24 =	simm.s32 $0x0;
	[sflag:s13] =	ssyncadd.s32 $0xFFFFB100  }
0x34: {  	[tilespmem:s16], [sflag:$0x1] =	stream.indirect.gather [hbm4b:s2+s15], $0x40, s24, s15, $0xb8;
	[tilespmem:$0x17C00] =	vst v63  }
0x35: {  	_ = 	snop  }
0x36: {  	[tilespmem:s17], [sflag:$0x2] =	stream.indirect.gather [hbm4b:s2+s15], $0x40, s15, s15, $0xb8;
	[tilespmem:$0x17C00] =	vst v63  }
0x37: {  	_ =	swait.ge [sflag:s18], $0x2000  }
0x38: {  	[sflag:s18] =	ssyncset.done $0x0  }
0x39: {  	s29 =	simm.s32 $0x4F00;
	[sflag:s18] =	ssyncadd.s32 $0xFFFFE000  }
0x3a: {  	[spmem:s3] =	stream.indirect.scatter.add.f32 [tilespmem:s16], [sflag:$0x3], $0x40, s29, s15, $0xb8;
	[tilespmem:$0x17C00] =	vst v63  }
0x3b: {  	_ =	swait.ge [sflag:s19], $0x2000  }
0x3c: {  	[sflag:s19] =	ssyncset.done $0x0  }
0x3d: {  	s30 =	simm.s32 $0x100;
	[sflag:s19] =	ssyncadd.s32 $0xFFFFE000  }
0x3e: {  	[tilespmem:s16], [sflag:$0x1] =	stream.indirect.gather [hbm4b:s2+s15], $0x40, s30, s15, $0xb8;
	[tilespmem:$0x17C00] =	vst v63  }
0x3f: {  	_ =	swait.ge [sflag:s20], $0x2000  }
0x40: {  	[sflag:s20] =	ssyncset.done $0x0  }
0x41: {  	s31 =	simm.s32 $0x4F80;
	[sflag:s20] =	ssyncadd.s32 $0xFFFFE000  }
0x42: {  	[spmem:s3] =	stream.indirect.scatter.add.f32 [tilespmem:s17], [sflag:$0x3], $0x40, s31, s15, $0xb8;
	[tilespmem:$0x17C00] =	vst v63  }
0x43: {  	_ =	swait.ge [sflag:s19], $0x2000  }
0x44: {  	[sflag:s19] =	ssyncset.done $0x0  }
0x45: {  	s24 =	simm.s32 $0x400;
	s25 =	simm.s32 $0x180;
	[sflag:s19] =	ssyncadd.s32 $0xFFFFE000  }
.LBB2_3:
0x46: {  	[tilespmem:s17], [sflag:$0x2] =	stream.indirect.gather [hbm4b:s2+s15], $0x40, s25, s15, $0xb8;
	[tilespmem:$0x17C00] =	vst v63  }
0x47: {  	s25 =	smov.u32 s24  }
0x48: {  	p1 =	seq.s32 s24, $0x13400;
	s24 =	sadd.s32 $0x400, s24;
	_ =	swait.ge [sflag:s18], $0x2000  }
0x49: {  	s25 =	sshra.s32 s25, $0x2;
	[sflag:s18] =	ssyncset.done $0x0  }
0x4a: {  	s26 =	sadd.s32 $0x4F00, s25;
	[sflag:s18] =	ssyncadd.s32 $0xFFFFE000  }
0x4b: {  	[spmem:s3] =	stream.indirect.scatter.add.f32 [tilespmem:s16], [sflag:$0x3], $0x40, s26, s15, $0xb8;
	[tilespmem:$0x17C00] =	vst v63  }
0x4c: {  	_ =	swait.ge [sflag:s19], $0x2000  }
0x4d: {  	[sflag:s19] =	ssyncset.done $0x0  }
0x4e: {  	s26 =	sadd.s32 $0x100, s25;
	[sflag:s19] =	ssyncadd.s32 $0xFFFFE000  }
0x4f: {  	[tilespmem:s16], [sflag:$0x1] =	stream.indirect.gather [hbm4b:s2+s15], $0x40, s26, s15, $0xb8;
	[tilespmem:$0x17C00] =	vst v63  }
0x50: {  	_ =	swait.ge [sflag:s20], $0x2000  }
0x51: {  	[sflag:s20] =	ssyncset.done $0x0  }
.Ltmp3:
0x52: {  	s26 =	sadd.s32 $0x4F80, s25;
	[sflag:s20] =	ssyncadd.s32 $0xFFFFE000;
	(pc) =	sbr.rel @!p1 .LBB2_3-.Ltmp3, $4  }
0x53: {  	[spmem:s3] =	stream.indirect.scatter.add.f32 [tilespmem:s17], [sflag:$0x3], $0x40, s26, s15, $0xb8;
	[tilespmem:$0x17C00] =	vst v63  }
0x54: {  	_ =	swait.ge [sflag:s19], $0x2000  }
0x55: {  	[sflag:s19] =	ssyncset.done $0x0  }
0x56: {  	s25 =	sadd.s32 $0x180, s25;
	[sflag:s19] =	ssyncadd.s32 $0xFFFFE000  }
.Ltmp4:
0x57: {  	(pc) =	sbr.rel .LBB2_8-.Ltmp4, $2  }
0x58: {  	_ =	sdelay $0x2  }
0x59: {  	[tilespmem:s17], [sflag:$0x2] =	stream.indirect.gather [hbm4b:s2+s15], $0x40, s25, s15, $0xb8;
	[tilespmem:$0x17C00] =	vst v63  }
.LBB2_5:
0x5a: {  	[tilespmem:s16], [sflag:$0x1] =	stream.indirect.gather [hbm4b:s5+s15], $0x40, s24, s15, $0xb8;
	[tilespmem:$0x17C00] =	vst v63  }
0x5b: {  	_ = 	snop  }
0x5c: {  	[tilespmem:s17], [sflag:$0x2] =	stream.indirect.gather [hbm4b:s5+s15], $0x40, s15, s15, $0xb8;
	[tilespmem:$0x17C00] =	vst v63  }
0x5d: {  	_ =	swait.ge [sflag:s18], $0x2000  }
0x5e: {  	[sflag:s18] =	ssyncset.done $0x0  }
0x5f: {  	s29 =	simm.s32 $0x4F00;
	[sflag:s18] =	ssyncadd.s32 $0xFFFFE000  }
0x60: {  	[spmem:s3] =	stream.indirect.scatter.add.f32 [tilespmem:s16], [sflag:$0x3], $0x40, s29, s15, $0xb8;
	[tilespmem:$0x17C00] =	vst v63  }
0x61: {  	_ =	swait.ge [sflag:s19], $0x2000  }
0x62: {  	[sflag:s19] =	ssyncset.done $0x0  }
0x63: {  	s30 =	simm.s32 $0x100;
	[sflag:s19] =	ssyncadd.s32 $0xFFFFE000  }
0x64: {  	[tilespmem:s16], [sflag:$0x1] =	stream.indirect.gather [hbm4b:s5+s15], $0x40, s30, s15, $0xb8;
	[tilespmem:$0x17C00] =	vst v63  }
0x65: {  	_ =	swait.ge [sflag:s20], $0x2000  }
0x66: {  	[sflag:s20] =	ssyncset.done $0x0  }
0x67: {  	s31 =	simm.s32 $0x4F80;
	[sflag:s20] =	ssyncadd.s32 $0xFFFFE000  }
0x68: {  	[spmem:s3] =	stream.indirect.scatter.add.f32 [tilespmem:s17], [sflag:$0x3], $0x40, s31, s15, $0xb8;
	[tilespmem:$0x17C00] =	vst v63  }
0x69: {  	_ =	swait.ge [sflag:s19], $0x2000  }
0x6a: {  	[sflag:s19] =	ssyncset.done $0x0  }
0x6b: {  	s24 =	simm.s32 $0x400;
	s25 =	simm.s32 $0x180;
	[sflag:s19] =	ssyncadd.s32 $0xFFFFE000  }
.LBB2_6:
0x6c: {  	[tilespmem:s17], [sflag:$0x2] =	stream.indirect.gather [hbm4b:s5+s15], $0x40, s25, s15, $0xb8;
	[tilespmem:$0x17C00] =	vst v63  }
0x6d: {  	s25 =	smov.u32 s24  }
0x6e: {  	p1 =	sne.s32 s24, $0x13400;
	s24 =	sadd.s32 $0x400, s24;
	_ =	swait.ge [sflag:s18], $0x2000  }
0x6f: {  	s25 =	sshra.s32 s25, $0x2;
	[sflag:s18] =	ssyncset.done $0x0  }
0x70: {  	s26 =	sadd.s32 $0x4F00, s25;
	[sflag:s18] =	ssyncadd.s32 $0xFFFFE000  }
0x71: {  	[spmem:s3] =	stream.indirect.scatter.add.f32 [tilespmem:s16], [sflag:$0x3], $0x40, s26, s15, $0xb8;
	[tilespmem:$0x17C00] =	vst v63  }
0x72: {  	_ =	swait.ge [sflag:s19], $0x2000  }
0x73: {  	[sflag:s19] =	ssyncset.done $0x0  }
0x74: {  	s26 =	sadd.s32 $0x100, s25;
	[sflag:s19] =	ssyncadd.s32 $0xFFFFE000  }
0x75: {  	[tilespmem:s16], [sflag:$0x1] =	stream.indirect.gather [hbm4b:s5+s15], $0x40, s26, s15, $0xb8;
	[tilespmem:$0x17C00] =	vst v63  }
0x76: {  	_ =	swait.ge [sflag:s20], $0x2000  }
0x77: {  	[sflag:s20] =	ssyncset.done $0x0  }
.Ltmp5:
0x78: {  	s26 =	sadd.s32 $0x4F80, s25;
	[sflag:s20] =	ssyncadd.s32 $0xFFFFE000;
	(pc) =	sbr.rel @p1 .LBB2_6-.Ltmp5, $4  }
0x79: {  	[spmem:s3] =	stream.indirect.scatter.add.f32 [tilespmem:s17], [sflag:$0x3], $0x40, s26, s15, $0xb8;
	[tilespmem:$0x17C00] =	vst v63  }
0x7a: {  	_ =	swait.ge [sflag:s19], $0x2000  }
0x7b: {  	[sflag:s19] =	ssyncset.done $0x0  }
0x7c: {  	s25 =	sadd.s32 $0x180, s25;
	[sflag:s19] =	ssyncadd.s32 $0xFFFFE000  }
.Ltmp6:
0x7d: {  	_ = 	snop;
	(pc) =	sbr.rel .LBB2_7-.Ltmp6, $1  }
0x7e: {  	_ =	sdelay $0x3  }
.LBB2_9:
0x7f: {  	_ =	sfence.sel $0x180000  }
0x80: {  	[bflag:$0x0] =	sbarrier.arrive $0xFFFF  }
0x81: {  	p0 =	sne.s32 s1, $0x0;
	_ =	strace $0x9000004D  }
0x82: {  	s0 =	sadd.s32 @!p0 $0x100000, s0;
	[bflag:$0x2] =	sbarrier.arrive $0xFFFF  }
0x83: {  	[sflag:s0] =	ssyncadd.tile.s32 @!p0 $0x1;
	_ =	shalt  }
.Lfunc_end2:
_tile_overlayer_lowered:
.L_overlay_start_2:
0x84: {  	(tag) =	ssettag $0x2  }
0x85: {  	s0 =	rddreg [dreg:$0x0];
	s2 =	stileid.u32  }
0x86: {  	s1 =	rddreg [dreg:$0x1];
	p0 =	sne.s32 s2, $0x0  }
0x87: {  	s3 =	rddreg [dreg:$0x2];
	[bflag:$0x3] =	sbarrier.arrive $0xFFFF;
	s2 =	simm.s32 @!p0 $0x1C04  }
0x88: {  	[timem:s3], [sflag:s2] =	dma.local @!p0 [hbm:s0], s1  }
0x89: {  	s0 =	simm.s32 @!p0 $0x4  }
0x8a: {  	_ =	swait.ge @!p0 [sflag:s0], s1  }
0x8b: {  	s1 =	ssub.s32 @!p0 $0x0, s1;
	[sflag:s0] =	ssyncset.done @!p0 $0x0  }
0x8c: {  	[sflag:s0] =	ssyncadd.s32 @!p0 s1  }
0x8d: {  	[bflag:$0x3] =	sbarrier.arrive $0xFFFF  }
0x8e: {  	_ =	shalt  }

// kernel: kernel.8.cloned.1.call-start
scs
__scs_entry_jumppad:
0x0: {  	(pc) =	sbr.rel $0x88, $3  }
0x1: {  	(tag) =	ssettag $0x0;
	lr =	simm.s32 $0x1  }
0x2: {  	[smem:$0x3F99] =	sst lr;
	_ =	strace $0xD0000000  }
0x3: {  	_ = 	snop  }
0x4: {  	_ = 	snop  }
0x5: {  	_ = 	snop  }
0x6: {  	_ = 	snop  }
0x7: {  	_ = 	snop  }
__scs_overlays_trampoline_lowered:
0x8: {  	[smem:$0x3FA8] =	sst s0  }
0x9: {  	[smem:$0x3FA9] =	sst s1  }
0xa: {  	[smem:$0x3FAA] =	sst s2  }
0xb: {  	[smem:$0x3FAB] =	sst s3  }
0xc: {  	[smem:$0x3FAC] =	sst s4  }
0xd: {  	[smem:$0x3FAD] =	sst s5  }
0xe: {  	[smem:$0x3FAE] =	sst s6  }
0xf: {  	[smem:$0x3FAF] =	sst s7  }
0x10: {  	[smem:$0x3FB0] =	sst s8  }
0x11: {  	[smem:$0x3FB1] =	sst s9;
	s0 =	simm.s32 @!p0 $0x0  }
0x12: {  	s1 =	sld [smem:$0x3F97];
	s0 =	simm.s32 @p0 $0x1  }
0x13: {  	[smem:$0x3FB2] =	sst s0;
	s0 =	simm.s32 @!p1 $0x0  }
0x14: {  	s2 =	sld [smem:$0x3F96];
	s0 =	simm.s32 @p1 $0x1  }
0x15: {  	[smem:$0x3FB3] =	sst s0;
	s0 =	simm.s32 @!p2 $0x0  }
0x16: {  	s3 =	sld [smem:$0x3FDB];
	s0 =	simm.s32 @p2 $0x1  }
0x17: {  	s4 =	simm.s32 $0x1BF5;
	[smem:$0x3FB5] =	sst s0  }
0x18: {  	s0 =	sld [smem:$0x3F98];
	_ =	swait.ge [sflag:s4], $0x0  }
0x19: {  	s7 =	sld [smem:$0x3F99]  }
0x1a: {  	s8 =	sadd.s32 $0xFFFFE003, lr  }
0x1b: {  	s9 =	sadd.s32 $0xFFFFFEF7, lr;
	s5 =	simm.s32 $0xFFFFFFFF;
	p2 =	slt.u32 s8, $0xFFFFF086  }
0x1c: {  	p1 =	slt.u32 s9, $0xF7A;
	s5 =	simm.s32 @!p2 $0x0  }
0x1d: {  	s5 =	simm.s32 @p1 $0x1;
	p0 =	seq.s32 s7, s2  }
0x1e: {  	s7 =	smul.u32 @!p0 $0xF7A, s2;
	p2 =	seq.s32 @!p0 s5, $0x0  }
0x1f: {  	s9 =	smul.u32 $0xF7A, s1;
	s8 =	simm.s32 @!p0 $0x1BF5;
	p2 =	por !p2, p0  }
0x20: {  	[sflag:s8] =	ssyncset.s32 @!p0 $0xFFFFF086;
	s6 =	sadd.s32 @!p0 s3, s7;
	s7 =	simm.s32 @!p0 $0x108  }
0x21: {  	s3 =	sadd.s32 s3, s9;
	s6 =	sadd.s32 @!p0 $0x88, s6;
	s7 =	simm.s32 @p2 $0x1082  }
0x22: {  	[simem:s7], [sflag:s8] =	dma.local @!p0 [hbm:s6], $0xF7A  }
0x23: {  	s9 =	sor.u32 $0xD0000000, s2;
	s6 =	simm.s32 $0x108;
	_ =	swait.ge @!p0 [sflag:s8], $0x0  }
0x24: {  	s3 =	sadd.s32 $0x88, s3;
	s6 =	simm.s32 @!p1 $0x1082;
	[sflag:s4] =	ssyncset.s32 $0xFFFFF086  }
0x25: {  	[simem:s6], [sflag:s4] =	dma.local [hbm:s3], $0xF7A  }
0x26: {  	[smem:$0x3F99] =	sst s1;
	(tag) =	ssettag s2;
	_ =	strace s9  }
0x27: {  	s1 =	sld [smem:$0x3FA9]  }
0x28: {  	s2 =	sld [smem:$0x3FAA]  }
0x29: {  	s4 =	sld [smem:$0x3FAC]  }
0x2a: {  	p0 =	seq.s32 s5, $0x0;
	s5 =	sld [smem:$0x3FAD]  }
0x2b: {  	s6 =	sld [smem:$0x3FAE]  }
0x2c: {  	s7 =	sld [smem:$0x3FAF]  }
0x2d: {  	s3 =	simm.s32 $0x108;
	s8 =	sld [smem:$0x3FB0]  }
0x2e: {  	s3 =	simm.s32 @!p0 $0x1082;
	s9 =	sld [smem:$0x3FB1]  }
0x2f: {  	lr =	sadd.s32 s0, s3;
	s0 =	sld [smem:$0x3FA8]  }
0x30: {  	s3 =	sld [smem:$0x3FAB]  }
0x31: {  	[smem:$0x3FB4] =	sst s10  }
0x32: {  	s10 =	sld [smem:$0x3FB2];
	_ =	sdelay $0x3  }
0x33: {  	p0 =	seq.s32 s10, $0x1;
	s10 =	sld [smem:$0x3FB4];
	_ =	sdelay $0x3  }
0x34: {  	[smem:$0x3FB4] =	sst s10  }
0x35: {  	s10 =	sld [smem:$0x3FB3];
	_ =	sdelay $0x3  }
0x36: {  	p1 =	seq.s32 s10, $0x1;
	s10 =	sld [smem:$0x3FB4];
	_ =	sdelay $0x3  }
0x37: {  	[smem:$0x3FB4] =	sst s10  }
0x38: {  	s10 =	sld [smem:$0x3FB5]  }
0x39: {  	_ = 	snop;
	(pc) =	sbr.ind lr, $3  }
0x3a: {  	_ = 	snop  }
0x3b: {  	_ = 	snop  }
0x3c: {  	p2 =	seq.s32 s10, $0x1;
	s10 =	sld [smem:$0x3FB4]  }
0x3d: {  	_ =	shalt  }
0x3e: {  	_ =	shalt  }
0x3f: {  	_ =	shalt  }
0x40: {  	_ =	shalt  }
0x41: {  	_ =	shalt  }
0x42: {  	_ =	shalt  }
0x43: {  	_ =	shalt  }
0x44: {  	_ =	shalt  }
0x45: {  	_ =	shalt  }
0x46: {  	_ =	shalt  }
0x47: {  	_ =	shalt  }
0x48: {  	_ =	shalt  }
0x49: {  	_ =	shalt  }
0x4a: {  	_ =	shalt  }
0x4b: {  	_ =	shalt  }
0x4c: {  	_ =	shalt  }
0x4d: {  	_ =	shalt  }
0x4e: {  	_ =	shalt  }
0x4f: {  	_ =	shalt  }
0x50: {  	_ =	shalt  }
0x51: {  	_ =	shalt  }
0x52: {  	_ =	shalt  }
0x53: {  	_ =	shalt  }
0x54: {  	_ =	shalt  }
0x55: {  	_ =	shalt  }
0x56: {  	_ =	shalt  }
0x57: {  	_ =	shalt  }
0x58: {  	_ =	shalt  }
0x59: {  	_ =	shalt  }
0x5a: {  	_ =	shalt  }
0x5b: {  	_ =	shalt  }
0x5c: {  	_ =	shalt  }
0x5d: {  	_ =	shalt  }
0x5e: {  	_ =	shalt  }
0x5f: {  	_ =	shalt  }
0x60: {  	_ =	shalt  }
0x61: {  	_ =	shalt  }
0x62: {  	_ =	shalt  }
0x63: {  	_ =	shalt  }
0x64: {  	_ =	shalt  }
0x65: {  	_ =	shalt  }
0x66: {  	_ =	shalt  }
0x67: {  	_ =	shalt  }
0x68: {  	_ =	shalt  }
0x69: {  	_ =	shalt  }
0x6a: {  	_ =	shalt  }
0x6b: {  	_ =	shalt  }
0x6c: {  	_ =	shalt  }
0x6d: {  	_ =	shalt  }
0x6e: {  	_ =	shalt  }
0x6f: {  	_ =	shalt  }
0x70: {  	_ =	shalt  }
0x71: {  	_ =	shalt  }
0x72: {  	_ =	shalt  }
0x73: {  	_ =	shalt  }
0x74: {  	_ =	shalt  }
0x75: {  	_ =	shalt  }
0x76: {  	_ =	shalt  }
0x77: {  	_ =	shalt  }
0x78: {  	_ =	shalt  }
0x79: {  	_ =	shalt  }
0x7a: {  	_ =	shalt  }
0x7b: {  	_ =	shalt  }
0x7c: {  	_ =	shalt  }
0x7d: {  	_ =	shalt  }
0x7e: {  	_ =	shalt  }
0x7f: {  	_ =	shalt  }
0x80: {  	_ =	shalt  }
0x81: {  	_ =	shalt  }
0x82: {  	_ =	shalt  }
0x83: {  	_ =	shalt  }
0x84: {  	_ =	shalt  }
0x85: {  	_ =	shalt  }
0x86: {  	_ =	shalt  }
0x87: {  	_ =	shalt  }
.Lfunc_end0:
.L_simem_size_0:
called_computation_lowered:
.L_overlay_start_0:
0x88: {  	s2 =	sld [smem:$0x3FD9]  }
0x89: {  	s3 =	sld [smem:$0x3FFE];
	_ =	sdelay $0x1  }
0x8a: {  	s1 =	srdreg.scid  }
0x8b: {  	s0 =	sand.u32 $0x1, s1  }
0x8c: {  	s17 =	sshll.u32 s0, $0xA;
	s2 =	sadd.s32 s3, s2  }
0x8d: {  	s2 =	sadd.s32 s2, s17  }
0x8e: {  	[smem:$0x3FC0] =	sst s2  }
0x8f: {  	_ = 	snop  }
0x90: {  	s2 =	sld [smem:$0x3FD0];
	(tm) =	ssettm $0x1  }
0x91: {  	s18 =	sld [smem:$0x3FFB];
	_ =	sdelay $0x3  }
0x92: {  	_ =	strace s18  }
0x93: {  	s3 =	sld [smem:$0x3FFC];
	_ =	sdelay $0x3  }
0x94: {  	_ =	strace s3  }
0x95: {  	s3 =	sld [smem:$0x3FFD];
	_ =	sdelay $0x3  }
0x96: {  	_ =	strace s3  }
0x97: {  	_ =	strace $0x8FFFFFFF  }
0x98: {  	s19 =	sld [smem:$0x3FDB];
	_ =	sdelay $0x1  }
0x99: {  	s4 =	simm.s32 $_scs_section_size  }
0x9a: {  	s5 =	simm.s32 $_size__tile_overlayer_lowered;
	s6 =	simm.s32 $_tile_overlayer_lowered  }
0x9b: {  	s22 =	simm.s32 $0x1BFF;
	s21 =	sshll.u32 s6, $0x1;
	s3 =	sadd.s32 s4, s19  }
0x9c: {  	s7 =	simm.s32 $0x0;
	s20 =	sshll.u32 s5, $0x1;
	s5 =	sadd.s32 s21, s3  }
0x9d: {  	[timem:s7], [sflag:s22] =	dma.local [hbm:s5], s20  }
0x9e: {  	_ =	swait.ge [sflag:s22], s20  }
0x9f: {  	s4 =	ssub.s32 $0x0, s20;
	[sflag:s22] =	ssyncset.done $0x0  }
0xa0: {  	[sflag:s22] =	ssyncadd.s32 s4;
	_ =	sdelay $0x1  }
0xa1: {  	s23 =	simm.s32 $0x1B8B  }
0xa2: {  	_ =	swait.ge [sflag:s23], $0x1  }
0xa3: {  	[sflag:s23] =	ssyncset.done $0x0  }
0xa4: {  	s25 =	simm.s32 $0x1B8E;
	s24 =	sld [smem:$0x3FFE];
	[sflag:s23] =	ssyncadd.s32 $0xFFFFFFFF  }
0xa5: {  	s26 =	simm.s32 $execute0_lowered;
	[smem:$0x3FD2] =	sst s25  }
0xa6: {  	s5 =	sshll.u32 s26, $0x1;
	_ =	strace $0x80000046;
	[dreg:$0x1] =	wrdreg $0xFFFFFFFF  }
0xa7: {  	s28 =	simm.s32 $_size_execute0_lowered;
	s3 =	sadd.s32 s3, s5;
	[dreg:$0x0] =	wrdreg $0x0  }
0xa8: {  	s5 =	sshll.u32 s28, $0x1;
	[dreg:$0x2] =	wrdreg s3  }
0xa9: {  	[dreg:$0x3] =	wrdreg s5  }
0xaa: {  	[dreg:$0x4] =	wrdreg $0xC0  }
0xab: {  	_ =	task [dreg:s7], $0x5FFFF  }
0xac: {  	[dreg:$0x1] =	wrdreg $0xFFFFFFFF  }
0xad: {  	[dreg:$0x0] =	wrdreg $0x60  }
0xae: {  	[dreg:$0x2] =	wrdreg s2  }
0xaf: {  	[dreg:$0x3] =	wrdreg s24  }
0xb0: {  	[dreg:$0x4] =	wrdreg $0x53000  }
0xb1: {  	[dreg:$0x5] =	wrdreg $0x9  }
0xb2: {  	_ =	task.clear_ibuf [dreg:s7], $0x6FFFF;
	_ =	strace $0x90000046  }
0xb3: {  	s29 =	simm.s32 $0x9;
	_ =	strace $0x80000048  }
0xb4: {  	_ =	swait.ge [sflag:s29], $0x1  }
0xb5: {  	[sflag:s29] =	ssyncadd.s32 $0xFFFFFFFF  }
0xb6: {  	_ =	strace $0x90000048  }
0xb7: {  	_ =	sfence  }
0xb8: {  	s30 =	sld [smem:$0x0];
	_ =	sdelay $0x2  }
0xb9: {  	s31 =	sshll.u32 s1, $0xD;
	s1 =	sshrl.u32 s1, $0x2  }
0xba: {  	s3 =	sand.u32 $0x4000, s31;
	s1 =	sadd.s32 s1, s30  }
0xbb: {  	s0 =	sor.u32 s3, s0;
	s1 =	sshll.u32 s1, $0x11  }
0xbc: {  	s0 =	sor.u32 s1, s0  }
0xbd: {  	s0 =	sadd.s32 $0x8F2B, s0  }
0xbe: {  	[sflag:s0] =	ssyncadd.remote.s32 $0x1  }
0xbf: {  	_ =	sfence.sel $0xFFFF  }
0xc0: {  	[dreg:$0x0] =	wrdreg $0xFFFFFFFF;
	(pc) =	sbr.abs _section_cstart, $3  }
0xc1: {  	[dreg:$0x1] =	wrdreg $0xFFFFFFFF  }
0xc2: {  	_ =	task.clear_ibuf [dreg:s7], $0x2FFFF;
	_ =	strace $0x9FFFFFFF  }
0xc3: {  	(tm) =	ssettm $0x7FFFFFFF  }
tec
execute0_lowered:
.L_overlay_start_1:
0x0: {  	(tag) =	ssettag $0x1  }
0x1: {  	s5 =	rddreg [dreg:$0x0]  }
0x2: {  	s4 =	rddreg [dreg:$0x1]  }
0x3: {  	s2 =	rddreg [dreg:$0x2]  }
0x4: {  	s0 =	rddreg [dreg:$0x3];
	s3 =	simm.s32 $0x0;
	s1 =	stileid.u32  }
0x5: {  	s6 =	srdreg.scid;
	s13 =	simm.s32 $0x5000;
	s28 =	smul.u32 $0x9E0, s1  }
0x6: {  	s17 =	simm.s32 $0x0;
	[smem:$0x7FF] =	sst s3;
	s10 =	smul.u32 $0x280, s1  }
0x7: {  	s7 =	sand.u32 $0x1, s6;
	s9 =	sadd.s32 $0x1E00, s4;
	s12 =	smul.u32 $0xA00, s1  }
0x8: {  	s14 =	sadd.s32 $0x2580, s2;
	p0 =	seq.s32 s1, $0xF;
	s8 =	smul.u32 $0x2780, s7  }
0x9: {  	_ =	strace $0x80000047;
	s29 =	ssub.s32 $0x2, s7;
	s31 =	smul.u32 $0x9E00, s7  }
0xa: {  	s14 =	sshrl.u32 @p0 s14, $0x3;
	s15 =	sshll.u32 @!p0 s1, $0x6;
	s11 =	sshrl.u32 s29, $0x1  }
0xb: {  	s6 =	sshrl.u32 s28, $0x2;
	s5 =	sadd.s32 s5, s12;
	s16 =	sadd.s32 s10, s2  }
0xc: {  	s12 =	simm.s32 $0x80;
	s15 =	sor.u32 @!p0 $0x1C01, s15;
	s11 =	ssub.s32 s29, s11  }
0xd: {  	s4 =	sadd.s32 s6, s2;
	s30 =	sadd.s32 s10, s8;
	s8 =	sshrl.u32 s8, $0x3  }
0xe: {  	s10 =	simm.s32 $0x5080;
	s6 =	sshrl.u32 s30, $0x3;
	s8 =	sadd.s32 s9, s8  }
0xf: {  	s16 =	sshrl.u32 @!p0 s16, $0x3;
	s6 =	sadd.s32 s9, s6;
	s7 =	sadd.s32 $0x4B0, s8  }
0x10: {  	v0 =	vimm.f32 $1.000000000e+00;
	v1 =	vimm.f32 $0.0e+00;
	s8 =	smax.u32 s11, $0x1;
	s9 =	sshrl.u32 s31, $0x2;
	s11 =	simm.s32 $0x1  }
.LBB2_1:
0x11: {  	[tilespmem:$0x5000] =	vst v0  }
0x12: {  	[tilespmem:$0x5010] =	vst v0  }
0x13: {  	[tilespmem:$0x5020] =	vst v0  }
0x14: {  	[tilespmem:$0x5030] =	vst v0  }
0x15: {  	[tilespmem:$0x5040] =	vst v0  }
0x16: {  	[tilespmem:$0x5050] =	vst v0  }
0x17: {  	[tilespmem:$0x5060] =	vst v0  }
0x18: {  	[tilespmem:$0x5070] =	vst v0  }
0x19: {  	[tilespmem:$0x5080] =	vst v1  }
0x1a: {  	[tilespmem:$0x5090] =	vst v1  }
0x1b: {  	[tilespmem:$0x50A0] =	vst v1  }
0x1c: {  	[tilespmem:$0x50B0] =	vst v1  }
0x1d: {  	[tilespmem:$0x50C0] =	vst v1  }
0x1e: {  	[tilespmem:$0x50D0] =	vst v1  }
0x1f: {  	[tilespmem:$0x50E0] =	vst v1  }
0x20: {  	[tilespmem:$0x50F0] =	vst v1  }
0x21: {  	[tilespmem:$0x5100] =	vst v1  }
0x22: {  	[tilespmem:$0x5110] =	vst v1  }
0x23: {  	[tilespmem:$0x5120] =	vst v1  }
0x24: {  	[tilespmem:$0x5130] =	vst v1  }
0x25: {  	[tilespmem:$0x5140] =	vst v1  }
0x26: {  	[tilespmem:$0x5150] =	vst v1  }
0x27: {  	[tilespmem:$0x5160] =	vst v1  }
0x28: {  	[tilespmem:$0x5170] =	vst v1  }
0x29: {  	[tilespmem:$0x5180] =	vst v1  }
0x2a: {  	[tilespmem:$0x5190] =	vst v1  }
0x2b: {  	[tilespmem:$0x51A0] =	vst v1  }
0x2c: {  	[tilespmem:$0x51B0] =	vst v1  }
0x2d: {  	[tilespmem:$0x51C0] =	vst v1  }
0x2e: {  	[tilespmem:$0x51D0] =	vst v1  }
0x2f: {  	[tilespmem:$0x51E0] =	vst v1  }
0x30: {  	[tilespmem:$0x51F0] =	vst v1  }
0x31: {  	[tilespmem:$0x5200] =	vst v1  }
0x32: {  	[tilespmem:$0x5210] =	vst v1  }
0x33: {  	[tilespmem:$0x5220] =	vst v1  }
0x34: {  	[tilespmem:$0x5230] =	vst v1  }
0x35: {  	[tilespmem:$0x5240] =	vst v1  }
0x36: {  	[tilespmem:$0x5250] =	vst v1  }
0x37: {  	[tilespmem:$0x5260] =	vst v1  }
0x38: {  	[tilespmem:$0x5270] =	vst v1  }
0x39: {  	[tilespmem:$0x5280] =	vst v1  }
0x3a: {  	[tilespmem:$0x5290] =	vst v1  }
0x3b: {  	[tilespmem:$0x52A0] =	vst v1  }
0x3c: {  	[tilespmem:$0x52B0] =	vst v1  }
0x3d: {  	[tilespmem:$0x52C0] =	vst v1  }
0x3e: {  	[tilespmem:$0x52D0] =	vst v1  }
0x3f: {  	[tilespmem:$0x52E0] =	vst v1  }
0x40: {  	[tilespmem:$0x52F0] =	vst v1  }
0x41: {  	[spmem:s4] =	stream.linear.scatter [tilespmem:s10], [sflag:$0x1], $0x278, $0x38;
	[tilespmem:$0x5578] =	vst v63  }
0x42: {  	_ =	swait.ge [sflag:s11], $0x278  }
0x43: {  	[sflag:s11] =	ssyncset.done $0x0  }
0x44: {  	[sflag:s11] =	ssyncadd.s32 $0xFFFFFD88  }
0x45: {  	[bflag:$0x0] =	sbarrier.arrive $0xFFFF  }
0x46: {  	[tilespmem:s3], [sflag:$0x1] =	stream.linear.gather [hbm4b:s5+s3], $0x4F00, $0x38;
	[tilespmem:$0x5578] =	vst v63  }
0x47: {  	_ =	swait.ge [sflag:s11], $0x4F00  }
0x48: {  	[sflag:s11] =	ssyncset.done $0x0  }
0x49: {  	s18 =	sadd.s32 $0x0, s9;
	[sflag:s11] =	ssyncadd.s32 $0xFFFFB100  }
0x4a: {  	[spmem:s2] =	stream.indirect.scatter.add.f32 [tilespmem:s13], [sflag:$0x1], $0x1, s18, s12, $0xb8;
	[tilespmem:$0x5578] =	vst v63  }
0x4b: {  	s18 =	simm.s32 $0x200;
	_ =	swait.ge [sflag:s11], $0x80  }
.LBB2_2:
0x4c: {  	s19 =	sshra.s32 s18, $0x2;
	[sflag:s11] =	ssyncset.done $0x0;
	p1 =	sne.s32 s18, $0x9C00  }
.Ltmp0:
0x4d: {  	s19 =	sadd.s32 s19, s9;
	[sflag:s11] =	ssyncadd.s32 $0xFFFFFF80;
	(pc) =	sbr.rel @p1 .LBB2_2-.Ltmp0, $3  }
0x4e: {  	[spmem:s2] =	stream.indirect.scatter.add.f32 [tilespmem:s13], [sflag:$0x1], $0x1, s19, s12, $0xb8;
	[tilespmem:$0x5578] =	vst v63  }
0x4f: {  	s18 =	sadd.s32 $0x200, s18;
	_ =	sdelay $0x1  }
0x50: {  	_ =	swait.ge [sflag:s11], $0x80  }
0x51: {  	[sflag:s11] =	ssyncset.done $0x0  }
0x52: {  	[sflag:s11] =	ssyncadd.s32 $0xFFFFFF80  }
0x53: {  	s18 =	simm.s32 @p0 $0x1FC1;
	[bflag:$0x0] =	sbarrier.arrive $0xFFFF  }
0x54: {  	[hbm:s7], [sflag:s18] =	dma.local @p0 [spmem:s14], $0x40  }
0x55: {  	s18 =	simm.s32 @p0 $0x1  }
0x56: {  	s17 =	sadd.s32 $0x1, s17;
	_ =	swait.ge @p0 [sflag:s18], $0x40  }
0x57: {  	p1 =	sne.s32 s17, s8;
	[sflag:s18] =	ssyncset.done @p0 $0x0  }
.Ltmp1:
0x58: {  	[sflag:s18] =	ssyncadd.s32 @p0 $0xFFFFFFC0;
	s18 =	simm.s32 @!p0 $0x1;
	(pc) =	sbr.rel @p1 .LBB2_1-.Ltmp1, $4  }
0x59: {  	[hbm:s6], [sflag:s15] =	dma.local @!p0 [spmem:s16], $0x50  }
0x5a: {  	_ =	swait.ge @!p0 [sflag:s18], $0x50  }
0x5b: {  	[sflag:s18] =	ssyncset.done @!p0 $0x0  }
0x5c: {  	[sflag:s18] =	ssyncadd.s32 @!p0 $0xFFFFFFB0  }
0x5d: {  	_ =	sfence.sel $0x180000  }
0x5e: {  	[bflag:$0x0] =	sbarrier.arrive $0xFFFF  }
0x5f: {  	p0 =	sne.s32 s1, $0x0;
	_ =	strace $0x90000047  }
0x60: {  	s0 =	sadd.s32 @!p0 $0x100000, s0;
	[bflag:$0x2] =	sbarrier.arrive $0xFFFF  }
0x61: {  	[sflag:s0] =	ssyncadd.tile.s32 @!p0 $0x1;
	_ =	shalt  }
.Lfunc_end2:
_tile_overlayer_lowered:
.L_overlay_start_2:
0x62: {  	(tag) =	ssettag $0x2  }
0x63: {  	s0 =	rddreg [dreg:$0x0];
	s2 =	stileid.u32  }
0x64: {  	s1 =	rddreg [dreg:$0x1];
	p0 =	sne.s32 s2, $0x0  }
0x65: {  	s3 =	rddreg [dreg:$0x2];
	[bflag:$0x3] =	sbarrier.arrive $0xFFFF;
	s2 =	simm.s32 @!p0 $0x1C01  }
0x66: {  	[timem:s3], [sflag:s2] =	dma.local @!p0 [hbm:s0], s1  }
0x67: {  	s0 =	simm.s32 @!p0 $0x1  }
0x68: {  	_ =	swait.ge @!p0 [sflag:s0], s1  }
0x69: {  	s1 =	ssub.s32 @!p0 $0x0, s1;
	[sflag:s0] =	ssyncset.done @!p0 $0x0  }
0x6a: {  	[sflag:s0] =	ssyncadd.s32 @!p0 s1  }
0x6b: {  	[bflag:$0x3] =	sbarrier.arrive $0xFFFF  }
0x6c: {  	_ =	shalt  }

</sc_bundles>
